<compile_context>
chip_gen: v7x
topology: tpu7x:2x2x1
jax: 0.10.2.dev20260603
libtpu: 0.0.44.dev20260713+nightly
codegen_flags: <defaults>
</compile_context>

<pallas_src>
import functools

import jax
import jax.numpy as jnp
from jax import lax
from jax.experimental import pallas as pl
from jax.experimental.pallas import tpu as pltpu
from jax.experimental.pallas import tpu_sc as plsc

_N = 10000
_E = 320000
_D = 128
_NC = 2
_NS = 16
_NW = _NC * _NS
_EW = _E // _NW
_CH = 80
_NCHUNK = _EW // _CH
_RPT = 624
_RPT_LAST = _N - (_NS - 1) * _RPT
_BN = 5000
_EPS_SCALE = float(1.0 / (1.0 + 1e-5) ** 0.5)


def _sc_mesh():
    return plsc.VectorSubcoreMesh(
        core_axis_name="c", subcore_axis_name="s",
        num_cores=_NC, num_subcores=_NS)



def _sc_degrees(src3, dst3, zeros_n):
    @functools.partial(
        pl.kernel,
        out_type=tuple(jax.ShapeDtypeStruct((_N,), jnp.float32)
                       for _ in range(2 * _NC)),
        mesh=_sc_mesh(),
        scratch_types=[
            pltpu.VMEM((_NCHUNK, _CH), jnp.int32),
            pltpu.VMEM((_NCHUNK, _CH), jnp.int32),
            pltpu.VMEM((_CH,), jnp.float32),
            pltpu.VMEM_SHARED((_N,), jnp.float32),
            pltpu.VMEM_SHARED((_N,), jnp.float32),
            pltpu.SemaphoreType.DMA,
            pltpu.SemaphoreType.DMA,
        ],
    )
    def deg_kernel(src_hbm, dst_hbm, zeros_hbm, dout0_hbm, din0_hbm,
                   dout1_hbm, din1_hbm, sidx, didx, ones_v, acc_o, acc_i,
                   semo, semi):
        c = lax.axis_index("c")
        s = lax.axis_index("s")
        wid = s * _NC + c
        pltpu.sync_copy(src_hbm.at[wid], sidx)
        pltpu.sync_copy(dst_hbm.at[wid], didx)
        for j in range(_CH // 16):
            ones_v[pl.ds(j * 16, 16)] = jnp.full((16,), 1.0, jnp.float32)

        @pl.when(s == 0)
        def _():
            pltpu.sync_copy(zeros_hbm, acc_o)
            pltpu.sync_copy(zeros_hbm, acc_i)

        plsc.subcore_barrier()

        def body(i, carry):
            @pl.when(i > 0)
            def _():
                pltpu.make_async_copy(ones_v, acc_o.at[sidx.at[i - 1]],
                                      semo).wait()
                pltpu.make_async_copy(ones_v, acc_i.at[didx.at[i - 1]],
                                      semi).wait()

            pltpu.async_copy(ones_v, acc_o.at[sidx.at[i]], semo, add=True)
            pltpu.async_copy(ones_v, acc_i.at[didx.at[i]], semi, add=True)
            return carry

        lax.fori_loop(0, _NCHUNK, body, 0)
        pltpu.make_async_copy(ones_v, acc_o.at[sidx.at[_NCHUNK - 1]],
                              semo).wait()
        pltpu.make_async_copy(ones_v, acc_i.at[didx.at[_NCHUNK - 1]],
                              semi).wait()
        plsc.subcore_barrier()

        @pl.when((s == 0) & (c == 0))
        def _():
            pltpu.sync_copy(acc_o, dout0_hbm)
            pltpu.sync_copy(acc_i, din0_hbm)

        @pl.when((s == 0) & (c == 1))
        def _():
            pltpu.sync_copy(acc_o, dout1_hbm)
            pltpu.sync_copy(acc_i, din1_hbm)

    return deg_kernel(src3, dst3, zeros_n)



def _sc_scatter(xs, src1, dst3, zeros_rows):
    @functools.partial(
        pl.kernel,
        out_type=tuple(jax.ShapeDtypeStruct((_N, _D), jnp.float32)
                       for _ in range(_NC)),
        mesh=_sc_mesh(),
        scratch_types=[
            pltpu.VMEM((_EW,), jnp.int32),
            pltpu.VMEM((_NCHUNK, _CH), jnp.int32),
            pltpu.VMEM((_CH, _D), jnp.float32),
            pltpu.VMEM((_CH, _D), jnp.float32),
            pltpu.VMEM_SHARED((_N, _D), jnp.float32),
            pltpu.SemaphoreType.DMA,
            pltpu.SemaphoreType.DMA,
            pltpu.SemaphoreType.DMA,
            pltpu.SemaphoreType.DMA,
        ],
    )
    def scat_kernel(xs_hbm, src_hbm, dst_hbm, zeros_hbm, out0_hbm, out1_hbm,
                    sidx, didx, rows0, rows1, acc, gsem0, gsem1, ssem0, ssem1):
        c = lax.axis_index("c")
        s = lax.axis_index("s")
        wid = s * _NC + c
        off = pl.multiple_of(s * _RPT, 8)
        cp_s = pltpu.async_copy(src_hbm.at[wid], sidx, gsem0)
        cp_d = pltpu.async_copy(dst_hbm.at[wid], didx, gsem1)

        @pl.when(s < _NS - 1)
        def _():
            pltpu.async_copy(zeros_hbm.at[pl.ds(0, _RPT)],
                             acc.at[pl.ds(off, _RPT)], ssem0)
            pltpu.make_async_copy(zeros_hbm.at[pl.ds(0, _RPT)],
                                  acc.at[pl.ds(off, _RPT)], ssem0).wait()

        @pl.when(s == _NS - 1)
        def _():
            pltpu.async_copy(zeros_hbm, acc.at[pl.ds(off, _RPT_LAST)], ssem0)
            pltpu.make_async_copy(zeros_hbm, acc.at[pl.ds(off, _RPT_LAST)],
                                  ssem0).wait()

        cp_s.wait()
        cp_d.wait()
        plsc.subcore_barrier()

        def gidx(i):
            return sidx.at[pl.ds(i * _CH, _CH)]

        pltpu.async_copy(xs_hbm.at[gidx(0)], rows0, gsem0)

        def body(j, carry):
            i0 = 2 * j
            i1 = i0 + 1

            @pl.when(j > 0)
            def _():
                pltpu.make_async_copy(rows1, acc.at[didx.at[i0 - 1]],
                                      ssem1).wait()

            pltpu.async_copy(xs_hbm.at[gidx(i1)], rows1, gsem1)
            pltpu.make_async_copy(xs_hbm.at[gidx(i0)], rows0, gsem0).wait()
            pltpu.async_copy(rows0, acc.at[didx.at[i0]], ssem0, add=True)
            pltpu.make_async_copy(rows0, acc.at[didx.at[i0]], ssem0).wait()

            @pl.when(i0 + 2 < _NCHUNK)
            def _():
                pltpu.async_copy(xs_hbm.at[gidx(i0 + 2)], rows0, gsem0)

            pltpu.make_async_copy(xs_hbm.at[gidx(i1)], rows1, gsem1).wait()
            pltpu.async_copy(rows1, acc.at[didx.at[i1]], ssem1, add=True)
            return carry

        lax.fori_loop(0, _NCHUNK // 2, body, 0)
        pltpu.make_async_copy(rows1, acc.at[didx.at[_NCHUNK - 2]],
                              ssem1).wait()
        pltpu.make_async_copy(xs_hbm.at[gidx(_NCHUNK - 1)], rows0,
                              gsem0).wait()
        pltpu.sync_copy(rows0, acc.at[didx.at[_NCHUNK - 1]], add=True)
        plsc.subcore_barrier()

        def copy_out(out_hbm):
            @pl.when(s < _NS - 1)
            def _():
                pltpu.sync_copy(acc.at[pl.ds(off, _RPT)],
                                out_hbm.at[pl.ds(off, _RPT)])

            @pl.when(s == _NS - 1)
            def _():
                pltpu.sync_copy(acc.at[pl.ds(off, _RPT_LAST)],
                                out_hbm.at[pl.ds(off, _RPT_LAST)])

        @pl.when(c == 0)
        def _():
            copy_out(out0_hbm)

        @pl.when(c == 1)
        def _():
            copy_out(out1_hbm)

    return scat_kernel(xs, src1, dst3, zeros_rows)



def _embed_body(h_ref, w_ref, b_ref, dout_ref, x_ref, xs_ref):
    x = jnp.dot(h_ref[...], w_ref[...],
                preferred_element_type=jnp.float32) + b_ref[...]
    deg = dout_ref[:, 0] + dout_ref[:, 1]
    nsrc = lax.rsqrt(jnp.where(deg > 0.0, deg, 1.0))
    x_ref[...] = x
    xs_ref[...] = x * nsrc[:, None]


def _tc_embed(h, w, b2, dout):
    return pl.pallas_call(
        _embed_body,
        grid=(_N // _BN,),
        in_specs=[
            pl.BlockSpec((_BN, _D), lambda i: (i, 0)),
            pl.BlockSpec((_D, _D), lambda i: (0, 0)),
            pl.BlockSpec((1, _D), lambda i: (0, 0)),
            pl.BlockSpec((_BN, _NC), lambda i: (i, 0)),
        ],
        out_specs=[
            pl.BlockSpec((_BN, _D), lambda i: (i, 0)),
            pl.BlockSpec((_BN, _D), lambda i: (i, 0)),
        ],
        out_shape=[jax.ShapeDtypeStruct((_N, _D), jnp.float32)] * 2,
    )(h, w, b2, dout)



def _layer_body(p0_ref, p1_ref, xin_ref, din_ref, snn_ref, w_ref,
                b_ref, gm_ref, bt_ref, dout_ref, xo_ref, xso_ref):
    dsum = din_ref[:, 0] + din_ref[:, 1]
    ndst = lax.rsqrt(jnp.where(dsum > 0.0, dsum, 1.0))
    agg = (p0_ref[...] + p1_ref[...]) * ndst[:, None]
    y = jnp.dot(agg, w_ref[...],
                preferred_element_type=jnp.float32) + b_ref[...]
    y = y * snn_ref[...]
    y = y * (gm_ref[...] * _EPS_SCALE) + bt_ref[...]
    y = jnp.maximum(y, 0.0)
    x = xin_ref[...] + y
    osum = dout_ref[:, 0] + dout_ref[:, 1]
    nsrc = lax.rsqrt(jnp.where(osum > 0.0, osum, 1.0))
    xo_ref[...] = x
    xso_ref[...] = x * nsrc[:, None]


def _tc_layer(p0, p1, x, din, snn, w, b2, gm2, bt2, dout):
    return pl.pallas_call(
        _layer_body,
        grid=(_N // _BN,),
        in_specs=[
            pl.BlockSpec((_BN, _D), lambda i: (i, 0)),
            pl.BlockSpec((_BN, _D), lambda i: (i, 0)),
            pl.BlockSpec((_BN, _D), lambda i: (i, 0)),
            pl.BlockSpec((_BN, _NC), lambda i: (i, 0)),
            pl.BlockSpec((_BN, 1), lambda i: (i, 0)),
            pl.BlockSpec((_D, _D), lambda i: (0, 0)),
            pl.BlockSpec((1, _D), lambda i: (0, 0)),
            pl.BlockSpec((1, _D), lambda i: (0, 0)),
            pl.BlockSpec((1, _D), lambda i: (0, 0)),
            pl.BlockSpec((_BN, _NC), lambda i: (i, 0)),
        ],
        out_specs=[
            pl.BlockSpec((_BN, _D), lambda i: (i, 0)),
            pl.BlockSpec((_BN, _D), lambda i: (i, 0)),
        ],
        out_shape=[jax.ShapeDtypeStruct((_N, _D), jnp.float32)] * 2,
    )(p0, p1, x, din, snn, w, b2, gm2, bt2, dout)



def _last_body(p0_ref, p1_ref, xin_ref, din_ref, snn_ref, w_ref,
               b_ref, gm_ref, bt_ref, wm0_ref, bm0_ref, wm1_ref, bm1_ref,
               wm2_ref, bm2_ref, o_ref, acc_ref):
    dsum = din_ref[:, 0] + din_ref[:, 1]
    ndst = lax.rsqrt(jnp.where(dsum > 0.0, dsum, 1.0))
    agg = (p0_ref[...] + p1_ref[...]) * ndst[:, None]
    y = jnp.dot(agg, w_ref[...],
                preferred_element_type=jnp.float32) + b_ref[...]
    y = y * snn_ref[...]
    y = y * (gm_ref[...] * _EPS_SCALE) + bt_ref[...]
    y = jnp.maximum(y, 0.0)
    x = xin_ref[...] + y
    i = pl.program_id(0)

    @pl.when(i == 0)
    def _():
        acc_ref[...] = jnp.zeros_like(acc_ref)

    acc_ref[...] += jnp.sum(x, axis=0, keepdims=True)

    @pl.when(i == pl.num_programs(0) - 1)
    def _():
        hg = acc_ref[...] * (1.0 / _N)
        z = jnp.dot(hg, wm0_ref[...], preferred_element_type=jnp.float32)
        z = jnp.maximum(z + bm0_ref[...], 0.0)
        z = jnp.dot(z, wm1_ref[...], preferred_element_type=jnp.float32)
        z = jnp.maximum(z + bm1_ref[...], 0.0)
        z = jnp.dot(z, wm2_ref[...], preferred_element_type=jnp.float32)
        o_ref[...] = z + bm2_ref[...]


def _tc_last(p0, p1, x, din, snn, w, b2, gm2, bt2,
             wm0, bm0, wm1, bm1, wm2, bm2):
    return pl.pallas_call(
        _last_body,
        grid=(_N // _BN,),
        in_specs=[
            pl.BlockSpec((_BN, _D), lambda i: (i, 0)),
            pl.BlockSpec((_BN, _D), lambda i: (i, 0)),
            pl.BlockSpec((_BN, _D), lambda i: (i, 0)),
            pl.BlockSpec((_BN, _NC), lambda i: (i, 0)),
            pl.BlockSpec((_BN, 1), lambda i: (i, 0)),
            pl.BlockSpec((_D, _D), lambda i: (0, 0)),
            pl.BlockSpec((1, _D), lambda i: (0, 0)),
            pl.BlockSpec((1, _D), lambda i: (0, 0)),
            pl.BlockSpec((1, _D), lambda i: (0, 0)),
            pl.BlockSpec(wm0.shape, lambda i: (0, 0)),
            pl.BlockSpec(bm0.shape, lambda i: (0, 0)),
            pl.BlockSpec(wm1.shape, lambda i: (0, 0)),
            pl.BlockSpec(bm1.shape, lambda i: (0, 0)),
            pl.BlockSpec(wm2.shape, lambda i: (0, 0)),
            pl.BlockSpec(bm2.shape, lambda i: (0, 0)),
        ],
        out_specs=pl.BlockSpec((1, 10), lambda i: (0, 0)),
        out_shape=jax.ShapeDtypeStruct((1, 10), jnp.float32),
        scratch_shapes=[pltpu.VMEM((1, _D), jnp.float32)],
    )(p0, p1, x, din, snn, w, b2, gm2, bt2,
      wm0, bm0, wm1, bm1, wm2, bm2)


def kernel(edge_index, h, e, snorm_n, snorm_e, W_emb, b_emb,
           W0, b0, gamma0, beta0, W1, b1, gamma1, beta1,
           W2, b2, gamma2, beta2, W3, b3, gamma3, beta3,
           Wm0, bm0, Wm1, bm1, Wm2, bm2):
    src1 = edge_index[0].reshape(_NW, _EW)
    src3 = edge_index[0].reshape(_NW, _NCHUNK, _CH)
    dst3 = edge_index[1].reshape(_NW, _NCHUNK, _CH)
    zeros_n = jnp.zeros((_N,), jnp.float32)
    zeros_rows = jnp.zeros((_RPT_LAST, _D), jnp.float32)

    dout0, din0, dout1, din1 = _sc_degrees(src3, dst3, zeros_n)
    dout = jnp.stack([dout0, dout1], axis=1)
    din = jnp.stack([din0, din1], axis=1)
    x, xs = _tc_embed(h, W_emb, b_emb.reshape(1, _D), dout)
    for w, b, gm, bt in ((W0, b0, gamma0, beta0), (W1, b1, gamma1, beta1),
                         (W2, b2, gamma2, beta2)):
        part0, part1 = _sc_scatter(xs, src1, dst3, zeros_rows)
        x, xs = _tc_layer(part0, part1, x, din, snorm_n,
                          w, b.reshape(1, _D), gm.reshape(1, _D),
                          bt.reshape(1, _D), dout)
    part0, part1 = _sc_scatter(xs, src1, dst3, zeros_rows)
    return _tc_last(part0, part1, x, din, snorm_n,
                    W3, b3.reshape(1, _D), gamma3.reshape(1, _D),
                    beta3.reshape(1, _D), Wm0, bm0.reshape(1, -1),
                    Wm1, bm1.reshape(1, -1), Wm2, bm2.reshape(1, -1))

# --- scband reference (transcript-rebuilt; emitter-appended) ---
"""Pipeline reference for scband-gcnnet-55946243998343 (READ-ONLY COPY).

The authoritative reference and input builder live on the scoring server;
editing this copy changes nothing except your own understanding.
"""

import jax, jax.numpy as jnp
import numpy as np

N = 10000
E = 320000
IN_DIM = 128
HID = 128
OUT = 128
N_CLASSES = 10


def _lin_init(key, fan_in, fan_out):
    return jax.random.normal(key, (fan_in, fan_out), jnp.float32) * (1.0 / np.sqrt(fan_in))


def setup_inputs(seed: int = 0) -> dict:
    key = jax.random.key(seed)
    ks = jax.random.split(key, 32)
    inp = {}
    inp["edge_index"] = jax.random.randint(ks[0], (2, E), 0, N, dtype=jnp.int32)
    inp["h"] = jax.random.normal(ks[1], (N, IN_DIM), jnp.float32)
    inp["e"] = jax.random.normal(ks[2], (E, 4), jnp.float32)
    inp["snorm_n"] = jax.random.uniform(ks[3], (N, 1), jnp.float32)
    inp["snorm_e"] = jax.random.uniform(ks[4], (E, 1), jnp.float32)
    inp["W_emb"] = _lin_init(ks[5], IN_DIM, HID)
    inp["b_emb"] = jnp.zeros((HID,), jnp.float32)
    dims = [(HID, HID), (HID, HID), (HID, HID), (HID, OUT)]
    for i, (di, do) in enumerate(dims):
        inp[f"W{i}"] = _lin_init(ks[6 + i], di, do)
        inp[f"b{i}"] = jnp.zeros((do,), jnp.float32)
        inp[f"gamma{i}"] = jnp.ones((do,), jnp.float32)
        inp[f"beta{i}"] = jnp.zeros((do,), jnp.float32)
    inp["Wm0"] = _lin_init(ks[20], OUT, OUT // 2)
    inp["bm0"] = jnp.zeros((OUT // 2,), jnp.float32)
    inp["Wm1"] = _lin_init(ks[21], OUT // 2, OUT // 4)
    inp["bm1"] = jnp.zeros((OUT // 4,), jnp.float32)
    inp["Wm2"] = _lin_init(ks[22], OUT // 4, N_CLASSES)
    inp["bm2"] = jnp.zeros((N_CLASSES,), jnp.float32)
    return inp


def reference(edge_index, h, e, snorm_n, snorm_e, W_emb, b_emb,
              W0, b0, gamma0, beta0, W1, b1, gamma1, beta1,
              W2, b2, gamma2, beta2, W3, b3, gamma3, beta3,
              Wm0, bm0, Wm1, bm1, Wm2, bm2):
    src = edge_index[0]
    dst = edge_index[1]
    ones_e = jnp.ones((E,), jnp.float32)
    deg_out = jax.ops.segment_sum(ones_e, src, num_segments=N)
    deg_in = jax.ops.segment_sum(ones_e, dst, num_segments=N)
    norm_src = jnp.where(deg_out > 0, deg_out, 1.0) ** -0.5
    norm_dst = jnp.where(deg_in > 0, deg_in, 1.0) ** -0.5
    eps = 1e-5

    def conv(x, W, b):
        # DGL GraphConv with norm='both': D_out^{-1/2} A D_in^{-1/2} x W + b
        x = x * norm_src[:, None]
        agg = jax.ops.segment_sum(x[src], dst, num_segments=N)
        agg = agg * norm_dst[:, None]
        return agg @ W + b

    def gcn_layer(x, W, b, gm, bt):
        x_in = x
        x = conv(x, W, b)
        x = x * snorm_n  # graph_norm
        # batch_norm (inference mode, running_mean=0, running_var=1)
        x = x / jnp.sqrt(1.0 + eps) * gm + bt
        x = jax.nn.relu(x)
        x = x_in + x  # residual
        return x

    x = h @ W_emb + b_emb  # embedding_h (dropout p=0 is identity)
    x = gcn_layer(x, W0, b0, gamma0, beta0)
    x = gcn_layer(x, W1, b1, gamma1, beta1)
    x = gcn_layer(x, W2, b2, gamma2, beta2)
    x = gcn_layer(x, W3, b3, gamma3, beta3)
    hg = jnp.mean(x, axis=0, keepdims=True)  # dgl.mean_nodes, single graph
    y = jax.nn.relu(hg @ Wm0 + bm0)  # MLPReadout, L=2
    y = jax.nn.relu(y @ Wm1 + bm1)
    y = y @ Wm2 + bm2
    return y

if __name__ == "__main__":
    import jax
    _d = setup_inputs()
    print(jax.jit(kernel)(*tuple(_d.values())))

</pallas_src>

<mosaic_0001>
#map = affine_map<(d0, d1) -> (0, 0, 0)>
#map1 = affine_map<(d0, d1) -> (0)>
module attributes {stable_mosaic.version = 14 : i64} {
  func.func @deg_kernel(%arg0: i32, %arg1: i32, %arg2: memref<32x125x80xi32, #tpu.memory_space<hbm>>, %arg3: memref<32x125x80xi32, #tpu.memory_space<hbm>>, %arg4: memref<10000xf32, #tpu.memory_space<hbm>>, %arg5: memref<10000xf32, #tpu.memory_space<hbm>>, %arg6: memref<10000xf32, #tpu.memory_space<hbm>>, %arg7: memref<10000xf32, #tpu.memory_space<hbm>>, %arg8: memref<10000xf32, #tpu.memory_space<hbm>>, %arg9: memref<125x80xi32, #tpu.memory_space<vmem>>, %arg10: memref<125x80xi32, #tpu.memory_space<vmem>>, %arg11: memref<80xf32, #tpu.memory_space<vmem>>, %arg12: memref<10000xf32, #tpu.memory_space<vmem_shared>>, %arg13: memref<10000xf32, #tpu.memory_space<vmem_shared>>, %arg14: memref<!tpu.dma_semaphore, #tpu.memory_space<semaphore_mem>>, %arg15: memref<!tpu.dma_semaphore, #tpu.memory_space<semaphore_mem>>) attributes {dimension_semantics = [#tpu.dimension_semantics<core_parallel>, #tpu.dimension_semantics<subcore_parallel>], iteration_bounds = array<i64: 2, 16>, scalar_prefetch = 0 : i64, scratch_operands = 7 : i64, tpu.core_type = #tpu.core_type<sc_vector_subcore>, window_params = [{transform_indices = #map}, {transform_indices = #map}, {transform_indices = #map1}, {transform_indices = #map1}, {transform_indices = #map1}, {transform_indices = #map1}, {transform_indices = #map1}]} {
    %mul3A = arith.constant 2 : i32
    %mul3A_0 = arith.muli %arg1, %mul3A : i32
    %add3A = arith.addi %mul3A_0, %arg0 : i32
    "tpu.region"() ({
      %run_scoped3A = tpu.sem_alloc : memref<!tpu.dma_semaphore, #tpu.memory_space<semaphore_mem>>
      %dma_start3A = arith.constant 0 : i32
      %dma_start3A_63 = arith.constant 0 : i32
      %dma_start3A_64 = tpu.memref_slice %arg2[%add3A, %dma_start3A, %dma_start3A_63] : memref<32x125x80xi32, #tpu.memory_space<hbm>> -> memref<1x125x80xi32, #tpu.memory_space<hbm>>
      %dma_start3A_65 = tpu.memref_squeeze %dma_start3A_64 : memref<1x125x80xi32, #tpu.memory_space<hbm>> -> memref<125x80xi32, #tpu.memory_space<hbm>>
      %dma_start3A_66 = arith.constant 0 : i32
      %dma_start3A_67 = arith.constant 0 : i32
      %dma_start3A_68 = tpu.memref_slice %arg2[%add3A, %dma_start3A_66, %dma_start3A_67] : memref<32x125x80xi32, #tpu.memory_space<hbm>> -> memref<1x125x80xi32, #tpu.memory_space<hbm>>
      %dma_start3A_69 = tpu.memref_squeeze %dma_start3A_68 : memref<1x125x80xi32, #tpu.memory_space<hbm>> -> memref<125x80xi32, #tpu.memory_space<hbm>>
      tpu.enqueue_dma source(%dma_start3A_69 : memref<125x80xi32, #tpu.memory_space<hbm>>) target(%arg9 : memref<125x80xi32, #tpu.memory_space<vmem>>) target_semaphore(%run_scoped3A : memref<!tpu.dma_semaphore, #tpu.memory_space<semaphore_mem>>)
      %dma_wait3A_70 = arith.constant 0 : i32
      %dma_wait3A_71 = arith.constant 0 : i32
      %dma_wait3A_72 = tpu.memref_slice %arg2[%add3A, %dma_wait3A_70, %dma_wait3A_71] : memref<32x125x80xi32, #tpu.memory_space<hbm>> -> memref<1x125x80xi32, #tpu.memory_space<hbm>>
      %dma_wait3A_73 = tpu.memref_squeeze %dma_wait3A_72 : memref<1x125x80xi32, #tpu.memory_space<hbm>> -> memref<125x80xi32, #tpu.memory_space<hbm>>
      %dma_wait3A_74 = arith.constant 0 : i32
      %dma_wait3A_75 = arith.constant 0 : i32
      %dma_wait3A_76 = tpu.memref_slice %arg2[%add3A, %dma_wait3A_74, %dma_wait3A_75] : memref<32x125x80xi32, #tpu.memory_space<hbm>> -> memref<1x125x80xi32, #tpu.memory_space<hbm>>
      %dma_wait3A_77 = tpu.memref_squeeze %dma_wait3A_76 : memref<1x125x80xi32, #tpu.memory_space<hbm>> -> memref<125x80xi32, #tpu.memory_space<hbm>>
      tpu.wait_dma2 semaphore(%run_scoped3A : memref<!tpu.dma_semaphore, #tpu.memory_space<semaphore_mem>>) src(%dma_wait3A_77 : memref<125x80xi32, #tpu.memory_space<hbm>>) dst(%arg9 : memref<125x80xi32, #tpu.memory_space<vmem>>)
      tpu.yield
    }) : () -> ()
    "tpu.region"() ({
      %run_scoped3A = tpu.sem_alloc : memref<!tpu.dma_semaphore, #tpu.memory_space<semaphore_mem>>
      %dma_start3A = arith.constant 0 : i32
      %dma_start3A_63 = arith.constant 0 : i32
      %dma_start3A_64 = tpu.memref_slice %arg3[%add3A, %dma_start3A, %dma_start3A_63] : memref<32x125x80xi32, #tpu.memory_space<hbm>> -> memref<1x125x80xi32, #tpu.memory_space<hbm>>
      %dma_start3A_65 = tpu.memref_squeeze %dma_start3A_64 : memref<1x125x80xi32, #tpu.memory_space<hbm>> -> memref<125x80xi32, #tpu.memory_space<hbm>>
      %dma_start3A_66 = arith.constant 0 : i32
      %dma_start3A_67 = arith.constant 0 : i32
      %dma_start3A_68 = tpu.memref_slice %arg3[%add3A, %dma_start3A_66, %dma_start3A_67] : memref<32x125x80xi32, #tpu.memory_space<hbm>> -> memref<1x125x80xi32, #tpu.memory_space<hbm>>
      %dma_start3A_69 = tpu.memref_squeeze %dma_start3A_68 : memref<1x125x80xi32, #tpu.memory_space<hbm>> -> memref<125x80xi32, #tpu.memory_space<hbm>>
      tpu.enqueue_dma source(%dma_start3A_69 : memref<125x80xi32, #tpu.memory_space<hbm>>) target(%arg10 : memref<125x80xi32, #tpu.memory_space<vmem>>) target_semaphore(%run_scoped3A : memref<!tpu.dma_semaphore, #tpu.memory_space<semaphore_mem>>)
      %dma_wait3A_70 = arith.constant 0 : i32
      %dma_wait3A_71 = arith.constant 0 : i32
      %dma_wait3A_72 = tpu.memref_slice %arg3[%add3A, %dma_wait3A_70, %dma_wait3A_71] : memref<32x125x80xi32, #tpu.memory_space<hbm>> -> memref<1x125x80xi32, #tpu.memory_space<hbm>>
      %dma_wait3A_73 = tpu.memref_squeeze %dma_wait3A_72 : memref<1x125x80xi32, #tpu.memory_space<hbm>> -> memref<125x80xi32, #tpu.memory_space<hbm>>
      %dma_wait3A_74 = arith.constant 0 : i32
      %dma_wait3A_75 = arith.constant 0 : i32
      %dma_wait3A_76 = tpu.memref_slice %arg3[%add3A, %dma_wait3A_74, %dma_wait3A_75] : memref<32x125x80xi32, #tpu.memory_space<hbm>> -> memref<1x125x80xi32, #tpu.memory_space<hbm>>
      %dma_wait3A_77 = tpu.memref_squeeze %dma_wait3A_76 : memref<1x125x80xi32, #tpu.memory_space<hbm>> -> memref<125x80xi32, #tpu.memory_space<hbm>>
      tpu.wait_dma2 semaphore(%run_scoped3A : memref<!tpu.dma_semaphore, #tpu.memory_space<semaphore_mem>>) src(%dma_wait3A_77 : memref<125x80xi32, #tpu.memory_space<hbm>>) dst(%arg10 : memref<125x80xi32, #tpu.memory_space<vmem>>)
      tpu.yield
    }) : () -> ()
    %broadcast_in_dim3A = arith.constant 1.000000e+00 : f32
    %broadcast_in_dim3A_1 = vector.broadcast %broadcast_in_dim3A : f32 to vector<16xf32>
    %swap3A = arith.constant 0 : index
    %swap3A_2 = tpu.vector_load %arg11[%swap3A] {strides = array<i32>} : memref<80xf32, #tpu.memory_space<vmem>>, vector<16xf32>,
    %swap3A_3 = vector.shape_cast %swap3A_2 : vector<16xf32> to vector<16xf32>
    %swap3A_4 = vector.shape_cast %broadcast_in_dim3A_1 : vector<16xf32> to vector<16xf32>
    tpu.vector_store %arg11[%swap3A], %swap3A_4 {strides = array<i32>} : memref<80xf32, #tpu.memory_space<vmem>>, vector<16xf32>,
    %broadcast_in_dim3A_5 = arith.constant 1.000000e+00 : f32
    %broadcast_in_dim3A_6 = vector.broadcast %broadcast_in_dim3A_5 : f32 to vector<16xf32>
    %swap3A_7 = arith.constant 16 : index
    %swap3A_8 = tpu.vector_load %arg11[%swap3A_7] {strides = array<i32>} : memref<80xf32, #tpu.memory_space<vmem>>, vector<16xf32>,
    %swap3A_9 = vector.shape_cast %swap3A_8 : vector<16xf32> to vector<16xf32>
    %swap3A_10 = vector.shape_cast %broadcast_in_dim3A_6 : vector<16xf32> to vector<16xf32>
    tpu.vector_store %arg11[%swap3A_7], %swap3A_10 {strides = array<i32>} : memref<80xf32, #tpu.memory_space<vmem>>, vector<16xf32>,
    %broadcast_in_dim3A_11 = arith.constant 1.000000e+00 : f32
    %broadcast_in_dim3A_12 = vector.broadcast %broadcast_in_dim3A_11 : f32 to vector<16xf32>
    %swap3A_13 = arith.constant 32 : index
    %swap3A_14 = tpu.vector_load %arg11[%swap3A_13] {strides = array<i32>} : memref<80xf32, #tpu.memory_space<vmem>>, vector<16xf32>,
    %swap3A_15 = vector.shape_cast %swap3A_14 : vector<16xf32> to vector<16xf32>
    %swap3A_16 = vector.shape_cast %broadcast_in_dim3A_12 : vector<16xf32> to vector<16xf32>
    tpu.vector_store %arg11[%swap3A_13], %swap3A_16 {strides = array<i32>} : memref<80xf32, #tpu.memory_space<vmem>>, vector<16xf32>,
    %broadcast_in_dim3A_17 = arith.constant 1.000000e+00 : f32
    %broadcast_in_dim3A_18 = vector.broadcast %broadcast_in_dim3A_17 : f32 to vector<16xf32>
    %swap3A_19 = arith.constant 48 : index
    %swap3A_20 = tpu.vector_load %arg11[%swap3A_19] {strides = array<i32>} : memref<80xf32, #tpu.memory_space<vmem>>, vector<16xf32>,
    %swap3A_21 = vector.shape_cast %swap3A_20 : vector<16xf32> to vector<16xf32>
    %swap3A_22 = vector.shape_cast %broadcast_in_dim3A_18 : vector<16xf32> to vector<16xf32>
    tpu.vector_store %arg11[%swap3A_19], %swap3A_22 {strides = array<i32>} : memref<80xf32, #tpu.memory_space<vmem>>, vector<16xf32>,
    %broadcast_in_dim3A_23 = arith.constant 1.000000e+00 : f32
    %broadcast_in_dim3A_24 = vector.broadcast %broadcast_in_dim3A_23 : f32 to vector<16xf32>
    %swap3A_25 = arith.constant 64 : index
    %swap3A_26 = tpu.vector_load %arg11[%swap3A_25] {strides = array<i32>} : memref<80xf32, #tpu.memory_space<vmem>>, vector<16xf32>,
    %swap3A_27 = vector.shape_cast %swap3A_26 : vector<16xf32> to vector<16xf32>
    %swap3A_28 = vector.shape_cast %broadcast_in_dim3A_24 : vector<16xf32> to vector<16xf32>
    tpu.vector_store %arg11[%swap3A_25], %swap3A_28 {strides = array<i32>} : memref<80xf32, #tpu.memory_space<vmem>>, vector<16xf32>,
    %eq3A = arith.constant 0 : i32
    %eq3A_29 = arith.cmpi eq, %arg1, %eq3A : i32
    %convert_element_type3A = arith.extui %eq3A_29 : i1 to i32
    %cond3A = arith.constant 0 : i32
    %cond3A_30 = arith.cmpi ne, %convert_element_type3A, %cond3A : i32
    scf.if %cond3A_30 {
      "tpu.region"() ({
        %run_scoped3A = tpu.sem_alloc : memref<!tpu.dma_semaphore, #tpu.memory_space<semaphore_mem>>
        tpu.enqueue_dma source(%arg4 : memref<10000xf32, #tpu.memory_space<hbm>>) target(%arg12 : memref<10000xf32, #tpu.memory_space<vmem_shared>>) target_semaphore(%run_scoped3A : memref<!tpu.dma_semaphore, #tpu.memory_space<semaphore_mem>>)
        tpu.wait_dma2 semaphore(%run_scoped3A : memref<!tpu.dma_semaphore, #tpu.memory_space<semaphore_mem>>) src(%arg4 : memref<10000xf32, #tpu.memory_space<hbm>>) dst(%arg12 : memref<10000xf32, #tpu.memory_space<vmem_shared>>)
        tpu.yield
      }) : () -> ()
      "tpu.region"() ({
        %run_scoped3A = tpu.sem_alloc : memref<!tpu.dma_semaphore, #tpu.memory_space<semaphore_mem>>
        tpu.enqueue_dma source(%arg4 : memref<10000xf32, #tpu.memory_space<hbm>>) target(%arg13 : memref<10000xf32, #tpu.memory_space<vmem_shared>>) target_semaphore(%run_scoped3A : memref<!tpu.dma_semaphore, #tpu.memory_space<semaphore_mem>>)
        tpu.wait_dma2 semaphore(%run_scoped3A : memref<!tpu.dma_semaphore, #tpu.memory_space<semaphore_mem>>) src(%arg4 : memref<10000xf32, #tpu.memory_space<hbm>>) dst(%arg13 : memref<10000xf32, #tpu.memory_space<vmem_shared>>)
        tpu.yield
      }) : () -> ()
    } else {
    }
    %barrier3A = arith.constant 0 : index
    tpu.barrier barrier_id(%barrier3A)
    %scan3A = arith.constant 0 : i32
    %scan3A_31 = arith.constant 0 : i32
    %scan3A_32 = arith.constant 125 : i32
    %scan3A_33 = arith.addi %scan3A_31, %scan3A_32 : i32
    %scan3A_34 = arith.constant 1 : i32
    scf.for %scan3A_63 = %scan3A_31 to %scan3A_33 step %scan3A_34  : i32 {
      %gt3A = arith.constant 0 : i32
      %gt3A_64 = arith.cmpi sgt, %scan3A_63, %gt3A : i32
      %convert_element_type3A_65 = arith.extui %gt3A_64 : i1 to i32
      %cond3A_66 = arith.constant 0 : i32
      %cond3A_67 = arith.cmpi ne, %convert_element_type3A_65, %cond3A_66 : i32
      scf.if %cond3A_67 {
        %sub3A = arith.constant 1 : i32
        %sub3A_77 = arith.subi %scan3A_63, %sub3A : i32
        %dma_wait3A_78 = arith.constant 0 : i32
        %dma_wait3A_79 = tpu.memref_slice %arg9[%sub3A_77, %dma_wait3A_78] : memref<125x80xi32, #tpu.memory_space<vmem>> -> memref<1x80xi32, #tpu.memory_space<vmem>>
        %dma_wait3A_80 = tpu.memref_squeeze %dma_wait3A_79 : memref<1x80xi32, #tpu.memory_space<vmem>> -> memref<80xi32, #tpu.memory_space<vmem>>
        %dma_wait3A_81 = arith.constant 0 : i32
        %dma_wait3A_82 = tpu.memref_slice %arg12[%dma_wait3A_81] : memref<10000xf32, #tpu.memory_space<vmem_shared>> -> memref<10000xf32, #tpu.memory_space<vmem_shared>>
        tpu.wait_indirect_dma semaphore(%arg14 : memref<!tpu.dma_semaphore, #tpu.memory_space<semaphore_mem>>) src(%arg11 : memref<80xf32, #tpu.memory_space<vmem>>) dst(%dma_wait3A_82 : memref<10000xf32, #tpu.memory_space<vmem_shared>>)
        %sub3A_83 = arith.constant 1 : i32
        %sub3A_84 = arith.subi %scan3A_63, %sub3A_83 : i32
        %dma_wait3A_85 = arith.constant 0 : i32
        %dma_wait3A_86 = tpu.memref_slice %arg10[%sub3A_84, %dma_wait3A_85] : memref<125x80xi32, #tpu.memory_space<vmem>> -> memref<1x80xi32, #tpu.memory_space<vmem>>
        %dma_wait3A_87 = tpu.memref_squeeze %dma_wait3A_86 : memref<1x80xi32, #tpu.memory_space<vmem>> -> memref<80xi32, #tpu.memory_space<vmem>>
        %dma_wait3A_88 = arith.constant 0 : i32
        %dma_wait3A_89 = tpu.memref_slice %arg13[%dma_wait3A_88] : memref<10000xf32, #tpu.memory_space<vmem_shared>> -> memref<10000xf32, #tpu.memory_space<vmem_shared>>
        tpu.wait_indirect_dma semaphore(%arg15 : memref<!tpu.dma_semaphore, #tpu.memory_space<semaphore_mem>>) src(%arg11 : memref<80xf32, #tpu.memory_space<vmem>>) dst(%dma_wait3A_89 : memref<10000xf32, #tpu.memory_space<vmem_shared>>)
      } else {
      }
      %dma_start3A = arith.constant 0 : i32
      %dma_start3A_68 = tpu.memref_slice %arg9[%scan3A_63, %dma_start3A] : memref<125x80xi32, #tpu.memory_space<vmem>> -> memref<1x80xi32, #tpu.memory_space<vmem>>
      %dma_start3A_69 = tpu.memref_squeeze %dma_start3A_68 : memref<1x80xi32, #tpu.memory_space<vmem>> -> memref<80xi32, #tpu.memory_space<vmem>>
      %dma_start3A_70 = arith.constant 0 : i32
      %dma_start3A_71 = tpu.memref_slice %arg12[%dma_start3A_70] : memref<10000xf32, #tpu.memory_space<vmem_shared>> -> memref<10000xf32, #tpu.memory_space<vmem_shared>>
      tpu.enqueue_indirect_dma source(%arg11 : memref<80xf32, #tpu.memory_space<vmem>>) target(%dma_start3A_71 : memref<10000xf32, #tpu.memory_space<vmem_shared>>) offsets(%dma_start3A_69 : memref<80xi32, #tpu.memory_space<vmem>>) semaphore(%arg14 : memref<!tpu.dma_semaphore, #tpu.memory_space<semaphore_mem>>) {add = true}
      %dma_start3A_72 = arith.constant 0 : i32
      %dma_start3A_73 = tpu.memref_slice %arg10[%scan3A_63, %dma_start3A_72] : memref<125x80xi32, #tpu.memory_space<vmem>> -> memref<1x80xi32, #tpu.memory_space<vmem>>
      %dma_start3A_74 = tpu.memref_squeeze %dma_start3A_73 : memref<1x80xi32, #tpu.memory_space<vmem>> -> memref<80xi32, #tpu.memory_space<vmem>>
      %dma_start3A_75 = arith.constant 0 : i32
      %dma_start3A_76 = tpu.memref_slice %arg13[%dma_start3A_75] : memref<10000xf32, #tpu.memory_space<vmem_shared>> -> memref<10000xf32, #tpu.memory_space<vmem_shared>>
      tpu.enqueue_indirect_dma source(%arg11 : memref<80xf32, #tpu.memory_space<vmem>>) target(%dma_start3A_76 : memref<10000xf32, #tpu.memory_space<vmem_shared>>) offsets(%dma_start3A_74 : memref<80xi32, #tpu.memory_space<vmem>>) semaphore(%arg15 : memref<!tpu.dma_semaphore, #tpu.memory_space<semaphore_mem>>) {add = true}
    }
    %scan3A_35 = arith.constant 125 : i32
    %dma_wait3A = arith.constant 124 : i32
    %dma_wait3A_36 = arith.constant 0 : i32
    %dma_wait3A_37 = tpu.memref_slice %arg9[%dma_wait3A, %dma_wait3A_36] : memref<125x80xi32, #tpu.memory_space<vmem>> -> memref<1x80xi32, #tpu.memory_space<vmem>>
    %dma_wait3A_38 = tpu.memref_squeeze %dma_wait3A_37 : memref<1x80xi32, #tpu.memory_space<vmem>> -> memref<80xi32, #tpu.memory_space<vmem>>
    %dma_wait3A_39 = arith.constant 0 : i32
    %dma_wait3A_40 = tpu.memref_slice %arg12[%dma_wait3A_39] : memref<10000xf32, #tpu.memory_space<vmem_shared>> -> memref<10000xf32, #tpu.memory_space<vmem_shared>>
    tpu.wait_indirect_dma semaphore(%arg14 : memref<!tpu.dma_semaphore, #tpu.memory_space<semaphore_mem>>) src(%arg11 : memref<80xf32, #tpu.memory_space<vmem>>) dst(%dma_wait3A_40 : memref<10000xf32, #tpu.memory_space<vmem_shared>>)
    %dma_wait3A_41 = arith.constant 124 : i32
    %dma_wait3A_42 = arith.constant 0 : i32
    %dma_wait3A_43 = tpu.memref_slice %arg10[%dma_wait3A_41, %dma_wait3A_42] : memref<125x80xi32, #tpu.memory_space<vmem>> -> memref<1x80xi32, #tpu.memory_space<vmem>>
    %dma_wait3A_44 = tpu.memref_squeeze %dma_wait3A_43 : memref<1x80xi32, #tpu.memory_space<vmem>> -> memref<80xi32, #tpu.memory_space<vmem>>
    %dma_wait3A_45 = arith.constant 0 : i32
    %dma_wait3A_46 = tpu.memref_slice %arg13[%dma_wait3A_45] : memref<10000xf32, #tpu.memory_space<vmem_shared>> -> memref<10000xf32, #tpu.memory_space<vmem_shared>>
    tpu.wait_indirect_dma semaphore(%arg15 : memref<!tpu.dma_semaphore, #tpu.memory_space<semaphore_mem>>) src(%arg11 : memref<80xf32, #tpu.memory_space<vmem>>) dst(%dma_wait3A_46 : memref<10000xf32, #tpu.memory_space<vmem_shared>>)
    %barrier3A_47 = arith.constant 0 : index
    tpu.barrier barrier_id(%barrier3A_47)
    %eq3A_48 = arith.constant 0 : i32
    %eq3A_49 = arith.cmpi eq, %arg1, %eq3A_48 : i32
    %eq3A_50 = arith.constant 0 : i32
    %eq3A_51 = arith.cmpi eq, %arg0, %eq3A_50 : i32
    %and3A = arith.andi %eq3A_49, %eq3A_51 : i1
    %convert_element_type3A_52 = arith.extui %and3A : i1 to i32
    %cond3A_53 = arith.constant 0 : i32
    %cond3A_54 = arith.cmpi ne, %convert_element_type3A_52, %cond3A_53 : i32
    scf.if %cond3A_54 {
      "tpu.region"() ({
        %run_scoped3A = tpu.sem_alloc : memref<!tpu.dma_semaphore, #tpu.memory_space<semaphore_mem>>
        tpu.enqueue_dma source(%arg12 : memref<10000xf32, #tpu.memory_space<vmem_shared>>) target(%arg5 : memref<10000xf32, #tpu.memory_space<hbm>>) target_semaphore(%run_scoped3A : memref<!tpu.dma_semaphore, #tpu.memory_space<semaphore_mem>>)
        tpu.wait_dma2 semaphore(%run_scoped3A : memref<!tpu.dma_semaphore, #tpu.memory_space<semaphore_mem>>) src(%arg12 : memref<10000xf32, #tpu.memory_space<vmem_shared>>) dst(%arg5 : memref<10000xf32, #tpu.memory_space<hbm>>)
        tpu.yield
      }) : () -> ()
      "tpu.region"() ({
        %run_scoped3A = tpu.sem_alloc : memref<!tpu.dma_semaphore, #tpu.memory_space<semaphore_mem>>
        tpu.enqueue_dma source(%arg13 : memref<10000xf32, #tpu.memory_space<vmem_shared>>) target(%arg6 : memref<10000xf32, #tpu.memory_space<hbm>>) target_semaphore(%run_scoped3A : memref<!tpu.dma_semaphore, #tpu.memory_space<semaphore_mem>>)
        tpu.wait_dma2 semaphore(%run_scoped3A : memref<!tpu.dma_semaphore, #tpu.memory_space<semaphore_mem>>) src(%arg13 : memref<10000xf32, #tpu.memory_space<vmem_shared>>) dst(%arg6 : memref<10000xf32, #tpu.memory_space<hbm>>)
        tpu.yield
      }) : () -> ()
    } else {
    }
    %eq3A_55 = arith.constant 0 : i32
    %eq3A_56 = arith.cmpi eq, %arg1, %eq3A_55 : i32
    %eq3A_57 = arith.constant 1 : i32
    %eq3A_58 = arith.cmpi eq, %arg0, %eq3A_57 : i32
    %and3A_59 = arith.andi %eq3A_56, %eq3A_58 : i1
    %convert_element_type3A_60 = arith.extui %and3A_59 : i1 to i32
    %cond3A_61 = arith.constant 0 : i32
    %cond3A_62 = arith.cmpi ne, %convert_element_type3A_60, %cond3A_61 : i32
    scf.if %cond3A_62 {
      "tpu.region"() ({
        %run_scoped3A = tpu.sem_alloc : memref<!tpu.dma_semaphore, #tpu.memory_space<semaphore_mem>>
        tpu.enqueue_dma source(%arg12 : memref<10000xf32, #tpu.memory_space<vmem_shared>>) target(%arg7 : memref<10000xf32, #tpu.memory_space<hbm>>) target_semaphore(%run_scoped3A : memref<!tpu.dma_semaphore, #tpu.memory_space<semaphore_mem>>)
        tpu.wait_dma2 semaphore(%run_scoped3A : memref<!tpu.dma_semaphore, #tpu.memory_space<semaphore_mem>>) src(%arg12 : memref<10000xf32, #tpu.memory_space<vmem_shared>>) dst(%arg7 : memref<10000xf32, #tpu.memory_space<hbm>>)
        tpu.yield
      }) : () -> ()
      "tpu.region"() ({
        %run_scoped3A = tpu.sem_alloc : memref<!tpu.dma_semaphore, #tpu.memory_space<semaphore_mem>>
        tpu.enqueue_dma source(%arg13 : memref<10000xf32, #tpu.memory_space<vmem_shared>>) target(%arg8 : memref<10000xf32, #tpu.memory_space<hbm>>) target_semaphore(%run_scoped3A : memref<!tpu.dma_semaphore, #tpu.memory_space<semaphore_mem>>)
        tpu.wait_dma2 semaphore(%run_scoped3A : memref<!tpu.dma_semaphore, #tpu.memory_space<semaphore_mem>>) src(%arg13 : memref<10000xf32, #tpu.memory_space<vmem_shared>>) dst(%arg8 : memref<10000xf32, #tpu.memory_space<hbm>>)
        tpu.yield
      }) : () -> ()
    } else {
    }
    return
  }
}

#map = affine_map<(d0, d1) -> (0, 0)>
#map1 = affine_map<(d0, d1) -> (0, 0, 0)>
module attributes {stable_mosaic.version = 14 : i64} {
  func.func @scat_kernel(%arg0: i32, %arg1: i32, %arg2: memref<10000x128xf32, #tpu.memory_space<hbm>>, %arg3: memref<32x10000xi32, #tpu.memory_space<hbm>>, %arg4: memref<32x125x80xi32, #tpu.memory_space<hbm>>, %arg5: memref<640x128xf32, #tpu.memory_space<hbm>>, %arg6: memref<10000x128xf32, #tpu.memory_space<hbm>>, %arg7: memref<10000x128xf32, #tpu.memory_space<hbm>>, %arg8: memref<10000xi32, #tpu.memory_space<vmem>>, %arg9: memref<125x80xi32, #tpu.memory_space<vmem>>, %arg10: memref<80x128xf32, #tpu.memory_space<vmem>>, %arg11: memref<80x128xf32, #tpu.memory_space<vmem>>, %arg12: memref<10000x128xf32, #tpu.memory_space<vmem_shared>>, %arg13: memref<!tpu.dma_semaphore, #tpu.memory_space<semaphore_mem>>, %arg14: memref<!tpu.dma_semaphore, #tpu.memory_space<semaphore_mem>>, %arg15: memref<!tpu.dma_semaphore, #tpu.memory_space<semaphore_mem>>, %arg16: memref<!tpu.dma_semaphore, #tpu.memory_space<semaphore_mem>>) attributes {dimension_semantics = [#tpu.dimension_semantics<core_parallel>, #tpu.dimension_semantics<subcore_parallel>], iteration_bounds = array<i64: 2, 16>, scalar_prefetch = 0 : i64, scratch_operands = 9 : i64, tpu.core_type = #tpu.core_type<sc_vector_subcore>, window_params = [{transform_indices = #map}, {transform_indices = #map}, {transform_indices = #map1}, {transform_indices = #map}, {transform_indices = #map}, {transform_indices = #map}]} {
    %mul3A = arith.constant 2 : i32
    %mul3A_0 = arith.muli %arg1, %mul3A : i32
    %add3A = arith.addi %mul3A_0, %arg0 : i32
    %mul3A_1 = arith.constant 624 : i32
    %mul3A_2 = arith.muli %arg1, %mul3A_1 : i32
    %multiple_of3A = tpu.assume_multiple %mul3A_2, 8 : i32
    %dma_start3A = arith.constant 0 : i32
    %dma_start3A_3 = tpu.memref_slice %arg3[%add3A, %dma_start3A] : memref<32x10000xi32, #tpu.memory_space<hbm>> -> memref<1x10000xi32, #tpu.memory_space<hbm>>
    %dma_start3A_4 = tpu.memref_squeeze %dma_start3A_3 : memref<1x10000xi32, #tpu.memory_space<hbm>> -> memref<10000xi32, #tpu.memory_space<hbm>>
    %dma_start3A_5 = arith.constant 0 : i32
    %dma_start3A_6 = tpu.memref_slice %arg3[%add3A, %dma_start3A_5] : memref<32x10000xi32, #tpu.memory_space<hbm>> -> memref<1x10000xi32, #tpu.memory_space<hbm>>
    %dma_start3A_7 = tpu.memref_squeeze %dma_start3A_6 : memref<1x10000xi32, #tpu.memory_space<hbm>> -> memref<10000xi32, #tpu.memory_space<hbm>>
    tpu.enqueue_dma source(%dma_start3A_7 : memref<10000xi32, #tpu.memory_space<hbm>>) target(%arg8 : memref<10000xi32, #tpu.memory_space<vmem>>) target_semaphore(%arg13 : memref<!tpu.dma_semaphore, #tpu.memory_space<semaphore_mem>>)
    %dma_start3A_8 = arith.constant 0 : i32
    %dma_start3A_9 = arith.constant 0 : i32
    %dma_start3A_10 = tpu.memref_slice %arg4[%add3A, %dma_start3A_8, %dma_start3A_9] : memref<32x125x80xi32, #tpu.memory_space<hbm>> -> memref<1x125x80xi32, #tpu.memory_space<hbm>>
    %dma_start3A_11 = tpu.memref_squeeze %dma_start3A_10 : memref<1x125x80xi32, #tpu.memory_space<hbm>> -> memref<125x80xi32, #tpu.memory_space<hbm>>
    %dma_start3A_12 = arith.constant 0 : i32
    %dma_start3A_13 = arith.constant 0 : i32
    %dma_start3A_14 = tpu.memref_slice %arg4[%add3A, %dma_start3A_12, %dma_start3A_13] : memref<32x125x80xi32, #tpu.memory_space<hbm>> -> memref<1x125x80xi32, #tpu.memory_space<hbm>>
    %dma_start3A_15 = tpu.memref_squeeze %dma_start3A_14 : memref<1x125x80xi32, #tpu.memory_space<hbm>> -> memref<125x80xi32, #tpu.memory_space<hbm>>
    tpu.enqueue_dma source(%dma_start3A_15 : memref<125x80xi32, #tpu.memory_space<hbm>>) target(%arg9 : memref<125x80xi32, #tpu.memory_space<vmem>>) target_semaphore(%arg14 : memref<!tpu.dma_semaphore, #tpu.memory_space<semaphore_mem>>)
    %lt3A = arith.constant 15 : i32
    %lt3A_16 = arith.cmpi slt, %arg1, %lt3A : i32
    %convert_element_type3A = arith.extui %lt3A_16 : i1 to i32
    %cond3A = arith.constant 0 : i32
    %cond3A_17 = arith.cmpi ne, %convert_element_type3A, %cond3A : i32
    scf.if %cond3A_17 {
      %dma_start3A_68 = arith.constant 0 : i32
      %dma_start3A_69 = tpu.memref_slice %arg12[%multiple_of3A, %dma_start3A_68] : memref<10000x128xf32, #tpu.memory_space<vmem_shared>> -> memref<624x128xf32, #tpu.memory_space<vmem_shared>>
      %dma_start3A_70 = arith.constant 0 : i32
      %dma_start3A_71 = arith.constant 0 : i32
      %dma_start3A_72 = tpu.memref_slice %arg5[%dma_start3A_70, %dma_start3A_71] : memref<640x128xf32, #tpu.memory_space<hbm>> -> memref<624x128xf32, #tpu.memory_space<hbm>>
      tpu.enqueue_dma source(%dma_start3A_72 : memref<624x128xf32, #tpu.memory_space<hbm>>) target(%dma_start3A_69 : memref<624x128xf32, #tpu.memory_space<vmem_shared>>) target_semaphore(%arg15 : memref<!tpu.dma_semaphore, #tpu.memory_space<semaphore_mem>>)
      %dma_wait3A_73 = arith.constant 0 : i32
      %dma_wait3A_74 = tpu.memref_slice %arg12[%multiple_of3A, %dma_wait3A_73] : memref<10000x128xf32, #tpu.memory_space<vmem_shared>> -> memref<624x128xf32, #tpu.memory_space<vmem_shared>>
      %dma_wait3A_75 = arith.constant 0 : i32
      %dma_wait3A_76 = arith.constant 0 : i32
      %dma_wait3A_77 = tpu.memref_slice %arg5[%dma_wait3A_75, %dma_wait3A_76] : memref<640x128xf32, #tpu.memory_space<hbm>> -> memref<624x128xf32, #tpu.memory_space<hbm>>
      tpu.wait_dma2 semaphore(%arg15 : memref<!tpu.dma_semaphore, #tpu.memory_space<semaphore_mem>>) src(%dma_wait3A_77 : memref<624x128xf32, #tpu.memory_space<hbm>>) dst(%dma_wait3A_74 : memref<624x128xf32, #tpu.memory_space<vmem_shared>>)
    } else {
    }
    %eq3A = arith.constant 15 : i32
    %eq3A_18 = arith.cmpi eq, %arg1, %eq3A : i32
    %convert_element_type3A_19 = arith.extui %eq3A_18 : i1 to i32
    %cond3A_20 = arith.constant 0 : i32
    %cond3A_21 = arith.cmpi ne, %convert_element_type3A_19, %cond3A_20 : i32
    scf.if %cond3A_21 {
      %dma_start3A_68 = arith.constant 0 : i32
      %dma_start3A_69 = tpu.memref_slice %arg12[%multiple_of3A, %dma_start3A_68] : memref<10000x128xf32, #tpu.memory_space<vmem_shared>> -> memref<640x128xf32, #tpu.memory_space<vmem_shared>>
      tpu.enqueue_dma source(%arg5 : memref<640x128xf32, #tpu.memory_space<hbm>>) target(%dma_start3A_69 : memref<640x128xf32, #tpu.memory_space<vmem_shared>>) target_semaphore(%arg15 : memref<!tpu.dma_semaphore, #tpu.memory_space<semaphore_mem>>)
      %dma_wait3A_70 = arith.constant 0 : i32
      %dma_wait3A_71 = tpu.memref_slice %arg12[%multiple_of3A, %dma_wait3A_70] : memref<10000x128xf32, #tpu.memory_space<vmem_shared>> -> memref<640x128xf32, #tpu.memory_space<vmem_shared>>
      tpu.wait_dma2 semaphore(%arg15 : memref<!tpu.dma_semaphore, #tpu.memory_space<semaphore_mem>>) src(%arg5 : memref<640x128xf32, #tpu.memory_space<hbm>>) dst(%dma_wait3A_71 : memref<640x128xf32, #tpu.memory_space<vmem_shared>>)
    } else {
    }
    %dma_wait3A = arith.constant 0 : i32
    %dma_wait3A_22 = tpu.memref_slice %arg3[%add3A, %dma_wait3A] : memref<32x10000xi32, #tpu.memory_space<hbm>> -> memref<1x10000xi32, #tpu.memory_space<hbm>>
    %dma_wait3A_23 = tpu.memref_squeeze %dma_wait3A_22 : memref<1x10000xi32, #tpu.memory_space<hbm>> -> memref<10000xi32, #tpu.memory_space<hbm>>
    %dma_wait3A_24 = arith.constant 0 : i32
    %dma_wait3A_25 = tpu.memref_slice %arg3[%add3A, %dma_wait3A_24] : memref<32x10000xi32, #tpu.memory_space<hbm>> -> memref<1x10000xi32, #tpu.memory_space<hbm>>
    %dma_wait3A_26 = tpu.memref_squeeze %dma_wait3A_25 : memref<1x10000xi32, #tpu.memory_space<hbm>> -> memref<10000xi32, #tpu.memory_space<hbm>>
    tpu.wait_dma2 semaphore(%arg13 : memref<!tpu.dma_semaphore, #tpu.memory_space<semaphore_mem>>) src(%dma_wait3A_26 : memref<10000xi32, #tpu.memory_space<hbm>>) dst(%arg8 : memref<10000xi32, #tpu.memory_space<vmem>>)
    %dma_wait3A_27 = arith.constant 0 : i32
    %dma_wait3A_28 = arith.constant 0 : i32
    %dma_wait3A_29 = tpu.memref_slice %arg4[%add3A, %dma_wait3A_27, %dma_wait3A_28] : memref<32x125x80xi32, #tpu.memory_space<hbm>> -> memref<1x125x80xi32, #tpu.memory_space<hbm>>
    %dma_wait3A_30 = tpu.memref_squeeze %dma_wait3A_29 : memref<1x125x80xi32, #tpu.memory_space<hbm>> -> memref<125x80xi32, #tpu.memory_space<hbm>>
    %dma_wait3A_31 = arith.constant 0 : i32
    %dma_wait3A_32 = arith.constant 0 : i32
    %dma_wait3A_33 = tpu.memref_slice %arg4[%add3A, %dma_wait3A_31, %dma_wait3A_32] : memref<32x125x80xi32, #tpu.memory_space<hbm>> -> memref<1x125x80xi32, #tpu.memory_space<hbm>>
    %dma_wait3A_34 = tpu.memref_squeeze %dma_wait3A_33 : memref<1x125x80xi32, #tpu.memory_space<hbm>> -> memref<125x80xi32, #tpu.memory_space<hbm>>
    tpu.wait_dma2 semaphore(%arg14 : memref<!tpu.dma_semaphore, #tpu.memory_space<semaphore_mem>>) src(%dma_wait3A_34 : memref<125x80xi32, #tpu.memory_space<hbm>>) dst(%arg9 : memref<125x80xi32, #tpu.memory_space<vmem>>)
    %barrier3A = arith.constant 0 : index
    tpu.barrier barrier_id(%barrier3A)
    %dma_start3A_35 = arith.constant 0 : i32
    %dma_start3A_36 = tpu.memref_slice %arg8[%dma_start3A_35] : memref<10000xi32, #tpu.memory_space<vmem>> -> memref<80xi32, #tpu.memory_space<vmem>>
    %dma_start3A_37 = arith.constant 0 : i32
    %dma_start3A_38 = arith.constant 0 : i32
    %dma_start3A_39 = tpu.memref_slice %arg2[%dma_start3A_37, %dma_start3A_38] : memref<10000x128xf32, #tpu.memory_space<hbm>> -> memref<10000x128xf32, #tpu.memory_space<hbm>>
    tpu.enqueue_indirect_dma source(%dma_start3A_39 : memref<10000x128xf32, #tpu.memory_space<hbm>>) target(%arg10 : memref<80x128xf32, #tpu.memory_space<vmem>>) offsets(%dma_start3A_36 : memref<80xi32, #tpu.memory_space<vmem>>) semaphore(%arg13 : memref<!tpu.dma_semaphore, #tpu.memory_space<semaphore_mem>>)
    %scan3A = arith.constant 0 : i32
    %scan3A_40 = arith.constant 0 : i32
    %scan3A_41 = arith.constant 62 : i32
    %scan3A_42 = arith.addi %scan3A_40, %scan3A_41 : i32
    %scan3A_43 = arith.constant 1 : i32
    scf.for %scan3A_68 = %scan3A_40 to %scan3A_42 step %scan3A_43  : i32 {
      %mul3A_69 = arith.constant 2 : i32
      %mul3A_70 = arith.muli %mul3A_69, %scan3A_68 : i32
      %add3A_71 = arith.constant 1 : i32
      %add3A_72 = arith.addi %mul3A_70, %add3A_71 : i32
      %gt3A = arith.constant 0 : i32
      %gt3A_73 = arith.cmpi sgt, %scan3A_68, %gt3A : i32
      %convert_element_type3A_74 = arith.extui %gt3A_73 : i1 to i32
      %cond3A_75 = arith.constant 0 : i32
      %cond3A_76 = arith.cmpi ne, %convert_element_type3A_74, %cond3A_75 : i32
      scf.if %cond3A_76 {
        %sub3A = arith.constant 1 : i32
        %sub3A_120 = arith.subi %mul3A_70, %sub3A : i32
        %dma_wait3A_121 = arith.constant 0 : i32
        %dma_wait3A_122 = tpu.memref_slice %arg9[%sub3A_120, %dma_wait3A_121] : memref<125x80xi32, #tpu.memory_space<vmem>> -> memref<1x80xi32, #tpu.memory_space<vmem>>
        %dma_wait3A_123 = tpu.memref_squeeze %dma_wait3A_122 : memref<1x80xi32, #tpu.memory_space<vmem>> -> memref<80xi32, #tpu.memory_space<vmem>>
        %dma_wait3A_124 = arith.constant 0 : i32
        %dma_wait3A_125 = arith.constant 0 : i32
        %dma_wait3A_126 = tpu.memref_slice %arg12[%dma_wait3A_124, %dma_wait3A_125] : memref<10000x128xf32, #tpu.memory_space<vmem_shared>> -> memref<10000x128xf32, #tpu.memory_space<vmem_shared>>
        tpu.wait_indirect_dma semaphore(%arg16 : memref<!tpu.dma_semaphore, #tpu.memory_space<semaphore_mem>>) src(%arg11 : memref<80x128xf32, #tpu.memory_space<vmem>>) dst(%dma_wait3A_126 : memref<10000x128xf32, #tpu.memory_space<vmem_shared>>)
      } else {
      }
      %mul3A_77 = arith.constant 80 : i32
      %mul3A_78 = arith.muli %add3A_72, %mul3A_77 : i32
      %dma_start3A_79 = tpu.memref_slice %arg8[%mul3A_78] : memref<10000xi32, #tpu.memory_space<vmem>> -> memref<80xi32, #tpu.memory_space<vmem>>
      %dma_start3A_80 = arith.constant 0 : i32
      %dma_start3A_81 = arith.constant 0 : i32
      %dma_start3A_82 = tpu.memref_slice %arg2[%dma_start3A_80, %dma_start3A_81] : memref<10000x128xf32, #tpu.memory_space<hbm>> -> memref<10000x128xf32, #tpu.memory_space<hbm>>
      tpu.enqueue_indirect_dma source(%dma_start3A_82 : memref<10000x128xf32, #tpu.memory_space<hbm>>) target(%arg11 : memref<80x128xf32, #tpu.memory_space<vmem>>) offsets(%dma_start3A_79 : memref<80xi32, #tpu.memory_space<vmem>>) semaphore(%arg14 : memref<!tpu.dma_semaphore, #tpu.memory_space<semaphore_mem>>)
      %mul3A_83 = arith.constant 80 : i32
      %mul3A_84 = arith.muli %mul3A_70, %mul3A_83 : i32
      %dma_wait3A_85 = tpu.memref_slice %arg8[%mul3A_84] : memref<10000xi32, #tpu.memory_space<vmem>> -> memref<80xi32, #tpu.memory_space<vmem>>
      %dma_wait3A_86 = arith.constant 0 : i32
      %dma_wait3A_87 = arith.constant 0 : i32
      %dma_wait3A_88 = tpu.memref_slice %arg2[%dma_wait3A_86, %dma_wait3A_87] : memref<10000x128xf32, #tpu.memory_space<hbm>> -> memref<10000x128xf32, #tpu.memory_space<hbm>>
      tpu.wait_indirect_dma semaphore(%arg13 : memref<!tpu.dma_semaphore, #tpu.memory_space<semaphore_mem>>) src(%dma_wait3A_88 : memref<10000x128xf32, #tpu.memory_space<hbm>>) dst(%arg10 : memref<80x128xf32, #tpu.memory_space<vmem>>)
      %dma_start3A_89 = arith.constant 0 : i32
      %dma_start3A_90 = tpu.memref_slice %arg9[%mul3A_70, %dma_start3A_89] : memref<125x80xi32, #tpu.memory_space<vmem>> -> memref<1x80xi32, #tpu.memory_space<vmem>>
      %dma_start3A_91 = tpu.memref_squeeze %dma_start3A_90 : memref<1x80xi32, #tpu.memory_space<vmem>> -> memref<80xi32, #tpu.memory_space<vmem>>
      %dma_start3A_92 = arith.constant 0 : i32
      %dma_start3A_93 = arith.constant 0 : i32
      %dma_start3A_94 = tpu.memref_slice %arg12[%dma_start3A_92, %dma_start3A_93] : memref<10000x128xf32, #tpu.memory_space<vmem_shared>> -> memref<10000x128xf32, #tpu.memory_space<vmem_shared>>
      tpu.enqueue_indirect_dma source(%arg10 : memref<80x128xf32, #tpu.memory_space<vmem>>) target(%dma_start3A_94 : memref<10000x128xf32, #tpu.memory_space<vmem_shared>>) offsets(%dma_start3A_91 : memref<80xi32, #tpu.memory_space<vmem>>) semaphore(%arg15 : memref<!tpu.dma_semaphore, #tpu.memory_space<semaphore_mem>>) {add = true}
      %dma_wait3A_95 = arith.constant 0 : i32
      %dma_wait3A_96 = tpu.memref_slice %arg9[%mul3A_70, %dma_wait3A_95] : memref<125x80xi32, #tpu.memory_space<vmem>> -> memref<1x80xi32, #tpu.memory_space<vmem>>
      %dma_wait3A_97 = tpu.memref_squeeze %dma_wait3A_96 : memref<1x80xi32, #tpu.memory_space<vmem>> -> memref<80xi32, #tpu.memory_space<vmem>>
      %dma_wait3A_98 = arith.constant 0 : i32
      %dma_wait3A_99 = arith.constant 0 : i32
      %dma_wait3A_100 = tpu.memref_slice %arg12[%dma_wait3A_98, %dma_wait3A_99] : memref<10000x128xf32, #tpu.memory_space<vmem_shared>> -> memref<10000x128xf32, #tpu.memory_space<vmem_shared>>
      tpu.wait_indirect_dma semaphore(%arg15 : memref<!tpu.dma_semaphore, #tpu.memory_space<semaphore_mem>>) src(%arg10 : memref<80x128xf32, #tpu.memory_space<vmem>>) dst(%dma_wait3A_100 : memref<10000x128xf32, #tpu.memory_space<vmem_shared>>)
      %add3A_101 = arith.constant 2 : i32
      %add3A_102 = arith.addi %mul3A_70, %add3A_101 : i32
      %lt3A_103 = arith.constant 125 : i32
      %lt3A_104 = arith.cmpi slt, %add3A_102, %lt3A_103 : i32
      %convert_element_type3A_105 = arith.extui %lt3A_104 : i1 to i32
      %cond3A_106 = arith.constant 0 : i32
      %cond3A_107 = arith.cmpi ne, %convert_element_type3A_105, %cond3A_106 : i32
      scf.if %cond3A_107 {
        %add3A_120 = arith.constant 2 : i32
        %add3A_121 = arith.addi %mul3A_70, %add3A_120 : i32
        %mul3A_122 = arith.constant 80 : i32
        %mul3A_123 = arith.muli %add3A_121, %mul3A_122 : i32
        %dma_start3A_124 = tpu.memref_slice %arg8[%mul3A_123] : memref<10000xi32, #tpu.memory_space<vmem>> -> memref<80xi32, #tpu.memory_space<vmem>>
        %dma_start3A_125 = arith.constant 0 : i32
        %dma_start3A_126 = arith.constant 0 : i32
        %dma_start3A_127 = tpu.memref_slice %arg2[%dma_start3A_125, %dma_start3A_126] : memref<10000x128xf32, #tpu.memory_space<hbm>> -> memref<10000x128xf32, #tpu.memory_space<hbm>>
        tpu.enqueue_indirect_dma source(%dma_start3A_127 : memref<10000x128xf32, #tpu.memory_space<hbm>>) target(%arg10 : memref<80x128xf32, #tpu.memory_space<vmem>>) offsets(%dma_start3A_124 : memref<80xi32, #tpu.memory_space<vmem>>) semaphore(%arg13 : memref<!tpu.dma_semaphore, #tpu.memory_space<semaphore_mem>>)
      } else {
      }
      %mul3A_108 = arith.constant 80 : i32
      %mul3A_109 = arith.muli %add3A_72, %mul3A_108 : i32
      %dma_wait3A_110 = tpu.memref_slice %arg8[%mul3A_109] : memref<10000xi32, #tpu.memory_space<vmem>> -> memref<80xi32, #tpu.memory_space<vmem>>
      %dma_wait3A_111 = arith.constant 0 : i32
      %dma_wait3A_112 = arith.constant 0 : i32
      %dma_wait3A_113 = tpu.memref_slice %arg2[%dma_wait3A_111, %dma_wait3A_112] : memref<10000x128xf32, #tpu.memory_space<hbm>> -> memref<10000x128xf32, #tpu.memory_space<hbm>>
      tpu.wait_indirect_dma semaphore(%arg14 : memref<!tpu.dma_semaphore, #tpu.memory_space<semaphore_mem>>) src(%dma_wait3A_113 : memref<10000x128xf32, #tpu.memory_space<hbm>>) dst(%arg11 : memref<80x128xf32, #tpu.memory_space<vmem>>)
      %dma_start3A_114 = arith.constant 0 : i32
      %dma_start3A_115 = tpu.memref_slice %arg9[%add3A_72, %dma_start3A_114] : memref<125x80xi32, #tpu.memory_space<vmem>> -> memref<1x80xi32, #tpu.memory_space<vmem>>
      %dma_start3A_116 = tpu.memref_squeeze %dma_start3A_115 : memref<1x80xi32, #tpu.memory_space<vmem>> -> memref<80xi32, #tpu.memory_space<vmem>>
      %dma_start3A_117 = arith.constant 0 : i32
      %dma_start3A_118 = arith.constant 0 : i32
      %dma_start3A_119 = tpu.memref_slice %arg12[%dma_start3A_117, %dma_start3A_118] : memref<10000x128xf32, #tpu.memory_space<vmem_shared>> -> memref<10000x128xf32, #tpu.memory_space<vmem_shared>>
      tpu.enqueue_indirect_dma source(%arg11 : memref<80x128xf32, #tpu.memory_space<vmem>>) target(%dma_start3A_119 : memref<10000x128xf32, #tpu.memory_space<vmem_shared>>) offsets(%dma_start3A_116 : memref<80xi32, #tpu.memory_space<vmem>>) semaphore(%arg16 : memref<!tpu.dma_semaphore, #tpu.memory_space<semaphore_mem>>) {add = true}
    }
    %scan3A_44 = arith.constant 62 : i32
    %dma_wait3A_45 = arith.constant 123 : i32
    %dma_wait3A_46 = arith.constant 0 : i32
    %dma_wait3A_47 = tpu.memref_slice %arg9[%dma_wait3A_45, %dma_wait3A_46] : memref<125x80xi32, #tpu.memory_space<vmem>> -> memref<1x80xi32, #tpu.memory_space<vmem>>
    %dma_wait3A_48 = tpu.memref_squeeze %dma_wait3A_47 : memref<1x80xi32, #tpu.memory_space<vmem>> -> memref<80xi32, #tpu.memory_space<vmem>>
    %dma_wait3A_49 = arith.constant 0 : i32
    %dma_wait3A_50 = arith.constant 0 : i32
    %dma_wait3A_51 = tpu.memref_slice %arg12[%dma_wait3A_49, %dma_wait3A_50] : memref<10000x128xf32, #tpu.memory_space<vmem_shared>> -> memref<10000x128xf32, #tpu.memory_space<vmem_shared>>
    tpu.wait_indirect_dma semaphore(%arg16 : memref<!tpu.dma_semaphore, #tpu.memory_space<semaphore_mem>>) src(%arg11 : memref<80x128xf32, #tpu.memory_space<vmem>>) dst(%dma_wait3A_51 : memref<10000x128xf32, #tpu.memory_space<vmem_shared>>)
    %dma_wait3A_52 = arith.constant 9920 : i32
    %dma_wait3A_53 = tpu.memref_slice %arg8[%dma_wait3A_52] : memref<10000xi32, #tpu.memory_space<vmem>> -> memref<80xi32, #tpu.memory_space<vmem>>
    %dma_wait3A_54 = arith.constant 0 : i32
    %dma_wait3A_55 = arith.constant 0 : i32
    %dma_wait3A_56 = tpu.memref_slice %arg2[%dma_wait3A_54, %dma_wait3A_55] : memref<10000x128xf32, #tpu.memory_space<hbm>> -> memref<10000x128xf32, #tpu.memory_space<hbm>>
    tpu.wait_indirect_dma semaphore(%arg13 : memref<!tpu.dma_semaphore, #tpu.memory_space<semaphore_mem>>) src(%dma_wait3A_56 : memref<10000x128xf32, #tpu.memory_space<hbm>>) dst(%arg10 : memref<80x128xf32, #tpu.memory_space<vmem>>)
    %run_scoped3A = arith.constant 124 : i32
    "tpu.region"() ({
      %run_scoped3A_68 = tpu.sem_alloc : memref<!tpu.dma_semaphore, #tpu.memory_space<semaphore_mem>>
      %dma_start3A_69 = arith.constant 0 : i32
      %dma_start3A_70 = tpu.memref_slice %arg9[%run_scoped3A, %dma_start3A_69] : memref<125x80xi32, #tpu.memory_space<vmem>> -> memref<1x80xi32, #tpu.memory_space<vmem>>
      %dma_start3A_71 = tpu.memref_squeeze %dma_start3A_70 : memref<1x80xi32, #tpu.memory_space<vmem>> -> memref<80xi32, #tpu.memory_space<vmem>>
      %dma_start3A_72 = arith.constant 0 : i32
      %dma_start3A_73 = arith.constant 0 : i32
      %dma_start3A_74 = tpu.memref_slice %arg12[%dma_start3A_72, %dma_start3A_73] : memref<10000x128xf32, #tpu.memory_space<vmem_shared>> -> memref<10000x128xf32, #tpu.memory_space<vmem_shared>>
      tpu.enqueue_indirect_dma source(%arg10 : memref<80x128xf32, #tpu.memory_space<vmem>>) target(%dma_start3A_74 : memref<10000x128xf32, #tpu.memory_space<vmem_shared>>) offsets(%dma_start3A_71 : memref<80xi32, #tpu.memory_space<vmem>>) semaphore(%run_scoped3A_68 : memref<!tpu.dma_semaphore, #tpu.memory_space<semaphore_mem>>) {add = true}
      %dma_wait3A_75 = arith.constant 0 : i32
      %dma_wait3A_76 = tpu.memref_slice %arg9[%run_scoped3A, %dma_wait3A_75] : memref<125x80xi32, #tpu.memory_space<vmem>> -> memref<1x80xi32, #tpu.memory_space<vmem>>
      %dma_wait3A_77 = tpu.memref_squeeze %dma_wait3A_76 : memref<1x80xi32, #tpu.memory_space<vmem>> -> memref<80xi32, #tpu.memory_space<vmem>>
      %dma_wait3A_78 = arith.constant 0 : i32
      %dma_wait3A_79 = arith.constant 0 : i32
      %dma_wait3A_80 = tpu.memref_slice %arg12[%dma_wait3A_78, %dma_wait3A_79] : memref<10000x128xf32, #tpu.memory_space<vmem_shared>> -> memref<10000x128xf32, #tpu.memory_space<vmem_shared>>
      tpu.wait_indirect_dma semaphore(%run_scoped3A_68 : memref<!tpu.dma_semaphore, #tpu.memory_space<semaphore_mem>>) src(%arg10 : memref<80x128xf32, #tpu.memory_space<vmem>>) dst(%dma_wait3A_80 : memref<10000x128xf32, #tpu.memory_space<vmem_shared>>)
      tpu.yield
    }) : () -> ()
    %barrier3A_57 = arith.constant 0 : index
    tpu.barrier barrier_id(%barrier3A_57)
    %eq3A_58 = arith.constant 0 : i32
    %eq3A_59 = arith.cmpi eq, %arg0, %eq3A_58 : i32
    %convert_element_type3A_60 = arith.extui %eq3A_59 : i1 to i32
    %cond3A_61 = arith.constant 0 : i32
    %cond3A_62 = arith.cmpi ne, %convert_element_type3A_60, %cond3A_61 : i32
    scf.if %cond3A_62 {
      %lt3A_68 = arith.constant 15 : i32
      %lt3A_69 = arith.cmpi slt, %arg1, %lt3A_68 : i32
      %convert_element_type3A_70 = arith.extui %lt3A_69 : i1 to i32
      %cond3A_71 = arith.constant 0 : i32
      %cond3A_72 = arith.cmpi ne, %convert_element_type3A_70, %cond3A_71 : i32
      scf.if %cond3A_72 {
        "tpu.region"() ({
          %run_scoped3A_78 = tpu.sem_alloc : memref<!tpu.dma_semaphore, #tpu.memory_space<semaphore_mem>>
          %dma_start3A_79 = arith.constant 0 : i32
          %dma_start3A_80 = tpu.memref_slice %arg6[%multiple_of3A, %dma_start3A_79] : memref<10000x128xf32, #tpu.memory_space<hbm>> -> memref<624x128xf32, #tpu.memory_space<hbm>>
          %dma_start3A_81 = arith.constant 0 : i32
          %dma_start3A_82 = tpu.memref_slice %arg12[%multiple_of3A, %dma_start3A_81] : memref<10000x128xf32, #tpu.memory_space<vmem_shared>> -> memref<624x128xf32, #tpu.memory_space<vmem_shared>>
          tpu.enqueue_dma source(%dma_start3A_82 : memref<624x128xf32, #tpu.memory_space<vmem_shared>>) target(%dma_start3A_80 : memref<624x128xf32, #tpu.memory_space<hbm>>) target_semaphore(%run_scoped3A_78 : memref<!tpu.dma_semaphore, #tpu.memory_space<semaphore_mem>>)
          %dma_wait3A_83 = arith.constant 0 : i32
          %dma_wait3A_84 = tpu.memref_slice %arg6[%multiple_of3A, %dma_wait3A_83] : memref<10000x128xf32, #tpu.memory_space<hbm>> -> memref<624x128xf32, #tpu.memory_space<hbm>>
          %dma_wait3A_85 = arith.constant 0 : i32
          %dma_wait3A_86 = tpu.memref_slice %arg12[%multiple_of3A, %dma_wait3A_85] : memref<10000x128xf32, #tpu.memory_space<vmem_shared>> -> memref<624x128xf32, #tpu.memory_space<vmem_shared>>
          tpu.wait_dma2 semaphore(%run_scoped3A_78 : memref<!tpu.dma_semaphore, #tpu.memory_space<semaphore_mem>>) src(%dma_wait3A_86 : memref<624x128xf32, #tpu.memory_space<vmem_shared>>) dst(%dma_wait3A_84 : memref<624x128xf32, #tpu.memory_space<hbm>>)
          tpu.yield
        }) : () -> ()
      } else {
      }
      %eq3A_73 = arith.constant 15 : i32
      %eq3A_74 = arith.cmpi eq, %arg1, %eq3A_73 : i32
      %convert_element_type3A_75 = arith.extui %eq3A_74 : i1 to i32
      %cond3A_76 = arith.constant 0 : i32
      %cond3A_77 = arith.cmpi ne, %convert_element_type3A_75, %cond3A_76 : i32
      scf.if %cond3A_77 {
        "tpu.region"() ({
          %run_scoped3A_78 = tpu.sem_alloc : memref<!tpu.dma_semaphore, #tpu.memory_space<semaphore_mem>>
          %dma_start3A_79 = arith.constant 0 : i32
          %dma_start3A_80 = tpu.memref_slice %arg6[%multiple_of3A, %dma_start3A_79] : memref<10000x128xf32, #tpu.memory_space<hbm>> -> memref<640x128xf32, #tpu.memory_space<hbm>>
          %dma_start3A_81 = arith.constant 0 : i32
          %dma_start3A_82 = tpu.memref_slice %arg12[%multiple_of3A, %dma_start3A_81] : memref<10000x128xf32, #tpu.memory_space<vmem_shared>> -> memref<640x128xf32, #tpu.memory_space<vmem_shared>>
          tpu.enqueue_dma source(%dma_start3A_82 : memref<640x128xf32, #tpu.memory_space<vmem_shared>>) target(%dma_start3A_80 : memref<640x128xf32, #tpu.memory_space<hbm>>) target_semaphore(%run_scoped3A_78 : memref<!tpu.dma_semaphore, #tpu.memory_space<semaphore_mem>>)
          %dma_wait3A_83 = arith.constant 0 : i32
          %dma_wait3A_84 = tpu.memref_slice %arg6[%multiple_of3A, %dma_wait3A_83] : memref<10000x128xf32, #tpu.memory_space<hbm>> -> memref<640x128xf32, #tpu.memory_space<hbm>>
          %dma_wait3A_85 = arith.constant 0 : i32
          %dma_wait3A_86 = tpu.memref_slice %arg12[%multiple_of3A, %dma_wait3A_85] : memref<10000x128xf32, #tpu.memory_space<vmem_shared>> -> memref<640x128xf32, #tpu.memory_space<vmem_shared>>
          tpu.wait_dma2 semaphore(%run_scoped3A_78 : memref<!tpu.dma_semaphore, #tpu.memory_space<semaphore_mem>>) src(%dma_wait3A_86 : memref<640x128xf32, #tpu.memory_space<vmem_shared>>) dst(%dma_wait3A_84 : memref<640x128xf32, #tpu.memory_space<hbm>>)
          tpu.yield
        }) : () -> ()
      } else {
      }
    } else {
    }
    %eq3A_63 = arith.constant 1 : i32
    %eq3A_64 = arith.cmpi eq, %arg0, %eq3A_63 : i32
    %convert_element_type3A_65 = arith.extui %eq3A_64 : i1 to i32
    %cond3A_66 = arith.constant 0 : i32
    %cond3A_67 = arith.cmpi ne, %convert_element_type3A_65, %cond3A_66 : i32
    scf.if %cond3A_67 {
      %lt3A_68 = arith.constant 15 : i32
      %lt3A_69 = arith.cmpi slt, %arg1, %lt3A_68 : i32
      %convert_element_type3A_70 = arith.extui %lt3A_69 : i1 to i32
      %cond3A_71 = arith.constant 0 : i32
      %cond3A_72 = arith.cmpi ne, %convert_element_type3A_70, %cond3A_71 : i32
      scf.if %cond3A_72 {
        "tpu.region"() ({
          %run_scoped3A_78 = tpu.sem_alloc : memref<!tpu.dma_semaphore, #tpu.memory_space<semaphore_mem>>
          %dma_start3A_79 = arith.constant 0 : i32
          %dma_start3A_80 = tpu.memref_slice %arg7[%multiple_of3A, %dma_start3A_79] : memref<10000x128xf32, #tpu.memory_space<hbm>> -> memref<624x128xf32, #tpu.memory_space<hbm>>
          %dma_start3A_81 = arith.constant 0 : i32
          %dma_start3A_82 = tpu.memref_slice %arg12[%multiple_of3A, %dma_start3A_81] : memref<10000x128xf32, #tpu.memory_space<vmem_shared>> -> memref<624x128xf32, #tpu.memory_space<vmem_shared>>
          tpu.enqueue_dma source(%dma_start3A_82 : memref<624x128xf32, #tpu.memory_space<vmem_shared>>) target(%dma_start3A_80 : memref<624x128xf32, #tpu.memory_space<hbm>>) target_semaphore(%run_scoped3A_78 : memref<!tpu.dma_semaphore, #tpu.memory_space<semaphore_mem>>)
          %dma_wait3A_83 = arith.constant 0 : i32
          %dma_wait3A_84 = tpu.memref_slice %arg7[%multiple_of3A, %dma_wait3A_83] : memref<10000x128xf32, #tpu.memory_space<hbm>> -> memref<624x128xf32, #tpu.memory_space<hbm>>
          %dma_wait3A_85 = arith.constant 0 : i32
          %dma_wait3A_86 = tpu.memref_slice %arg12[%multiple_of3A, %dma_wait3A_85] : memref<10000x128xf32, #tpu.memory_space<vmem_shared>> -> memref<624x128xf32, #tpu.memory_space<vmem_shared>>
          tpu.wait_dma2 semaphore(%run_scoped3A_78 : memref<!tpu.dma_semaphore, #tpu.memory_space<semaphore_mem>>) src(%dma_wait3A_86 : memref<624x128xf32, #tpu.memory_space<vmem_shared>>) dst(%dma_wait3A_84 : memref<624x128xf32, #tpu.memory_space<hbm>>)
          tpu.yield
        }) : () -> ()
      } else {
      }
      %eq3A_73 = arith.constant 15 : i32
      %eq3A_74 = arith.cmpi eq, %arg1, %eq3A_73 : i32
      %convert_element_type3A_75 = arith.extui %eq3A_74 : i1 to i32
      %cond3A_76 = arith.constant 0 : i32
      %cond3A_77 = arith.cmpi ne, %convert_element_type3A_75, %cond3A_76 : i32
      scf.if %cond3A_77 {
        "tpu.region"() ({
          %run_scoped3A_78 = tpu.sem_alloc : memref<!tpu.dma_semaphore, #tpu.memory_space<semaphore_mem>>
          %dma_start3A_79 = arith.constant 0 : i32
          %dma_start3A_80 = tpu.memref_slice %arg7[%multiple_of3A, %dma_start3A_79] : memref<10000x128xf32, #tpu.memory_space<hbm>> -> memref<640x128xf32, #tpu.memory_space<hbm>>
          %dma_start3A_81 = arith.constant 0 : i32
          %dma_start3A_82 = tpu.memref_slice %arg12[%multiple_of3A, %dma_start3A_81] : memref<10000x128xf32, #tpu.memory_space<vmem_shared>> -> memref<640x128xf32, #tpu.memory_space<vmem_shared>>
          tpu.enqueue_dma source(%dma_start3A_82 : memref<640x128xf32, #tpu.memory_space<vmem_shared>>) target(%dma_start3A_80 : memref<640x128xf32, #tpu.memory_space<hbm>>) target_semaphore(%run_scoped3A_78 : memref<!tpu.dma_semaphore, #tpu.memory_space<semaphore_mem>>)
          %dma_wait3A_83 = arith.constant 0 : i32
          %dma_wait3A_84 = tpu.memref_slice %arg7[%multiple_of3A, %dma_wait3A_83] : memref<10000x128xf32, #tpu.memory_space<hbm>> -> memref<640x128xf32, #tpu.memory_space<hbm>>
          %dma_wait3A_85 = arith.constant 0 : i32
          %dma_wait3A_86 = tpu.memref_slice %arg12[%multiple_of3A, %dma_wait3A_85] : memref<10000x128xf32, #tpu.memory_space<vmem_shared>> -> memref<640x128xf32, #tpu.memory_space<vmem_shared>>
          tpu.wait_dma2 semaphore(%run_scoped3A_78 : memref<!tpu.dma_semaphore, #tpu.memory_space<semaphore_mem>>) src(%dma_wait3A_86 : memref<640x128xf32, #tpu.memory_space<vmem_shared>>) dst(%dma_wait3A_84 : memref<640x128xf32, #tpu.memory_space<hbm>>)
          tpu.yield
        }) : () -> ()
      } else {
      }
    } else {
    }
    return
  }
}

#map = affine_map<(d0, d1) -> (0, 0)>
#map1 = affine_map<(d0, d1) -> (0, 0, 0)>
module attributes {stable_mosaic.version = 14 : i64} {
  func.func @scat_kernel(%arg0: i32, %arg1: i32, %arg2: memref<10000x128xf32, #tpu.memory_space<hbm>>, %arg3: memref<32x10000xi32, #tpu.memory_space<hbm>>, %arg4: memref<32x125x80xi32, #tpu.memory_space<hbm>>, %arg5: memref<640x128xf32, #tpu.memory_space<hbm>>, %arg6: memref<10000x128xf32, #tpu.memory_space<hbm>>, %arg7: memref<10000x128xf32, #tpu.memory_space<hbm>>, %arg8: memref<10000xi32, #tpu.memory_space<vmem>>, %arg9: memref<125x80xi32, #tpu.memory_space<vmem>>, %arg10: memref<80x128xf32, #tpu.memory_space<vmem>>, %arg11: memref<80x128xf32, #tpu.memory_space<vmem>>, %arg12: memref<10000x128xf32, #tpu.memory_space<vmem_shared>>, %arg13: memref<!tpu.dma_semaphore, #tpu.memory_space<semaphore_mem>>, %arg14: memref<!tpu.dma_semaphore, #tpu.memory_space<semaphore_mem>>, %arg15: memref<!tpu.dma_semaphore, #tpu.memory_space<semaphore_mem>>, %arg16: memref<!tpu.dma_semaphore, #tpu.memory_space<semaphore_mem>>) attributes {dimension_semantics = [#tpu.dimension_semantics<core_parallel>, #tpu.dimension_semantics<subcore_parallel>], iteration_bounds = array<i64: 2, 16>, scalar_prefetch = 0 : i64, scratch_operands = 9 : i64, tpu.core_type = #tpu.core_type<sc_vector_subcore>, window_params = [{transform_indices = #map}, {transform_indices = #map}, {transform_indices = #map1}, {transform_indices = #map}, {transform_indices = #map}, {transform_indices = #map}]} {
    %mul3A = arith.constant 2 : i32
    %mul3A_0 = arith.muli %arg1, %mul3A : i32
    %add3A = arith.addi %mul3A_0, %arg0 : i32
    %mul3A_1 = arith.constant 624 : i32
    %mul3A_2 = arith.muli %arg1, %mul3A_1 : i32
    %multiple_of3A = tpu.assume_multiple %mul3A_2, 8 : i32
    %dma_start3A = arith.constant 0 : i32
    %dma_start3A_3 = tpu.memref_slice %arg3[%add3A, %dma_start3A] : memref<32x10000xi32, #tpu.memory_space<hbm>> -> memref<1x10000xi32, #tpu.memory_space<hbm>>
    %dma_start3A_4 = tpu.memref_squeeze %dma_start3A_3 : memref<1x10000xi32, #tpu.memory_space<hbm>> -> memref<10000xi32, #tpu.memory_space<hbm>>
    %dma_start3A_5 = arith.constant 0 : i32
    %dma_start3A_6 = tpu.memref_slice %arg3[%add3A, %dma_start3A_5] : memref<32x10000xi32, #tpu.memory_space<hbm>> -> memref<1x10000xi32, #tpu.memory_space<hbm>>
    %dma_start3A_7 = tpu.memref_squeeze %dma_start3A_6 : memref<1x10000xi32, #tpu.memory_space<hbm>> -> memref<10000xi32, #tpu.memory_space<hbm>>
    tpu.enqueue_dma source(%dma_start3A_7 : memref<10000xi32, #tpu.memory_space<hbm>>) target(%arg8 : memref<10000xi32, #tpu.memory_space<vmem>>) target_semaphore(%arg13 : memref<!tpu.dma_semaphore, #tpu.memory_space<semaphore_mem>>)
    %dma_start3A_8 = arith.constant 0 : i32
    %dma_start3A_9 = arith.constant 0 : i32
    %dma_start3A_10 = tpu.memref_slice %arg4[%add3A, %dma_start3A_8, %dma_start3A_9] : memref<32x125x80xi32, #tpu.memory_space<hbm>> -> memref<1x125x80xi32, #tpu.memory_space<hbm>>
    %dma_start3A_11 = tpu.memref_squeeze %dma_start3A_10 : memref<1x125x80xi32, #tpu.memory_space<hbm>> -> memref<125x80xi32, #tpu.memory_space<hbm>>
    %dma_start3A_12 = arith.constant 0 : i32
    %dma_start3A_13 = arith.constant 0 : i32
    %dma_start3A_14 = tpu.memref_slice %arg4[%add3A, %dma_start3A_12, %dma_start3A_13] : memref<32x125x80xi32, #tpu.memory_space<hbm>> -> memref<1x125x80xi32, #tpu.memory_space<hbm>>
    %dma_start3A_15 = tpu.memref_squeeze %dma_start3A_14 : memref<1x125x80xi32, #tpu.memory_space<hbm>> -> memref<125x80xi32, #tpu.memory_space<hbm>>
    tpu.enqueue_dma source(%dma_start3A_15 : memref<125x80xi32, #tpu.memory_space<hbm>>) target(%arg9 : memref<125x80xi32, #tpu.memory_space<vmem>>) target_semaphore(%arg14 : memref<!tpu.dma_semaphore, #tpu.memory_space<semaphore_mem>>)
    %lt3A = arith.constant 15 : i32
    %lt3A_16 = arith.cmpi slt, %arg1, %lt3A : i32
    %convert_element_type3A = arith.extui %lt3A_16 : i1 to i32
    %cond3A = arith.constant 0 : i32
    %cond3A_17 = arith.cmpi ne, %convert_element_type3A, %cond3A : i32
    scf.if %cond3A_17 {
      %dma_start3A_68 = arith.constant 0 : i32
      %dma_start3A_69 = tpu.memref_slice %arg12[%multiple_of3A, %dma_start3A_68] : memref<10000x128xf32, #tpu.memory_space<vmem_shared>> -> memref<624x128xf32, #tpu.memory_space<vmem_shared>>
      %dma_start3A_70 = arith.constant 0 : i32
      %dma_start3A_71 = arith.constant 0 : i32
      %dma_start3A_72 = tpu.memref_slice %arg5[%dma_start3A_70, %dma_start3A_71] : memref<640x128xf32, #tpu.memory_space<hbm>> -> memref<624x128xf32, #tpu.memory_space<hbm>>
      tpu.enqueue_dma source(%dma_start3A_72 : memref<624x128xf32, #tpu.memory_space<hbm>>) target(%dma_start3A_69 : memref<624x128xf32, #tpu.memory_space<vmem_shared>>) target_semaphore(%arg15 : memref<!tpu.dma_semaphore, #tpu.memory_space<semaphore_mem>>)
      %dma_wait3A_73 = arith.constant 0 : i32
      %dma_wait3A_74 = tpu.memref_slice %arg12[%multiple_of3A, %dma_wait3A_73] : memref<10000x128xf32, #tpu.memory_space<vmem_shared>> -> memref<624x128xf32, #tpu.memory_space<vmem_shared>>
      %dma_wait3A_75 = arith.constant 0 : i32
      %dma_wait3A_76 = arith.constant 0 : i32
      %dma_wait3A_77 = tpu.memref_slice %arg5[%dma_wait3A_75, %dma_wait3A_76] : memref<640x128xf32, #tpu.memory_space<hbm>> -> memref<624x128xf32, #tpu.memory_space<hbm>>
      tpu.wait_dma2 semaphore(%arg15 : memref<!tpu.dma_semaphore, #tpu.memory_space<semaphore_mem>>) src(%dma_wait3A_77 : memref<624x128xf32, #tpu.memory_space<hbm>>) dst(%dma_wait3A_74 : memref<624x128xf32, #tpu.memory_space<vmem_shared>>)
    } else {
    }
    %eq3A = arith.constant 15 : i32
    %eq3A_18 = arith.cmpi eq, %arg1, %eq3A : i32
    %convert_element_type3A_19 = arith.extui %eq3A_18 : i1 to i32
    %cond3A_20 = arith.constant 0 : i32
    %cond3A_21 = arith.cmpi ne, %convert_element_type3A_19, %cond3A_20 : i32
    scf.if %cond3A_21 {
      %dma_start3A_68 = arith.constant 0 : i32
      %dma_start3A_69 = tpu.memref_slice %arg12[%multiple_of3A, %dma_start3A_68] : memref<10000x128xf32, #tpu.memory_space<vmem_shared>> -> memref<640x128xf32, #tpu.memory_space<vmem_shared>>
      tpu.enqueue_dma source(%arg5 : memref<640x128xf32, #tpu.memory_space<hbm>>) target(%dma_start3A_69 : memref<640x128xf32, #tpu.memory_space<vmem_shared>>) target_semaphore(%arg15 : memref<!tpu.dma_semaphore, #tpu.memory_space<semaphore_mem>>)
      %dma_wait3A_70 = arith.constant 0 : i32
      %dma_wait3A_71 = tpu.memref_slice %arg12[%multiple_of3A, %dma_wait3A_70] : memref<10000x128xf32, #tpu.memory_space<vmem_shared>> -> memref<640x128xf32, #tpu.memory_space<vmem_shared>>
      tpu.wait_dma2 semaphore(%arg15 : memref<!tpu.dma_semaphore, #tpu.memory_space<semaphore_mem>>) src(%arg5 : memref<640x128xf32, #tpu.memory_space<hbm>>) dst(%dma_wait3A_71 : memref<640x128xf32, #tpu.memory_space<vmem_shared>>)
    } else {
    }
    %dma_wait3A = arith.constant 0 : i32
    %dma_wait3A_22 = tpu.memref_slice %arg3[%add3A, %dma_wait3A] : memref<32x10000xi32, #tpu.memory_space<hbm>> -> memref<1x10000xi32, #tpu.memory_space<hbm>>
    %dma_wait3A_23 = tpu.memref_squeeze %dma_wait3A_22 : memref<1x10000xi32, #tpu.memory_space<hbm>> -> memref<10000xi32, #tpu.memory_space<hbm>>
    %dma_wait3A_24 = arith.constant 0 : i32
    %dma_wait3A_25 = tpu.memref_slice %arg3[%add3A, %dma_wait3A_24] : memref<32x10000xi32, #tpu.memory_space<hbm>> -> memref<1x10000xi32, #tpu.memory_space<hbm>>
    %dma_wait3A_26 = tpu.memref_squeeze %dma_wait3A_25 : memref<1x10000xi32, #tpu.memory_space<hbm>> -> memref<10000xi32, #tpu.memory_space<hbm>>
    tpu.wait_dma2 semaphore(%arg13 : memref<!tpu.dma_semaphore, #tpu.memory_space<semaphore_mem>>) src(%dma_wait3A_26 : memref<10000xi32, #tpu.memory_space<hbm>>) dst(%arg8 : memref<10000xi32, #tpu.memory_space<vmem>>)
    %dma_wait3A_27 = arith.constant 0 : i32
    %dma_wait3A_28 = arith.constant 0 : i32
    %dma_wait3A_29 = tpu.memref_slice %arg4[%add3A, %dma_wait3A_27, %dma_wait3A_28] : memref<32x125x80xi32, #tpu.memory_space<hbm>> -> memref<1x125x80xi32, #tpu.memory_space<hbm>>
    %dma_wait3A_30 = tpu.memref_squeeze %dma_wait3A_29 : memref<1x125x80xi32, #tpu.memory_space<hbm>> -> memref<125x80xi32, #tpu.memory_space<hbm>>
    %dma_wait3A_31 = arith.constant 0 : i32
    %dma_wait3A_32 = arith.constant 0 : i32
    %dma_wait3A_33 = tpu.memref_slice %arg4[%add3A, %dma_wait3A_31, %dma_wait3A_32] : memref<32x125x80xi32, #tpu.memory_space<hbm>> -> memref<1x125x80xi32, #tpu.memory_space<hbm>>
    %dma_wait3A_34 = tpu.memref_squeeze %dma_wait3A_33 : memref<1x125x80xi32, #tpu.memory_space<hbm>> -> memref<125x80xi32, #tpu.memory_space<hbm>>
    tpu.wait_dma2 semaphore(%arg14 : memref<!tpu.dma_semaphore, #tpu.memory_space<semaphore_mem>>) src(%dma_wait3A_34 : memref<125x80xi32, #tpu.memory_space<hbm>>) dst(%arg9 : memref<125x80xi32, #tpu.memory_space<vmem>>)
    %barrier3A = arith.constant 0 : index
    tpu.barrier barrier_id(%barrier3A)
    %dma_start3A_35 = arith.constant 0 : i32
    %dma_start3A_36 = tpu.memref_slice %arg8[%dma_start3A_35] : memref<10000xi32, #tpu.memory_space<vmem>> -> memref<80xi32, #tpu.memory_space<vmem>>
    %dma_start3A_37 = arith.constant 0 : i32
    %dma_start3A_38 = arith.constant 0 : i32
    %dma_start3A_39 = tpu.memref_slice %arg2[%dma_start3A_37, %dma_start3A_38] : memref<10000x128xf32, #tpu.memory_space<hbm>> -> memref<10000x128xf32, #tpu.memory_space<hbm>>
    tpu.enqueue_indirect_dma source(%dma_start3A_39 : memref<10000x128xf32, #tpu.memory_space<hbm>>) target(%arg10 : memref<80x128xf32, #tpu.memory_space<vmem>>) offsets(%dma_start3A_36 : memref<80xi32, #tpu.memory_space<vmem>>) semaphore(%arg13 : memref<!tpu.dma_semaphore, #tpu.memory_space<semaphore_mem>>)
    %scan3A = arith.constant 0 : i32
    %scan3A_40 = arith.constant 0 : i32
    %scan3A_41 = arith.constant 62 : i32
    %scan3A_42 = arith.addi %scan3A_40, %scan3A_41 : i32
    %scan3A_43 = arith.constant 1 : i32
    scf.for %scan3A_68 = %scan3A_40 to %scan3A_42 step %scan3A_43  : i32 {
      %mul3A_69 = arith.constant 2 : i32
      %mul3A_70 = arith.muli %mul3A_69, %scan3A_68 : i32
      %add3A_71 = arith.constant 1 : i32
      %add3A_72 = arith.addi %mul3A_70, %add3A_71 : i32
      %gt3A = arith.constant 0 : i32
      %gt3A_73 = arith.cmpi sgt, %scan3A_68, %gt3A : i32
      %convert_element_type3A_74 = arith.extui %gt3A_73 : i1 to i32
      %cond3A_75 = arith.constant 0 : i32
      %cond3A_76 = arith.cmpi ne, %convert_element_type3A_74, %cond3A_75 : i32
      scf.if %cond3A_76 {
        %sub3A = arith.constant 1 : i32
        %sub3A_120 = arith.subi %mul3A_70, %sub3A : i32
        %dma_wait3A_121 = arith.constant 0 : i32
        %dma_wait3A_122 = tpu.memref_slice %arg9[%sub3A_120, %dma_wait3A_121] : memref<125x80xi32, #tpu.memory_space<vmem>> -> memref<1x80xi32, #tpu.memory_space<vmem>>
        %dma_wait3A_123 = tpu.memref_squeeze %dma_wait3A_122 : memref<1x80xi32, #tpu.memory_space<vmem>> -> memref<80xi32, #tpu.memory_space<vmem>>
        %dma_wait3A_124 = arith.constant 0 : i32
        %dma_wait3A_125 = arith.constant 0 : i32
        %dma_wait3A_126 = tpu.memref_slice %arg12[%dma_wait3A_124, %dma_wait3A_125] : memref<10000x128xf32, #tpu.memory_space<vmem_shared>> -> memref<10000x128xf32, #tpu.memory_space<vmem_shared>>
        tpu.wait_indirect_dma semaphore(%arg16 : memref<!tpu.dma_semaphore, #tpu.memory_space<semaphore_mem>>) src(%arg11 : memref<80x128xf32, #tpu.memory_space<vmem>>) dst(%dma_wait3A_126 : memref<10000x128xf32, #tpu.memory_space<vmem_shared>>)
      } else {
      }
      %mul3A_77 = arith.constant 80 : i32
      %mul3A_78 = arith.muli %add3A_72, %mul3A_77 : i32
      %dma_start3A_79 = tpu.memref_slice %arg8[%mul3A_78] : memref<10000xi32, #tpu.memory_space<vmem>> -> memref<80xi32, #tpu.memory_space<vmem>>
      %dma_start3A_80 = arith.constant 0 : i32
      %dma_start3A_81 = arith.constant 0 : i32
      %dma_start3A_82 = tpu.memref_slice %arg2[%dma_start3A_80, %dma_start3A_81] : memref<10000x128xf32, #tpu.memory_space<hbm>> -> memref<10000x128xf32, #tpu.memory_space<hbm>>
      tpu.enqueue_indirect_dma source(%dma_start3A_82 : memref<10000x128xf32, #tpu.memory_space<hbm>>) target(%arg11 : memref<80x128xf32, #tpu.memory_space<vmem>>) offsets(%dma_start3A_79 : memref<80xi32, #tpu.memory_space<vmem>>) semaphore(%arg14 : memref<!tpu.dma_semaphore, #tpu.memory_space<semaphore_mem>>)
      %mul3A_83 = arith.constant 80 : i32
      %mul3A_84 = arith.muli %mul3A_70, %mul3A_83 : i32
      %dma_wait3A_85 = tpu.memref_slice %arg8[%mul3A_84] : memref<10000xi32, #tpu.memory_space<vmem>> -> memref<80xi32, #tpu.memory_space<vmem>>
      %dma_wait3A_86 = arith.constant 0 : i32
      %dma_wait3A_87 = arith.constant 0 : i32
      %dma_wait3A_88 = tpu.memref_slice %arg2[%dma_wait3A_86, %dma_wait3A_87] : memref<10000x128xf32, #tpu.memory_space<hbm>> -> memref<10000x128xf32, #tpu.memory_space<hbm>>
      tpu.wait_indirect_dma semaphore(%arg13 : memref<!tpu.dma_semaphore, #tpu.memory_space<semaphore_mem>>) src(%dma_wait3A_88 : memref<10000x128xf32, #tpu.memory_space<hbm>>) dst(%arg10 : memref<80x128xf32, #tpu.memory_space<vmem>>)
      %dma_start3A_89 = arith.constant 0 : i32
      %dma_start3A_90 = tpu.memref_slice %arg9[%mul3A_70, %dma_start3A_89] : memref<125x80xi32, #tpu.memory_space<vmem>> -> memref<1x80xi32, #tpu.memory_space<vmem>>
      %dma_start3A_91 = tpu.memref_squeeze %dma_start3A_90 : memref<1x80xi32, #tpu.memory_space<vmem>> -> memref<80xi32, #tpu.memory_space<vmem>>
      %dma_start3A_92 = arith.constant 0 : i32
      %dma_start3A_93 = arith.constant 0 : i32
      %dma_start3A_94 = tpu.memref_slice %arg12[%dma_start3A_92, %dma_start3A_93] : memref<10000x128xf32, #tpu.memory_space<vmem_shared>> -> memref<10000x128xf32, #tpu.memory_space<vmem_shared>>
      tpu.enqueue_indirect_dma source(%arg10 : memref<80x128xf32, #tpu.memory_space<vmem>>) target(%dma_start3A_94 : memref<10000x128xf32, #tpu.memory_space<vmem_shared>>) offsets(%dma_start3A_91 : memref<80xi32, #tpu.memory_space<vmem>>) semaphore(%arg15 : memref<!tpu.dma_semaphore, #tpu.memory_space<semaphore_mem>>) {add = true}
      %dma_wait3A_95 = arith.constant 0 : i32
      %dma_wait3A_96 = tpu.memref_slice %arg9[%mul3A_70, %dma_wait3A_95] : memref<125x80xi32, #tpu.memory_space<vmem>> -> memref<1x80xi32, #tpu.memory_space<vmem>>
      %dma_wait3A_97 = tpu.memref_squeeze %dma_wait3A_96 : memref<1x80xi32, #tpu.memory_space<vmem>> -> memref<80xi32, #tpu.memory_space<vmem>>
      %dma_wait3A_98 = arith.constant 0 : i32
      %dma_wait3A_99 = arith.constant 0 : i32
      %dma_wait3A_100 = tpu.memref_slice %arg12[%dma_wait3A_98, %dma_wait3A_99] : memref<10000x128xf32, #tpu.memory_space<vmem_shared>> -> memref<10000x128xf32, #tpu.memory_space<vmem_shared>>
      tpu.wait_indirect_dma semaphore(%arg15 : memref<!tpu.dma_semaphore, #tpu.memory_space<semaphore_mem>>) src(%arg10 : memref<80x128xf32, #tpu.memory_space<vmem>>) dst(%dma_wait3A_100 : memref<10000x128xf32, #tpu.memory_space<vmem_shared>>)
      %add3A_101 = arith.constant 2 : i32
      %add3A_102 = arith.addi %mul3A_70, %add3A_101 : i32
      %lt3A_103 = arith.constant 125 : i32
      %lt3A_104 = arith.cmpi slt, %add3A_102, %lt3A_103 : i32
      %convert_element_type3A_105 = arith.extui %lt3A_104 : i1 to i32
      %cond3A_106 = arith.constant 0 : i32
      %cond3A_107 = arith.cmpi ne, %convert_element_type3A_105, %cond3A_106 : i32
      scf.if %cond3A_107 {
        %add3A_120 = arith.constant 2 : i32
        %add3A_121 = arith.addi %mul3A_70, %add3A_120 : i32
        %mul3A_122 = arith.constant 80 : i32
        %mul3A_123 = arith.muli %add3A_121, %mul3A_122 : i32
        %dma_start3A_124 = tpu.memref_slice %arg8[%mul3A_123] : memref<10000xi32, #tpu.memory_space<vmem>> -> memref<80xi32, #tpu.memory_space<vmem>>
        %dma_start3A_125 = arith.constant 0 : i32
        %dma_start3A_126 = arith.constant 0 : i32
        %dma_start3A_127 = tpu.memref_slice %arg2[%dma_start3A_125, %dma_start3A_126] : memref<10000x128xf32, #tpu.memory_space<hbm>> -> memref<10000x128xf32, #tpu.memory_space<hbm>>
        tpu.enqueue_indirect_dma source(%dma_start3A_127 : memref<10000x128xf32, #tpu.memory_space<hbm>>) target(%arg10 : memref<80x128xf32, #tpu.memory_space<vmem>>) offsets(%dma_start3A_124 : memref<80xi32, #tpu.memory_space<vmem>>) semaphore(%arg13 : memref<!tpu.dma_semaphore, #tpu.memory_space<semaphore_mem>>)
      } else {
      }
      %mul3A_108 = arith.constant 80 : i32
      %mul3A_109 = arith.muli %add3A_72, %mul3A_108 : i32
      %dma_wait3A_110 = tpu.memref_slice %arg8[%mul3A_109] : memref<10000xi32, #tpu.memory_space<vmem>> -> memref<80xi32, #tpu.memory_space<vmem>>
      %dma_wait3A_111 = arith.constant 0 : i32
      %dma_wait3A_112 = arith.constant 0 : i32
      %dma_wait3A_113 = tpu.memref_slice %arg2[%dma_wait3A_111, %dma_wait3A_112] : memref<10000x128xf32, #tpu.memory_space<hbm>> -> memref<10000x128xf32, #tpu.memory_space<hbm>>
      tpu.wait_indirect_dma semaphore(%arg14 : memref<!tpu.dma_semaphore, #tpu.memory_space<semaphore_mem>>) src(%dma_wait3A_113 : memref<10000x128xf32, #tpu.memory_space<hbm>>) dst(%arg11 : memref<80x128xf32, #tpu.memory_space<vmem>>)
      %dma_start3A_114 = arith.constant 0 : i32
      %dma_start3A_115 = tpu.memref_slice %arg9[%add3A_72, %dma_start3A_114] : memref<125x80xi32, #tpu.memory_space<vmem>> -> memref<1x80xi32, #tpu.memory_space<vmem>>
      %dma_start3A_116 = tpu.memref_squeeze %dma_start3A_115 : memref<1x80xi32, #tpu.memory_space<vmem>> -> memref<80xi32, #tpu.memory_space<vmem>>
      %dma_start3A_117 = arith.constant 0 : i32
      %dma_start3A_118 = arith.constant 0 : i32
      %dma_start3A_119 = tpu.memref_slice %arg12[%dma_start3A_117, %dma_start3A_118] : memref<10000x128xf32, #tpu.memory_space<vmem_shared>> -> memref<10000x128xf32, #tpu.memory_space<vmem_shared>>
      tpu.enqueue_indirect_dma source(%arg11 : memref<80x128xf32, #tpu.memory_space<vmem>>) target(%dma_start3A_119 : memref<10000x128xf32, #tpu.memory_space<vmem_shared>>) offsets(%dma_start3A_116 : memref<80xi32, #tpu.memory_space<vmem>>) semaphore(%arg16 : memref<!tpu.dma_semaphore, #tpu.memory_space<semaphore_mem>>) {add = true}
    }
    %scan3A_44 = arith.constant 62 : i32
    %dma_wait3A_45 = arith.constant 123 : i32
    %dma_wait3A_46 = arith.constant 0 : i32
    %dma_wait3A_47 = tpu.memref_slice %arg9[%dma_wait3A_45, %dma_wait3A_46] : memref<125x80xi32, #tpu.memory_space<vmem>> -> memref<1x80xi32, #tpu.memory_space<vmem>>
    %dma_wait3A_48 = tpu.memref_squeeze %dma_wait3A_47 : memref<1x80xi32, #tpu.memory_space<vmem>> -> memref<80xi32, #tpu.memory_space<vmem>>
    %dma_wait3A_49 = arith.constant 0 : i32
    %dma_wait3A_50 = arith.constant 0 : i32
    %dma_wait3A_51 = tpu.memref_slice %arg12[%dma_wait3A_49, %dma_wait3A_50] : memref<10000x128xf32, #tpu.memory_space<vmem_shared>> -> memref<10000x128xf32, #tpu.memory_space<vmem_shared>>
    tpu.wait_indirect_dma semaphore(%arg16 : memref<!tpu.dma_semaphore, #tpu.memory_space<semaphore_mem>>) src(%arg11 : memref<80x128xf32, #tpu.memory_space<vmem>>) dst(%dma_wait3A_51 : memref<10000x128xf32, #tpu.memory_space<vmem_shared>>)
    %dma_wait3A_52 = arith.constant 9920 : i32
    %dma_wait3A_53 = tpu.memref_slice %arg8[%dma_wait3A_52] : memref<10000xi32, #tpu.memory_space<vmem>> -> memref<80xi32, #tpu.memory_space<vmem>>
    %dma_wait3A_54 = arith.constant 0 : i32
    %dma_wait3A_55 = arith.constant 0 : i32
    %dma_wait3A_56 = tpu.memref_slice %arg2[%dma_wait3A_54, %dma_wait3A_55] : memref<10000x128xf32, #tpu.memory_space<hbm>> -> memref<10000x128xf32, #tpu.memory_space<hbm>>
    tpu.wait_indirect_dma semaphore(%arg13 : memref<!tpu.dma_semaphore, #tpu.memory_space<semaphore_mem>>) src(%dma_wait3A_56 : memref<10000x128xf32, #tpu.memory_space<hbm>>) dst(%arg10 : memref<80x128xf32, #tpu.memory_space<vmem>>)
    %run_scoped3A = arith.constant 124 : i32
    "tpu.region"() ({
      %run_scoped3A_68 = tpu.sem_alloc : memref<!tpu.dma_semaphore, #tpu.memory_space<semaphore_mem>>
      %dma_start3A_69 = arith.constant 0 : i32
      %dma_start3A_70 = tpu.memref_slice %arg9[%run_scoped3A, %dma_start3A_69] : memref<125x80xi32, #tpu.memory_space<vmem>> -> memref<1x80xi32, #tpu.memory_space<vmem>>
      %dma_start3A_71 = tpu.memref_squeeze %dma_start3A_70 : memref<1x80xi32, #tpu.memory_space<vmem>> -> memref<80xi32, #tpu.memory_space<vmem>>
      %dma_start3A_72 = arith.constant 0 : i32
      %dma_start3A_73 = arith.constant 0 : i32
      %dma_start3A_74 = tpu.memref_slice %arg12[%dma_start3A_72, %dma_start3A_73] : memref<10000x128xf32, #tpu.memory_space<vmem_shared>> -> memref<10000x128xf32, #tpu.memory_space<vmem_shared>>
      tpu.enqueue_indirect_dma source(%arg10 : memref<80x128xf32, #tpu.memory_space<vmem>>) target(%dma_start3A_74 : memref<10000x128xf32, #tpu.memory_space<vmem_shared>>) offsets(%dma_start3A_71 : memref<80xi32, #tpu.memory_space<vmem>>) semaphore(%run_scoped3A_68 : memref<!tpu.dma_semaphore, #tpu.memory_space<semaphore_mem>>) {add = true}
      %dma_wait3A_75 = arith.constant 0 : i32
      %dma_wait3A_76 = tpu.memref_slice %arg9[%run_scoped3A, %dma_wait3A_75] : memref<125x80xi32, #tpu.memory_space<vmem>> -> memref<1x80xi32, #tpu.memory_space<vmem>>
      %dma_wait3A_77 = tpu.memref_squeeze %dma_wait3A_76 : memref<1x80xi32, #tpu.memory_space<vmem>> -> memref<80xi32, #tpu.memory_space<vmem>>
      %dma_wait3A_78 = arith.constant 0 : i32
      %dma_wait3A_79 = arith.constant 0 : i32
      %dma_wait3A_80 = tpu.memref_slice %arg12[%dma_wait3A_78, %dma_wait3A_79] : memref<10000x128xf32, #tpu.memory_space<vmem_shared>> -> memref<10000x128xf32, #tpu.memory_space<vmem_shared>>
      tpu.wait_indirect_dma semaphore(%run_scoped3A_68 : memref<!tpu.dma_semaphore, #tpu.memory_space<semaphore_mem>>) src(%arg10 : memref<80x128xf32, #tpu.memory_space<vmem>>) dst(%dma_wait3A_80 : memref<10000x128xf32, #tpu.memory_space<vmem_shared>>)
      tpu.yield
    }) : () -> ()
    %barrier3A_57 = arith.constant 0 : index
    tpu.barrier barrier_id(%barrier3A_57)
    %eq3A_58 = arith.constant 0 : i32
    %eq3A_59 = arith.cmpi eq, %arg0, %eq3A_58 : i32
    %convert_element_type3A_60 = arith.extui %eq3A_59 : i1 to i32
    %cond3A_61 = arith.constant 0 : i32
    %cond3A_62 = arith.cmpi ne, %convert_element_type3A_60, %cond3A_61 : i32
    scf.if %cond3A_62 {
      %lt3A_68 = arith.constant 15 : i32
      %lt3A_69 = arith.cmpi slt, %arg1, %lt3A_68 : i32
      %convert_element_type3A_70 = arith.extui %lt3A_69 : i1 to i32
      %cond3A_71 = arith.constant 0 : i32
      %cond3A_72 = arith.cmpi ne, %convert_element_type3A_70, %cond3A_71 : i32
      scf.if %cond3A_72 {
        "tpu.region"() ({
          %run_scoped3A_78 = tpu.sem_alloc : memref<!tpu.dma_semaphore, #tpu.memory_space<semaphore_mem>>
          %dma_start3A_79 = arith.constant 0 : i32
          %dma_start3A_80 = tpu.memref_slice %arg6[%multiple_of3A, %dma_start3A_79] : memref<10000x128xf32, #tpu.memory_space<hbm>> -> memref<624x128xf32, #tpu.memory_space<hbm>>
          %dma_start3A_81 = arith.constant 0 : i32
          %dma_start3A_82 = tpu.memref_slice %arg12[%multiple_of3A, %dma_start3A_81] : memref<10000x128xf32, #tpu.memory_space<vmem_shared>> -> memref<624x128xf32, #tpu.memory_space<vmem_shared>>
          tpu.enqueue_dma source(%dma_start3A_82 : memref<624x128xf32, #tpu.memory_space<vmem_shared>>) target(%dma_start3A_80 : memref<624x128xf32, #tpu.memory_space<hbm>>) target_semaphore(%run_scoped3A_78 : memref<!tpu.dma_semaphore, #tpu.memory_space<semaphore_mem>>)
          %dma_wait3A_83 = arith.constant 0 : i32
          %dma_wait3A_84 = tpu.memref_slice %arg6[%multiple_of3A, %dma_wait3A_83] : memref<10000x128xf32, #tpu.memory_space<hbm>> -> memref<624x128xf32, #tpu.memory_space<hbm>>
          %dma_wait3A_85 = arith.constant 0 : i32
          %dma_wait3A_86 = tpu.memref_slice %arg12[%multiple_of3A, %dma_wait3A_85] : memref<10000x128xf32, #tpu.memory_space<vmem_shared>> -> memref<624x128xf32, #tpu.memory_space<vmem_shared>>
          tpu.wait_dma2 semaphore(%run_scoped3A_78 : memref<!tpu.dma_semaphore, #tpu.memory_space<semaphore_mem>>) src(%dma_wait3A_86 : memref<624x128xf32, #tpu.memory_space<vmem_shared>>) dst(%dma_wait3A_84 : memref<624x128xf32, #tpu.memory_space<hbm>>)
          tpu.yield
        }) : () -> ()
      } else {
      }
      %eq3A_73 = arith.constant 15 : i32
      %eq3A_74 = arith.cmpi eq, %arg1, %eq3A_73 : i32
      %convert_element_type3A_75 = arith.extui %eq3A_74 : i1 to i32
      %cond3A_76 = arith.constant 0 : i32
      %cond3A_77 = arith.cmpi ne, %convert_element_type3A_75, %cond3A_76 : i32
      scf.if %cond3A_77 {
        "tpu.region"() ({
          %run_scoped3A_78 = tpu.sem_alloc : memref<!tpu.dma_semaphore, #tpu.memory_space<semaphore_mem>>
          %dma_start3A_79 = arith.constant 0 : i32
          %dma_start3A_80 = tpu.memref_slice %arg6[%multiple_of3A, %dma_start3A_79] : memref<10000x128xf32, #tpu.memory_space<hbm>> -> memref<640x128xf32, #tpu.memory_space<hbm>>
          %dma_start3A_81 = arith.constant 0 : i32
          %dma_start3A_82 = tpu.memref_slice %arg12[%multiple_of3A, %dma_start3A_81] : memref<10000x128xf32, #tpu.memory_space<vmem_shared>> -> memref<640x128xf32, #tpu.memory_space<vmem_shared>>
          tpu.enqueue_dma source(%dma_start3A_82 : memref<640x128xf32, #tpu.memory_space<vmem_shared>>) target(%dma_start3A_80 : memref<640x128xf32, #tpu.memory_space<hbm>>) target_semaphore(%run_scoped3A_78 : memref<!tpu.dma_semaphore, #tpu.memory_space<semaphore_mem>>)
          %dma_wait3A_83 = arith.constant 0 : i32
          %dma_wait3A_84 = tpu.memref_slice %arg6[%multiple_of3A, %dma_wait3A_83] : memref<10000x128xf32, #tpu.memory_space<hbm>> -> memref<640x128xf32, #tpu.memory_space<hbm>>
          %dma_wait3A_85 = arith.constant 0 : i32
          %dma_wait3A_86 = tpu.memref_slice %arg12[%multiple_of3A, %dma_wait3A_85] : memref<10000x128xf32, #tpu.memory_space<vmem_shared>> -> memref<640x128xf32, #tpu.memory_space<vmem_shared>>
          tpu.wait_dma2 semaphore(%run_scoped3A_78 : memref<!tpu.dma_semaphore, #tpu.memory_space<semaphore_mem>>) src(%dma_wait3A_86 : memref<640x128xf32, #tpu.memory_space<vmem_shared>>) dst(%dma_wait3A_84 : memref<640x128xf32, #tpu.memory_space<hbm>>)
          tpu.yield
        }) : () -> ()
      } else {
      }
    } else {
    }
    %eq3A_63 = arith.constant 1 : i32
    %eq3A_64 = arith.cmpi eq, %arg0, %eq3A_63 : i32
    %convert_element_type3A_65 = arith.extui %eq3A_64 : i1 to i32
    %cond3A_66 = arith.constant 0 : i32
    %cond3A_67 = arith.cmpi ne, %convert_element_type3A_65, %cond3A_66 : i32
    scf.if %cond3A_67 {
      %lt3A_68 = arith.constant 15 : i32
      %lt3A_69 = arith.cmpi slt, %arg1, %lt3A_68 : i32
      %convert_element_type3A_70 = arith.extui %lt3A_69 : i1 to i32
      %cond3A_71 = arith.constant 0 : i32
      %cond3A_72 = arith.cmpi ne, %convert_element_type3A_70, %cond3A_71 : i32
      scf.if %cond3A_72 {
        "tpu.region"() ({
          %run_scoped3A_78 = tpu.sem_alloc : memref<!tpu.dma_semaphore, #tpu.memory_space<semaphore_mem>>
          %dma_start3A_79 = arith.constant 0 : i32
          %dma_start3A_80 = tpu.memref_slice %arg7[%multiple_of3A, %dma_start3A_79] : memref<10000x128xf32, #tpu.memory_space<hbm>> -> memref<624x128xf32, #tpu.memory_space<hbm>>
          %dma_start3A_81 = arith.constant 0 : i32
          %dma_start3A_82 = tpu.memref_slice %arg12[%multiple_of3A, %dma_start3A_81] : memref<10000x128xf32, #tpu.memory_space<vmem_shared>> -> memref<624x128xf32, #tpu.memory_space<vmem_shared>>
          tpu.enqueue_dma source(%dma_start3A_82 : memref<624x128xf32, #tpu.memory_space<vmem_shared>>) target(%dma_start3A_80 : memref<624x128xf32, #tpu.memory_space<hbm>>) target_semaphore(%run_scoped3A_78 : memref<!tpu.dma_semaphore, #tpu.memory_space<semaphore_mem>>)
          %dma_wait3A_83 = arith.constant 0 : i32
          %dma_wait3A_84 = tpu.memref_slice %arg7[%multiple_of3A, %dma_wait3A_83] : memref<10000x128xf32, #tpu.memory_space<hbm>> -> memref<624x128xf32, #tpu.memory_space<hbm>>
          %dma_wait3A_85 = arith.constant 0 : i32
          %dma_wait3A_86 = tpu.memref_slice %arg12[%multiple_of3A, %dma_wait3A_85] : memref<10000x128xf32, #tpu.memory_space<vmem_shared>> -> memref<624x128xf32, #tpu.memory_space<vmem_shared>>
          tpu.wait_dma2 semaphore(%run_scoped3A_78 : memref<!tpu.dma_semaphore, #tpu.memory_space<semaphore_mem>>) src(%dma_wait3A_86 : memref<624x128xf32, #tpu.memory_space<vmem_shared>>) dst(%dma_wait3A_84 : memref<624x128xf32, #tpu.memory_space<hbm>>)
          tpu.yield
        }) : () -> ()
      } else {
      }
      %eq3A_73 = arith.constant 15 : i32
      %eq3A_74 = arith.cmpi eq, %arg1, %eq3A_73 : i32
      %convert_element_type3A_75 = arith.extui %eq3A_74 : i1 to i32
      %cond3A_76 = arith.constant 0 : i32
      %cond3A_77 = arith.cmpi ne, %convert_element_type3A_75, %cond3A_76 : i32
      scf.if %cond3A_77 {
        "tpu.region"() ({
          %run_scoped3A_78 = tpu.sem_alloc : memref<!tpu.dma_semaphore, #tpu.memory_space<semaphore_mem>>
          %dma_start3A_79 = arith.constant 0 : i32
          %dma_start3A_80 = tpu.memref_slice %arg7[%multiple_of3A, %dma_start3A_79] : memref<10000x128xf32, #tpu.memory_space<hbm>> -> memref<640x128xf32, #tpu.memory_space<hbm>>
          %dma_start3A_81 = arith.constant 0 : i32
          %dma_start3A_82 = tpu.memref_slice %arg12[%multiple_of3A, %dma_start3A_81] : memref<10000x128xf32, #tpu.memory_space<vmem_shared>> -> memref<640x128xf32, #tpu.memory_space<vmem_shared>>
          tpu.enqueue_dma source(%dma_start3A_82 : memref<640x128xf32, #tpu.memory_space<vmem_shared>>) target(%dma_start3A_80 : memref<640x128xf32, #tpu.memory_space<hbm>>) target_semaphore(%run_scoped3A_78 : memref<!tpu.dma_semaphore, #tpu.memory_space<semaphore_mem>>)
          %dma_wait3A_83 = arith.constant 0 : i32
          %dma_wait3A_84 = tpu.memref_slice %arg7[%multiple_of3A, %dma_wait3A_83] : memref<10000x128xf32, #tpu.memory_space<hbm>> -> memref<640x128xf32, #tpu.memory_space<hbm>>
          %dma_wait3A_85 = arith.constant 0 : i32
          %dma_wait3A_86 = tpu.memref_slice %arg12[%multiple_of3A, %dma_wait3A_85] : memref<10000x128xf32, #tpu.memory_space<vmem_shared>> -> memref<640x128xf32, #tpu.memory_space<vmem_shared>>
          tpu.wait_dma2 semaphore(%run_scoped3A_78 : memref<!tpu.dma_semaphore, #tpu.memory_space<semaphore_mem>>) src(%dma_wait3A_86 : memref<640x128xf32, #tpu.memory_space<vmem_shared>>) dst(%dma_wait3A_84 : memref<640x128xf32, #tpu.memory_space<hbm>>)
          tpu.yield
        }) : () -> ()
      } else {
      }
    } else {
    }
    return
  }
}

#map = affine_map<(d0, d1) -> (0, 0)>
#map1 = affine_map<(d0, d1) -> (0, 0, 0)>
module attributes {stable_mosaic.version = 14 : i64} {
  func.func @scat_kernel(%arg0: i32, %arg1: i32, %arg2: memref<10000x128xf32, #tpu.memory_space<hbm>>, %arg3: memref<32x10000xi32, #tpu.memory_space<hbm>>, %arg4: memref<32x125x80xi32, #tpu.memory_space<hbm>>, %arg5: memref<640x128xf32, #tpu.memory_space<hbm>>, %arg6: memref<10000x128xf32, #tpu.memory_space<hbm>>, %arg7: memref<10000x128xf32, #tpu.memory_space<hbm>>, %arg8: memref<10000xi32, #tpu.memory_space<vmem>>, %arg9: memref<125x80xi32, #tpu.memory_space<vmem>>, %arg10: memref<80x128xf32, #tpu.memory_space<vmem>>, %arg11: memref<80x128xf32, #tpu.memory_space<vmem>>, %arg12: memref<10000x128xf32, #tpu.memory_space<vmem_shared>>, %arg13: memref<!tpu.dma_semaphore, #tpu.memory_space<semaphore_mem>>, %arg14: memref<!tpu.dma_semaphore, #tpu.memory_space<semaphore_mem>>, %arg15: memref<!tpu.dma_semaphore, #tpu.memory_space<semaphore_mem>>, %arg16: memref<!tpu.dma_semaphore, #tpu.memory_space<semaphore_mem>>) attributes {dimension_semantics = [#tpu.dimension_semantics<core_parallel>, #tpu.dimension_semantics<subcore_parallel>], iteration_bounds = array<i64: 2, 16>, scalar_prefetch = 0 : i64, scratch_operands = 9 : i64, tpu.core_type = #tpu.core_type<sc_vector_subcore>, window_params = [{transform_indices = #map}, {transform_indices = #map}, {transform_indices = #map1}, {transform_indices = #map}, {transform_indices = #map}, {transform_indices = #map}]} {
    %mul3A = arith.constant 2 : i32
    %mul3A_0 = arith.muli %arg1, %mul3A : i32
    %add3A = arith.addi %mul3A_0, %arg0 : i32
    %mul3A_1 = arith.constant 624 : i32
    %mul3A_2 = arith.muli %arg1, %mul3A_1 : i32
    %multiple_of3A = tpu.assume_multiple %mul3A_2, 8 : i32
    %dma_start3A = arith.constant 0 : i32
    %dma_start3A_3 = tpu.memref_slice %arg3[%add3A, %dma_start3A] : memref<32x10000xi32, #tpu.memory_space<hbm>> -> memref<1x10000xi32, #tpu.memory_space<hbm>>
    %dma_start3A_4 = tpu.memref_squeeze %dma_start3A_3 : memref<1x10000xi32, #tpu.memory_space<hbm>> -> memref<10000xi32, #tpu.memory_space<hbm>>
    %dma_start3A_5 = arith.constant 0 : i32
    %dma_start3A_6 = tpu.memref_slice %arg3[%add3A, %dma_start3A_5] : memref<32x10000xi32, #tpu.memory_space<hbm>> -> memref<1x10000xi32, #tpu.memory_space<hbm>>
    %dma_start3A_7 = tpu.memref_squeeze %dma_start3A_6 : memref<1x10000xi32, #tpu.memory_space<hbm>> -> memref<10000xi32, #tpu.memory_space<hbm>>
    tpu.enqueue_dma source(%dma_start3A_7 : memref<10000xi32, #tpu.memory_space<hbm>>) target(%arg8 : memref<10000xi32, #tpu.memory_space<vmem>>) target_semaphore(%arg13 : memref<!tpu.dma_semaphore, #tpu.memory_space<semaphore_mem>>)
    %dma_start3A_8 = arith.constant 0 : i32
    %dma_start3A_9 = arith.constant 0 : i32
    %dma_start3A_10 = tpu.memref_slice %arg4[%add3A, %dma_start3A_8, %dma_start3A_9] : memref<32x125x80xi32, #tpu.memory_space<hbm>> -> memref<1x125x80xi32, #tpu.memory_space<hbm>>
    %dma_start3A_11 = tpu.memref_squeeze %dma_start3A_10 : memref<1x125x80xi32, #tpu.memory_space<hbm>> -> memref<125x80xi32, #tpu.memory_space<hbm>>
    %dma_start3A_12 = arith.constant 0 : i32
    %dma_start3A_13 = arith.constant 0 : i32
    %dma_start3A_14 = tpu.memref_slice %arg4[%add3A, %dma_start3A_12, %dma_start3A_13] : memref<32x125x80xi32, #tpu.memory_space<hbm>> -> memref<1x125x80xi32, #tpu.memory_space<hbm>>
    %dma_start3A_15 = tpu.memref_squeeze %dma_start3A_14 : memref<1x125x80xi32, #tpu.memory_space<hbm>> -> memref<125x80xi32, #tpu.memory_space<hbm>>
    tpu.enqueue_dma source(%dma_start3A_15 : memref<125x80xi32, #tpu.memory_space<hbm>>) target(%arg9 : memref<125x80xi32, #tpu.memory_space<vmem>>) target_semaphore(%arg14 : memref<!tpu.dma_semaphore, #tpu.memory_space<semaphore_mem>>)
    %lt3A = arith.constant 15 : i32
    %lt3A_16 = arith.cmpi slt, %arg1, %lt3A : i32
    %convert_element_type3A = arith.extui %lt3A_16 : i1 to i32
    %cond3A = arith.constant 0 : i32
    %cond3A_17 = arith.cmpi ne, %convert_element_type3A, %cond3A : i32
    scf.if %cond3A_17 {
      %dma_start3A_68 = arith.constant 0 : i32
      %dma_start3A_69 = tpu.memref_slice %arg12[%multiple_of3A, %dma_start3A_68] : memref<10000x128xf32, #tpu.memory_space<vmem_shared>> -> memref<624x128xf32, #tpu.memory_space<vmem_shared>>
      %dma_start3A_70 = arith.constant 0 : i32
      %dma_start3A_71 = arith.constant 0 : i32
      %dma_start3A_72 = tpu.memref_slice %arg5[%dma_start3A_70, %dma_start3A_71] : memref<640x128xf32, #tpu.memory_space<hbm>> -> memref<624x128xf32, #tpu.memory_space<hbm>>
      tpu.enqueue_dma source(%dma_start3A_72 : memref<624x128xf32, #tpu.memory_space<hbm>>) target(%dma_start3A_69 : memref<624x128xf32, #tpu.memory_space<vmem_shared>>) target_semaphore(%arg15 : memref<!tpu.dma_semaphore, #tpu.memory_space<semaphore_mem>>)
      %dma_wait3A_73 = arith.constant 0 : i32
      %dma_wait3A_74 = tpu.memref_slice %arg12[%multiple_of3A, %dma_wait3A_73] : memref<10000x128xf32, #tpu.memory_space<vmem_shared>> -> memref<624x128xf32, #tpu.memory_space<vmem_shared>>
      %dma_wait3A_75 = arith.constant 0 : i32
      %dma_wait3A_76 = arith.constant 0 : i32
      %dma_wait3A_77 = tpu.memref_slice %arg5[%dma_wait3A_75, %dma_wait3A_76] : memref<640x128xf32, #tpu.memory_space<hbm>> -> memref<624x128xf32, #tpu.memory_space<hbm>>
      tpu.wait_dma2 semaphore(%arg15 : memref<!tpu.dma_semaphore, #tpu.memory_space<semaphore_mem>>) src(%dma_wait3A_77 : memref<624x128xf32, #tpu.memory_space<hbm>>) dst(%dma_wait3A_74 : memref<624x128xf32, #tpu.memory_space<vmem_shared>>)
    } else {
    }
    %eq3A = arith.constant 15 : i32
    %eq3A_18 = arith.cmpi eq, %arg1, %eq3A : i32
    %convert_element_type3A_19 = arith.extui %eq3A_18 : i1 to i32
    %cond3A_20 = arith.constant 0 : i32
    %cond3A_21 = arith.cmpi ne, %convert_element_type3A_19, %cond3A_20 : i32
    scf.if %cond3A_21 {
      %dma_start3A_68 = arith.constant 0 : i32
      %dma_start3A_69 = tpu.memref_slice %arg12[%multiple_of3A, %dma_start3A_68] : memref<10000x128xf32, #tpu.memory_space<vmem_shared>> -> memref<640x128xf32, #tpu.memory_space<vmem_shared>>
      tpu.enqueue_dma source(%arg5 : memref<640x128xf32, #tpu.memory_space<hbm>>) target(%dma_start3A_69 : memref<640x128xf32, #tpu.memory_space<vmem_shared>>) target_semaphore(%arg15 : memref<!tpu.dma_semaphore, #tpu.memory_space<semaphore_mem>>)
      %dma_wait3A_70 = arith.constant 0 : i32
      %dma_wait3A_71 = tpu.memref_slice %arg12[%multiple_of3A, %dma_wait3A_70] : memref<10000x128xf32, #tpu.memory_space<vmem_shared>> -> memref<640x128xf32, #tpu.memory_space<vmem_shared>>
      tpu.wait_dma2 semaphore(%arg15 : memref<!tpu.dma_semaphore, #tpu.memory_space<semaphore_mem>>) src(%arg5 : memref<640x128xf32, #tpu.memory_space<hbm>>) dst(%dma_wait3A_71 : memref<640x128xf32, #tpu.memory_space<vmem_shared>>)
    } else {
    }
    %dma_wait3A = arith.constant 0 : i32
    %dma_wait3A_22 = tpu.memref_slice %arg3[%add3A, %dma_wait3A] : memref<32x10000xi32, #tpu.memory_space<hbm>> -> memref<1x10000xi32, #tpu.memory_space<hbm>>
    %dma_wait3A_23 = tpu.memref_squeeze %dma_wait3A_22 : memref<1x10000xi32, #tpu.memory_space<hbm>> -> memref<10000xi32, #tpu.memory_space<hbm>>
    %dma_wait3A_24 = arith.constant 0 : i32
    %dma_wait3A_25 = tpu.memref_slice %arg3[%add3A, %dma_wait3A_24] : memref<32x10000xi32, #tpu.memory_space<hbm>> -> memref<1x10000xi32, #tpu.memory_space<hbm>>
    %dma_wait3A_26 = tpu.memref_squeeze %dma_wait3A_25 : memref<1x10000xi32, #tpu.memory_space<hbm>> -> memref<10000xi32, #tpu.memory_space<hbm>>
    tpu.wait_dma2 semaphore(%arg13 : memref<!tpu.dma_semaphore, #tpu.memory_space<semaphore_mem>>) src(%dma_wait3A_26 : memref<10000xi32, #tpu.memory_space<hbm>>) dst(%arg8 : memref<10000xi32, #tpu.memory_space<vmem>>)
    %dma_wait3A_27 = arith.constant 0 : i32
    %dma_wait3A_28 = arith.constant 0 : i32
    %dma_wait3A_29 = tpu.memref_slice %arg4[%add3A, %dma_wait3A_27, %dma_wait3A_28] : memref<32x125x80xi32, #tpu.memory_space<hbm>> -> memref<1x125x80xi32, #tpu.memory_space<hbm>>
    %dma_wait3A_30 = tpu.memref_squeeze %dma_wait3A_29 : memref<1x125x80xi32, #tpu.memory_space<hbm>> -> memref<125x80xi32, #tpu.memory_space<hbm>>
    %dma_wait3A_31 = arith.constant 0 : i32
    %dma_wait3A_32 = arith.constant 0 : i32
    %dma_wait3A_33 = tpu.memref_slice %arg4[%add3A, %dma_wait3A_31, %dma_wait3A_32] : memref<32x125x80xi32, #tpu.memory_space<hbm>> -> memref<1x125x80xi32, #tpu.memory_space<hbm>>
    %dma_wait3A_34 = tpu.memref_squeeze %dma_wait3A_33 : memref<1x125x80xi32, #tpu.memory_space<hbm>> -> memref<125x80xi32, #tpu.memory_space<hbm>>
    tpu.wait_dma2 semaphore(%arg14 : memref<!tpu.dma_semaphore, #tpu.memory_space<semaphore_mem>>) src(%dma_wait3A_34 : memref<125x80xi32, #tpu.memory_space<hbm>>) dst(%arg9 : memref<125x80xi32, #tpu.memory_space<vmem>>)
    %barrier3A = arith.constant 0 : index
    tpu.barrier barrier_id(%barrier3A)
    %dma_start3A_35 = arith.constant 0 : i32
    %dma_start3A_36 = tpu.memref_slice %arg8[%dma_start3A_35] : memref<10000xi32, #tpu.memory_space<vmem>> -> memref<80xi32, #tpu.memory_space<vmem>>
    %dma_start3A_37 = arith.constant 0 : i32
    %dma_start3A_38 = arith.constant 0 : i32
    %dma_start3A_39 = tpu.memref_slice %arg2[%dma_start3A_37, %dma_start3A_38] : memref<10000x128xf32, #tpu.memory_space<hbm>> -> memref<10000x128xf32, #tpu.memory_space<hbm>>
    tpu.enqueue_indirect_dma source(%dma_start3A_39 : memref<10000x128xf32, #tpu.memory_space<hbm>>) target(%arg10 : memref<80x128xf32, #tpu.memory_space<vmem>>) offsets(%dma_start3A_36 : memref<80xi32, #tpu.memory_space<vmem>>) semaphore(%arg13 : memref<!tpu.dma_semaphore, #tpu.memory_space<semaphore_mem>>)
    %scan3A = arith.constant 0 : i32
    %scan3A_40 = arith.constant 0 : i32
    %scan3A_41 = arith.constant 62 : i32
    %scan3A_42 = arith.addi %scan3A_40, %scan3A_41 : i32
    %scan3A_43 = arith.constant 1 : i32
    scf.for %scan3A_68 = %scan3A_40 to %scan3A_42 step %scan3A_43  : i32 {
      %mul3A_69 = arith.constant 2 : i32
      %mul3A_70 = arith.muli %mul3A_69, %scan3A_68 : i32
      %add3A_71 = arith.constant 1 : i32
      %add3A_72 = arith.addi %mul3A_70, %add3A_71 : i32
      %gt3A = arith.constant 0 : i32
      %gt3A_73 = arith.cmpi sgt, %scan3A_68, %gt3A : i32
      %convert_element_type3A_74 = arith.extui %gt3A_73 : i1 to i32
      %cond3A_75 = arith.constant 0 : i32
      %cond3A_76 = arith.cmpi ne, %convert_element_type3A_74, %cond3A_75 : i32
      scf.if %cond3A_76 {
        %sub3A = arith.constant 1 : i32
        %sub3A_120 = arith.subi %mul3A_70, %sub3A : i32
        %dma_wait3A_121 = arith.constant 0 : i32
        %dma_wait3A_122 = tpu.memref_slice %arg9[%sub3A_120, %dma_wait3A_121] : memref<125x80xi32, #tpu.memory_space<vmem>> -> memref<1x80xi32, #tpu.memory_space<vmem>>
        %dma_wait3A_123 = tpu.memref_squeeze %dma_wait3A_122 : memref<1x80xi32, #tpu.memory_space<vmem>> -> memref<80xi32, #tpu.memory_space<vmem>>
        %dma_wait3A_124 = arith.constant 0 : i32
        %dma_wait3A_125 = arith.constant 0 : i32
        %dma_wait3A_126 = tpu.memref_slice %arg12[%dma_wait3A_124, %dma_wait3A_125] : memref<10000x128xf32, #tpu.memory_space<vmem_shared>> -> memref<10000x128xf32, #tpu.memory_space<vmem_shared>>
        tpu.wait_indirect_dma semaphore(%arg16 : memref<!tpu.dma_semaphore, #tpu.memory_space<semaphore_mem>>) src(%arg11 : memref<80x128xf32, #tpu.memory_space<vmem>>) dst(%dma_wait3A_126 : memref<10000x128xf32, #tpu.memory_space<vmem_shared>>)
      } else {
      }
      %mul3A_77 = arith.constant 80 : i32
      %mul3A_78 = arith.muli %add3A_72, %mul3A_77 : i32
      %dma_start3A_79 = tpu.memref_slice %arg8[%mul3A_78] : memref<10000xi32, #tpu.memory_space<vmem>> -> memref<80xi32, #tpu.memory_space<vmem>>
      %dma_start3A_80 = arith.constant 0 : i32
      %dma_start3A_81 = arith.constant 0 : i32
      %dma_start3A_82 = tpu.memref_slice %arg2[%dma_start3A_80, %dma_start3A_81] : memref<10000x128xf32, #tpu.memory_space<hbm>> -> memref<10000x128xf32, #tpu.memory_space<hbm>>
      tpu.enqueue_indirect_dma source(%dma_start3A_82 : memref<10000x128xf32, #tpu.memory_space<hbm>>) target(%arg11 : memref<80x128xf32, #tpu.memory_space<vmem>>) offsets(%dma_start3A_79 : memref<80xi32, #tpu.memory_space<vmem>>) semaphore(%arg14 : memref<!tpu.dma_semaphore, #tpu.memory_space<semaphore_mem>>)
      %mul3A_83 = arith.constant 80 : i32
      %mul3A_84 = arith.muli %mul3A_70, %mul3A_83 : i32
      %dma_wait3A_85 = tpu.memref_slice %arg8[%mul3A_84] : memref<10000xi32, #tpu.memory_space<vmem>> -> memref<80xi32, #tpu.memory_space<vmem>>
      %dma_wait3A_86 = arith.constant 0 : i32
      %dma_wait3A_87 = arith.constant 0 : i32
      %dma_wait3A_88 = tpu.memref_slice %arg2[%dma_wait3A_86, %dma_wait3A_87] : memref<10000x128xf32, #tpu.memory_space<hbm>> -> memref<10000x128xf32, #tpu.memory_space<hbm>>
      tpu.wait_indirect_dma semaphore(%arg13 : memref<!tpu.dma_semaphore, #tpu.memory_space<semaphore_mem>>) src(%dma_wait3A_88 : memref<10000x128xf32, #tpu.memory_space<hbm>>) dst(%arg10 : memref<80x128xf32, #tpu.memory_space<vmem>>)
      %dma_start3A_89 = arith.constant 0 : i32
      %dma_start3A_90 = tpu.memref_slice %arg9[%mul3A_70, %dma_start3A_89] : memref<125x80xi32, #tpu.memory_space<vmem>> -> memref<1x80xi32, #tpu.memory_space<vmem>>
      %dma_start3A_91 = tpu.memref_squeeze %dma_start3A_90 : memref<1x80xi32, #tpu.memory_space<vmem>> -> memref<80xi32, #tpu.memory_space<vmem>>
      %dma_start3A_92 = arith.constant 0 : i32
      %dma_start3A_93 = arith.constant 0 : i32
      %dma_start3A_94 = tpu.memref_slice %arg12[%dma_start3A_92, %dma_start3A_93] : memref<10000x128xf32, #tpu.memory_space<vmem_shared>> -> memref<10000x128xf32, #tpu.memory_space<vmem_shared>>
      tpu.enqueue_indirect_dma source(%arg10 : memref<80x128xf32, #tpu.memory_space<vmem>>) target(%dma_start3A_94 : memref<10000x128xf32, #tpu.memory_space<vmem_shared>>) offsets(%dma_start3A_91 : memref<80xi32, #tpu.memory_space<vmem>>) semaphore(%arg15 : memref<!tpu.dma_semaphore, #tpu.memory_space<semaphore_mem>>) {add = true}
      %dma_wait3A_95 = arith.constant 0 : i32
      %dma_wait3A_96 = tpu.memref_slice %arg9[%mul3A_70, %dma_wait3A_95] : memref<125x80xi32, #tpu.memory_space<vmem>> -> memref<1x80xi32, #tpu.memory_space<vmem>>
      %dma_wait3A_97 = tpu.memref_squeeze %dma_wait3A_96 : memref<1x80xi32, #tpu.memory_space<vmem>> -> memref<80xi32, #tpu.memory_space<vmem>>
      %dma_wait3A_98 = arith.constant 0 : i32
      %dma_wait3A_99 = arith.constant 0 : i32
      %dma_wait3A_100 = tpu.memref_slice %arg12[%dma_wait3A_98, %dma_wait3A_99] : memref<10000x128xf32, #tpu.memory_space<vmem_shared>> -> memref<10000x128xf32, #tpu.memory_space<vmem_shared>>
      tpu.wait_indirect_dma semaphore(%arg15 : memref<!tpu.dma_semaphore, #tpu.memory_space<semaphore_mem>>) src(%arg10 : memref<80x128xf32, #tpu.memory_space<vmem>>) dst(%dma_wait3A_100 : memref<10000x128xf32, #tpu.memory_space<vmem_shared>>)
      %add3A_101 = arith.constant 2 : i32
      %add3A_102 = arith.addi %mul3A_70, %add3A_101 : i32
      %lt3A_103 = arith.constant 125 : i32
      %lt3A_104 = arith.cmpi slt, %add3A_102, %lt3A_103 : i32
      %convert_element_type3A_105 = arith.extui %lt3A_104 : i1 to i32
      %cond3A_106 = arith.constant 0 : i32
      %cond3A_107 = arith.cmpi ne, %convert_element_type3A_105, %cond3A_106 : i32
      scf.if %cond3A_107 {
        %add3A_120 = arith.constant 2 : i32
        %add3A_121 = arith.addi %mul3A_70, %add3A_120 : i32
        %mul3A_122 = arith.constant 80 : i32
        %mul3A_123 = arith.muli %add3A_121, %mul3A_122 : i32
        %dma_start3A_124 = tpu.memref_slice %arg8[%mul3A_123] : memref<10000xi32, #tpu.memory_space<vmem>> -> memref<80xi32, #tpu.memory_space<vmem>>
        %dma_start3A_125 = arith.constant 0 : i32
        %dma_start3A_126 = arith.constant 0 : i32
        %dma_start3A_127 = tpu.memref_slice %arg2[%dma_start3A_125, %dma_start3A_126] : memref<10000x128xf32, #tpu.memory_space<hbm>> -> memref<10000x128xf32, #tpu.memory_space<hbm>>
        tpu.enqueue_indirect_dma source(%dma_start3A_127 : memref<10000x128xf32, #tpu.memory_space<hbm>>) target(%arg10 : memref<80x128xf32, #tpu.memory_space<vmem>>) offsets(%dma_start3A_124 : memref<80xi32, #tpu.memory_space<vmem>>) semaphore(%arg13 : memref<!tpu.dma_semaphore, #tpu.memory_space<semaphore_mem>>)
      } else {
      }
      %mul3A_108 = arith.constant 80 : i32
      %mul3A_109 = arith.muli %add3A_72, %mul3A_108 : i32
      %dma_wait3A_110 = tpu.memref_slice %arg8[%mul3A_109] : memref<10000xi32, #tpu.memory_space<vmem>> -> memref<80xi32, #tpu.memory_space<vmem>>
      %dma_wait3A_111 = arith.constant 0 : i32
      %dma_wait3A_112 = arith.constant 0 : i32
      %dma_wait3A_113 = tpu.memref_slice %arg2[%dma_wait3A_111, %dma_wait3A_112] : memref<10000x128xf32, #tpu.memory_space<hbm>> -> memref<10000x128xf32, #tpu.memory_space<hbm>>
      tpu.wait_indirect_dma semaphore(%arg14 : memref<!tpu.dma_semaphore, #tpu.memory_space<semaphore_mem>>) src(%dma_wait3A_113 : memref<10000x128xf32, #tpu.memory_space<hbm>>) dst(%arg11 : memref<80x128xf32, #tpu.memory_space<vmem>>)
      %dma_start3A_114 = arith.constant 0 : i32
      %dma_start3A_115 = tpu.memref_slice %arg9[%add3A_72, %dma_start3A_114] : memref<125x80xi32, #tpu.memory_space<vmem>> -> memref<1x80xi32, #tpu.memory_space<vmem>>
      %dma_start3A_116 = tpu.memref_squeeze %dma_start3A_115 : memref<1x80xi32, #tpu.memory_space<vmem>> -> memref<80xi32, #tpu.memory_space<vmem>>
      %dma_start3A_117 = arith.constant 0 : i32
      %dma_start3A_118 = arith.constant 0 : i32
      %dma_start3A_119 = tpu.memref_slice %arg12[%dma_start3A_117, %dma_start3A_118] : memref<10000x128xf32, #tpu.memory_space<vmem_shared>> -> memref<10000x128xf32, #tpu.memory_space<vmem_shared>>
      tpu.enqueue_indirect_dma source(%arg11 : memref<80x128xf32, #tpu.memory_space<vmem>>) target(%dma_start3A_119 : memref<10000x128xf32, #tpu.memory_space<vmem_shared>>) offsets(%dma_start3A_116 : memref<80xi32, #tpu.memory_space<vmem>>) semaphore(%arg16 : memref<!tpu.dma_semaphore, #tpu.memory_space<semaphore_mem>>) {add = true}
    }
    %scan3A_44 = arith.constant 62 : i32
    %dma_wait3A_45 = arith.constant 123 : i32
    %dma_wait3A_46 = arith.constant 0 : i32
    %dma_wait3A_47 = tpu.memref_slice %arg9[%dma_wait3A_45, %dma_wait3A_46] : memref<125x80xi32, #tpu.memory_space<vmem>> -> memref<1x80xi32, #tpu.memory_space<vmem>>
    %dma_wait3A_48 = tpu.memref_squeeze %dma_wait3A_47 : memref<1x80xi32, #tpu.memory_space<vmem>> -> memref<80xi32, #tpu.memory_space<vmem>>
    %dma_wait3A_49 = arith.constant 0 : i32
    %dma_wait3A_50 = arith.constant 0 : i32
    %dma_wait3A_51 = tpu.memref_slice %arg12[%dma_wait3A_49, %dma_wait3A_50] : memref<10000x128xf32, #tpu.memory_space<vmem_shared>> -> memref<10000x128xf32, #tpu.memory_space<vmem_shared>>
    tpu.wait_indirect_dma semaphore(%arg16 : memref<!tpu.dma_semaphore, #tpu.memory_space<semaphore_mem>>) src(%arg11 : memref<80x128xf32, #tpu.memory_space<vmem>>) dst(%dma_wait3A_51 : memref<10000x128xf32, #tpu.memory_space<vmem_shared>>)
    %dma_wait3A_52 = arith.constant 9920 : i32
    %dma_wait3A_53 = tpu.memref_slice %arg8[%dma_wait3A_52] : memref<10000xi32, #tpu.memory_space<vmem>> -> memref<80xi32, #tpu.memory_space<vmem>>
    %dma_wait3A_54 = arith.constant 0 : i32
    %dma_wait3A_55 = arith.constant 0 : i32
    %dma_wait3A_56 = tpu.memref_slice %arg2[%dma_wait3A_54, %dma_wait3A_55] : memref<10000x128xf32, #tpu.memory_space<hbm>> -> memref<10000x128xf32, #tpu.memory_space<hbm>>
    tpu.wait_indirect_dma semaphore(%arg13 : memref<!tpu.dma_semaphore, #tpu.memory_space<semaphore_mem>>) src(%dma_wait3A_56 : memref<10000x128xf32, #tpu.memory_space<hbm>>) dst(%arg10 : memref<80x128xf32, #tpu.memory_space<vmem>>)
    %run_scoped3A = arith.constant 124 : i32
    "tpu.region"() ({
      %run_scoped3A_68 = tpu.sem_alloc : memref<!tpu.dma_semaphore, #tpu.memory_space<semaphore_mem>>
      %dma_start3A_69 = arith.constant 0 : i32
      %dma_start3A_70 = tpu.memref_slice %arg9[%run_scoped3A, %dma_start3A_69] : memref<125x80xi32, #tpu.memory_space<vmem>> -> memref<1x80xi32, #tpu.memory_space<vmem>>
      %dma_start3A_71 = tpu.memref_squeeze %dma_start3A_70 : memref<1x80xi32, #tpu.memory_space<vmem>> -> memref<80xi32, #tpu.memory_space<vmem>>
      %dma_start3A_72 = arith.constant 0 : i32
      %dma_start3A_73 = arith.constant 0 : i32
      %dma_start3A_74 = tpu.memref_slice %arg12[%dma_start3A_72, %dma_start3A_73] : memref<10000x128xf32, #tpu.memory_space<vmem_shared>> -> memref<10000x128xf32, #tpu.memory_space<vmem_shared>>
      tpu.enqueue_indirect_dma source(%arg10 : memref<80x128xf32, #tpu.memory_space<vmem>>) target(%dma_start3A_74 : memref<10000x128xf32, #tpu.memory_space<vmem_shared>>) offsets(%dma_start3A_71 : memref<80xi32, #tpu.memory_space<vmem>>) semaphore(%run_scoped3A_68 : memref<!tpu.dma_semaphore, #tpu.memory_space<semaphore_mem>>) {add = true}
      %dma_wait3A_75 = arith.constant 0 : i32
      %dma_wait3A_76 = tpu.memref_slice %arg9[%run_scoped3A, %dma_wait3A_75] : memref<125x80xi32, #tpu.memory_space<vmem>> -> memref<1x80xi32, #tpu.memory_space<vmem>>
      %dma_wait3A_77 = tpu.memref_squeeze %dma_wait3A_76 : memref<1x80xi32, #tpu.memory_space<vmem>> -> memref<80xi32, #tpu.memory_space<vmem>>
      %dma_wait3A_78 = arith.constant 0 : i32
      %dma_wait3A_79 = arith.constant 0 : i32
      %dma_wait3A_80 = tpu.memref_slice %arg12[%dma_wait3A_78, %dma_wait3A_79] : memref<10000x128xf32, #tpu.memory_space<vmem_shared>> -> memref<10000x128xf32, #tpu.memory_space<vmem_shared>>
      tpu.wait_indirect_dma semaphore(%run_scoped3A_68 : memref<!tpu.dma_semaphore, #tpu.memory_space<semaphore_mem>>) src(%arg10 : memref<80x128xf32, #tpu.memory_space<vmem>>) dst(%dma_wait3A_80 : memref<10000x128xf32, #tpu.memory_space<vmem_shared>>)
      tpu.yield
    }) : () -> ()
    %barrier3A_57 = arith.constant 0 : index
    tpu.barrier barrier_id(%barrier3A_57)
    %eq3A_58 = arith.constant 0 : i32
    %eq3A_59 = arith.cmpi eq, %arg0, %eq3A_58 : i32
    %convert_element_type3A_60 = arith.extui %eq3A_59 : i1 to i32
    %cond3A_61 = arith.constant 0 : i32
    %cond3A_62 = arith.cmpi ne, %convert_element_type3A_60, %cond3A_61 : i32
    scf.if %cond3A_62 {
      %lt3A_68 = arith.constant 15 : i32
      %lt3A_69 = arith.cmpi slt, %arg1, %lt3A_68 : i32
      %convert_element_type3A_70 = arith.extui %lt3A_69 : i1 to i32
      %cond3A_71 = arith.constant 0 : i32
      %cond3A_72 = arith.cmpi ne, %convert_element_type3A_70, %cond3A_71 : i32
      scf.if %cond3A_72 {
        "tpu.region"() ({
          %run_scoped3A_78 = tpu.sem_alloc : memref<!tpu.dma_semaphore, #tpu.memory_space<semaphore_mem>>
          %dma_start3A_79 = arith.constant 0 : i32
          %dma_start3A_80 = tpu.memref_slice %arg6[%multiple_of3A, %dma_start3A_79] : memref<10000x128xf32, #tpu.memory_space<hbm>> -> memref<624x128xf32, #tpu.memory_space<hbm>>
          %dma_start3A_81 = arith.constant 0 : i32
          %dma_start3A_82 = tpu.memref_slice %arg12[%multiple_of3A, %dma_start3A_81] : memref<10000x128xf32, #tpu.memory_space<vmem_shared>> -> memref<624x128xf32, #tpu.memory_space<vmem_shared>>
          tpu.enqueue_dma source(%dma_start3A_82 : memref<624x128xf32, #tpu.memory_space<vmem_shared>>) target(%dma_start3A_80 : memref<624x128xf32, #tpu.memory_space<hbm>>) target_semaphore(%run_scoped3A_78 : memref<!tpu.dma_semaphore, #tpu.memory_space<semaphore_mem>>)
          %dma_wait3A_83 = arith.constant 0 : i32
          %dma_wait3A_84 = tpu.memref_slice %arg6[%multiple_of3A, %dma_wait3A_83] : memref<10000x128xf32, #tpu.memory_space<hbm>> -> memref<624x128xf32, #tpu.memory_space<hbm>>
          %dma_wait3A_85 = arith.constant 0 : i32
          %dma_wait3A_86 = tpu.memref_slice %arg12[%multiple_of3A, %dma_wait3A_85] : memref<10000x128xf32, #tpu.memory_space<vmem_shared>> -> memref<624x128xf32, #tpu.memory_space<vmem_shared>>
          tpu.wait_dma2 semaphore(%run_scoped3A_78 : memref<!tpu.dma_semaphore, #tpu.memory_space<semaphore_mem>>) src(%dma_wait3A_86 : memref<624x128xf32, #tpu.memory_space<vmem_shared>>) dst(%dma_wait3A_84 : memref<624x128xf32, #tpu.memory_space<hbm>>)
          tpu.yield
        }) : () -> ()
      } else {
      }
      %eq3A_73 = arith.constant 15 : i32
      %eq3A_74 = arith.cmpi eq, %arg1, %eq3A_73 : i32
      %convert_element_type3A_75 = arith.extui %eq3A_74 : i1 to i32
      %cond3A_76 = arith.constant 0 : i32
      %cond3A_77 = arith.cmpi ne, %convert_element_type3A_75, %cond3A_76 : i32
      scf.if %cond3A_77 {
        "tpu.region"() ({
          %run_scoped3A_78 = tpu.sem_alloc : memref<!tpu.dma_semaphore, #tpu.memory_space<semaphore_mem>>
          %dma_start3A_79 = arith.constant 0 : i32
          %dma_start3A_80 = tpu.memref_slice %arg6[%multiple_of3A, %dma_start3A_79] : memref<10000x128xf32, #tpu.memory_space<hbm>> -> memref<640x128xf32, #tpu.memory_space<hbm>>
          %dma_start3A_81 = arith.constant 0 : i32
          %dma_start3A_82 = tpu.memref_slice %arg12[%multiple_of3A, %dma_start3A_81] : memref<10000x128xf32, #tpu.memory_space<vmem_shared>> -> memref<640x128xf32, #tpu.memory_space<vmem_shared>>
          tpu.enqueue_dma source(%dma_start3A_82 : memref<640x128xf32, #tpu.memory_space<vmem_shared>>) target(%dma_start3A_80 : memref<640x128xf32, #tpu.memory_space<hbm>>) target_semaphore(%run_scoped3A_78 : memref<!tpu.dma_semaphore, #tpu.memory_space<semaphore_mem>>)
          %dma_wait3A_83 = arith.constant 0 : i32
          %dma_wait3A_84 = tpu.memref_slice %arg6[%multiple_of3A, %dma_wait3A_83] : memref<10000x128xf32, #tpu.memory_space<hbm>> -> memref<640x128xf32, #tpu.memory_space<hbm>>
          %dma_wait3A_85 = arith.constant 0 : i32
          %dma_wait3A_86 = tpu.memref_slice %arg12[%multiple_of3A, %dma_wait3A_85] : memref<10000x128xf32, #tpu.memory_space<vmem_shared>> -> memref<640x128xf32, #tpu.memory_space<vmem_shared>>
          tpu.wait_dma2 semaphore(%run_scoped3A_78 : memref<!tpu.dma_semaphore, #tpu.memory_space<semaphore_mem>>) src(%dma_wait3A_86 : memref<640x128xf32, #tpu.memory_space<vmem_shared>>) dst(%dma_wait3A_84 : memref<640x128xf32, #tpu.memory_space<hbm>>)
          tpu.yield
        }) : () -> ()
      } else {
      }
    } else {
    }
    %eq3A_63 = arith.constant 1 : i32
    %eq3A_64 = arith.cmpi eq, %arg0, %eq3A_63 : i32
    %convert_element_type3A_65 = arith.extui %eq3A_64 : i1 to i32
    %cond3A_66 = arith.constant 0 : i32
    %cond3A_67 = arith.cmpi ne, %convert_element_type3A_65, %cond3A_66 : i32
    scf.if %cond3A_67 {
      %lt3A_68 = arith.constant 15 : i32
      %lt3A_69 = arith.cmpi slt, %arg1, %lt3A_68 : i32
      %convert_element_type3A_70 = arith.extui %lt3A_69 : i1 to i32
      %cond3A_71 = arith.constant 0 : i32
      %cond3A_72 = arith.cmpi ne, %convert_element_type3A_70, %cond3A_71 : i32
      scf.if %cond3A_72 {
        "tpu.region"() ({
          %run_scoped3A_78 = tpu.sem_alloc : memref<!tpu.dma_semaphore, #tpu.memory_space<semaphore_mem>>
          %dma_start3A_79 = arith.constant 0 : i32
          %dma_start3A_80 = tpu.memref_slice %arg7[%multiple_of3A, %dma_start3A_79] : memref<10000x128xf32, #tpu.memory_space<hbm>> -> memref<624x128xf32, #tpu.memory_space<hbm>>
          %dma_start3A_81 = arith.constant 0 : i32
          %dma_start3A_82 = tpu.memref_slice %arg12[%multiple_of3A, %dma_start3A_81] : memref<10000x128xf32, #tpu.memory_space<vmem_shared>> -> memref<624x128xf32, #tpu.memory_space<vmem_shared>>
          tpu.enqueue_dma source(%dma_start3A_82 : memref<624x128xf32, #tpu.memory_space<vmem_shared>>) target(%dma_start3A_80 : memref<624x128xf32, #tpu.memory_space<hbm>>) target_semaphore(%run_scoped3A_78 : memref<!tpu.dma_semaphore, #tpu.memory_space<semaphore_mem>>)
          %dma_wait3A_83 = arith.constant 0 : i32
          %dma_wait3A_84 = tpu.memref_slice %arg7[%multiple_of3A, %dma_wait3A_83] : memref<10000x128xf32, #tpu.memory_space<hbm>> -> memref<624x128xf32, #tpu.memory_space<hbm>>
          %dma_wait3A_85 = arith.constant 0 : i32
          %dma_wait3A_86 = tpu.memref_slice %arg12[%multiple_of3A, %dma_wait3A_85] : memref<10000x128xf32, #tpu.memory_space<vmem_shared>> -> memref<624x128xf32, #tpu.memory_space<vmem_shared>>
          tpu.wait_dma2 semaphore(%run_scoped3A_78 : memref<!tpu.dma_semaphore, #tpu.memory_space<semaphore_mem>>) src(%dma_wait3A_86 : memref<624x128xf32, #tpu.memory_space<vmem_shared>>) dst(%dma_wait3A_84 : memref<624x128xf32, #tpu.memory_space<hbm>>)
          tpu.yield
        }) : () -> ()
      } else {
      }
      %eq3A_73 = arith.constant 15 : i32
      %eq3A_74 = arith.cmpi eq, %arg1, %eq3A_73 : i32
      %convert_element_type3A_75 = arith.extui %eq3A_74 : i1 to i32
      %cond3A_76 = arith.constant 0 : i32
      %cond3A_77 = arith.cmpi ne, %convert_element_type3A_75, %cond3A_76 : i32
      scf.if %cond3A_77 {
        "tpu.region"() ({
          %run_scoped3A_78 = tpu.sem_alloc : memref<!tpu.dma_semaphore, #tpu.memory_space<semaphore_mem>>
          %dma_start3A_79 = arith.constant 0 : i32
          %dma_start3A_80 = tpu.memref_slice %arg7[%multiple_of3A, %dma_start3A_79] : memref<10000x128xf32, #tpu.memory_space<hbm>> -> memref<640x128xf32, #tpu.memory_space<hbm>>
          %dma_start3A_81 = arith.constant 0 : i32
          %dma_start3A_82 = tpu.memref_slice %arg12[%multiple_of3A, %dma_start3A_81] : memref<10000x128xf32, #tpu.memory_space<vmem_shared>> -> memref<640x128xf32, #tpu.memory_space<vmem_shared>>
          tpu.enqueue_dma source(%dma_start3A_82 : memref<640x128xf32, #tpu.memory_space<vmem_shared>>) target(%dma_start3A_80 : memref<640x128xf32, #tpu.memory_space<hbm>>) target_semaphore(%run_scoped3A_78 : memref<!tpu.dma_semaphore, #tpu.memory_space<semaphore_mem>>)
          %dma_wait3A_83 = arith.constant 0 : i32
          %dma_wait3A_84 = tpu.memref_slice %arg7[%multiple_of3A, %dma_wait3A_83] : memref<10000x128xf32, #tpu.memory_space<hbm>> -> memref<640x128xf32, #tpu.memory_space<hbm>>
          %dma_wait3A_85 = arith.constant 0 : i32
          %dma_wait3A_86 = tpu.memref_slice %arg12[%multiple_of3A, %dma_wait3A_85] : memref<10000x128xf32, #tpu.memory_space<vmem_shared>> -> memref<640x128xf32, #tpu.memory_space<vmem_shared>>
          tpu.wait_dma2 semaphore(%run_scoped3A_78 : memref<!tpu.dma_semaphore, #tpu.memory_space<semaphore_mem>>) src(%dma_wait3A_86 : memref<640x128xf32, #tpu.memory_space<vmem_shared>>) dst(%dma_wait3A_84 : memref<640x128xf32, #tpu.memory_space<hbm>>)
          tpu.yield
        }) : () -> ()
      } else {
      }
    } else {
    }
    return
  }
}

#map = affine_map<(d0, d1) -> (0, 0)>
#map1 = affine_map<(d0, d1) -> (0, 0, 0)>
module attributes {stable_mosaic.version = 14 : i64} {
  func.func @scat_kernel(%arg0: i32, %arg1: i32, %arg2: memref<10000x128xf32, #tpu.memory_space<hbm>>, %arg3: memref<32x10000xi32, #tpu.memory_space<hbm>>, %arg4: memref<32x125x80xi32, #tpu.memory_space<hbm>>, %arg5: memref<640x128xf32, #tpu.memory_space<hbm>>, %arg6: memref<10000x128xf32, #tpu.memory_space<hbm>>, %arg7: memref<10000x128xf32, #tpu.memory_space<hbm>>, %arg8: memref<10000xi32, #tpu.memory_space<vmem>>, %arg9: memref<125x80xi32, #tpu.memory_space<vmem>>, %arg10: memref<80x128xf32, #tpu.memory_space<vmem>>, %arg11: memref<80x128xf32, #tpu.memory_space<vmem>>, %arg12: memref<10000x128xf32, #tpu.memory_space<vmem_shared>>, %arg13: memref<!tpu.dma_semaphore, #tpu.memory_space<semaphore_mem>>, %arg14: memref<!tpu.dma_semaphore, #tpu.memory_space<semaphore_mem>>, %arg15: memref<!tpu.dma_semaphore, #tpu.memory_space<semaphore_mem>>, %arg16: memref<!tpu.dma_semaphore, #tpu.memory_space<semaphore_mem>>) attributes {dimension_semantics = [#tpu.dimension_semantics<core_parallel>, #tpu.dimension_semantics<subcore_parallel>], iteration_bounds = array<i64: 2, 16>, scalar_prefetch = 0 : i64, scratch_operands = 9 : i64, tpu.core_type = #tpu.core_type<sc_vector_subcore>, window_params = [{transform_indices = #map}, {transform_indices = #map}, {transform_indices = #map1}, {transform_indices = #map}, {transform_indices = #map}, {transform_indices = #map}]} {
    %mul3A = arith.constant 2 : i32
    %mul3A_0 = arith.muli %arg1, %mul3A : i32
    %add3A = arith.addi %mul3A_0, %arg0 : i32
    %mul3A_1 = arith.constant 624 : i32
    %mul3A_2 = arith.muli %arg1, %mul3A_1 : i32
    %multiple_of3A = tpu.assume_multiple %mul3A_2, 8 : i32
    %dma_start3A = arith.constant 0 : i32
    %dma_start3A_3 = tpu.memref_slice %arg3[%add3A, %dma_start3A] : memref<32x10000xi32, #tpu.memory_space<hbm>> -> memref<1x10000xi32, #tpu.memory_space<hbm>>
    %dma_start3A_4 = tpu.memref_squeeze %dma_start3A_3 : memref<1x10000xi32, #tpu.memory_space<hbm>> -> memref<10000xi32, #tpu.memory_space<hbm>>
    %dma_start3A_5 = arith.constant 0 : i32
    %dma_start3A_6 = tpu.memref_slice %arg3[%add3A, %dma_start3A_5] : memref<32x10000xi32, #tpu.memory_space<hbm>> -> memref<1x10000xi32, #tpu.memory_space<hbm>>
    %dma_start3A_7 = tpu.memref_squeeze %dma_start3A_6 : memref<1x10000xi32, #tpu.memory_space<hbm>> -> memref<10000xi32, #tpu.memory_space<hbm>>
    tpu.enqueue_dma source(%dma_start3A_7 : memref<10000xi32, #tpu.memory_space<hbm>>) target(%arg8 : memref<10000xi32, #tpu.memory_space<vmem>>) target_semaphore(%arg13 : memref<!tpu.dma_semaphore, #tpu.memory_space<semaphore_mem>>)
    %dma_start3A_8 = arith.constant 0 : i32
    %dma_start3A_9 = arith.constant 0 : i32
    %dma_start3A_10 = tpu.memref_slice %arg4[%add3A, %dma_start3A_8, %dma_start3A_9] : memref<32x125x80xi32, #tpu.memory_space<hbm>> -> memref<1x125x80xi32, #tpu.memory_space<hbm>>
    %dma_start3A_11 = tpu.memref_squeeze %dma_start3A_10 : memref<1x125x80xi32, #tpu.memory_space<hbm>> -> memref<125x80xi32, #tpu.memory_space<hbm>>
    %dma_start3A_12 = arith.constant 0 : i32
    %dma_start3A_13 = arith.constant 0 : i32
    %dma_start3A_14 = tpu.memref_slice %arg4[%add3A, %dma_start3A_12, %dma_start3A_13] : memref<32x125x80xi32, #tpu.memory_space<hbm>> -> memref<1x125x80xi32, #tpu.memory_space<hbm>>
    %dma_start3A_15 = tpu.memref_squeeze %dma_start3A_14 : memref<1x125x80xi32, #tpu.memory_space<hbm>> -> memref<125x80xi32, #tpu.memory_space<hbm>>
    tpu.enqueue_dma source(%dma_start3A_15 : memref<125x80xi32, #tpu.memory_space<hbm>>) target(%arg9 : memref<125x80xi32, #tpu.memory_space<vmem>>) target_semaphore(%arg14 : memref<!tpu.dma_semaphore, #tpu.memory_space<semaphore_mem>>)
    %lt3A = arith.constant 15 : i32
    %lt3A_16 = arith.cmpi slt, %arg1, %lt3A : i32
    %convert_element_type3A = arith.extui %lt3A_16 : i1 to i32
    %cond3A = arith.constant 0 : i32
    %cond3A_17 = arith.cmpi ne, %convert_element_type3A, %cond3A : i32
    scf.if %cond3A_17 {
      %dma_start3A_68 = arith.constant 0 : i32
      %dma_start3A_69 = tpu.memref_slice %arg12[%multiple_of3A, %dma_start3A_68] : memref<10000x128xf32, #tpu.memory_space<vmem_shared>> -> memref<624x128xf32, #tpu.memory_space<vmem_shared>>
      %dma_start3A_70 = arith.constant 0 : i32
      %dma_start3A_71 = arith.constant 0 : i32
      %dma_start3A_72 = tpu.memref_slice %arg5[%dma_start3A_70, %dma_start3A_71] : memref<640x128xf32, #tpu.memory_space<hbm>> -> memref<624x128xf32, #tpu.memory_space<hbm>>
      tpu.enqueue_dma source(%dma_start3A_72 : memref<624x128xf32, #tpu.memory_space<hbm>>) target(%dma_start3A_69 : memref<624x128xf32, #tpu.memory_space<vmem_shared>>) target_semaphore(%arg15 : memref<!tpu.dma_semaphore, #tpu.memory_space<semaphore_mem>>)
      %dma_wait3A_73 = arith.constant 0 : i32
      %dma_wait3A_74 = tpu.memref_slice %arg12[%multiple_of3A, %dma_wait3A_73] : memref<10000x128xf32, #tpu.memory_space<vmem_shared>> -> memref<624x128xf32, #tpu.memory_space<vmem_shared>>
      %dma_wait3A_75 = arith.constant 0 : i32
      %dma_wait3A_76 = arith.constant 0 : i32
      %dma_wait3A_77 = tpu.memref_slice %arg5[%dma_wait3A_75, %dma_wait3A_76] : memref<640x128xf32, #tpu.memory_space<hbm>> -> memref<624x128xf32, #tpu.memory_space<hbm>>
      tpu.wait_dma2 semaphore(%arg15 : memref<!tpu.dma_semaphore, #tpu.memory_space<semaphore_mem>>) src(%dma_wait3A_77 : memref<624x128xf32, #tpu.memory_space<hbm>>) dst(%dma_wait3A_74 : memref<624x128xf32, #tpu.memory_space<vmem_shared>>)
    } else {
    }
    %eq3A = arith.constant 15 : i32
    %eq3A_18 = arith.cmpi eq, %arg1, %eq3A : i32
    %convert_element_type3A_19 = arith.extui %eq3A_18 : i1 to i32
    %cond3A_20 = arith.constant 0 : i32
    %cond3A_21 = arith.cmpi ne, %convert_element_type3A_19, %cond3A_20 : i32
    scf.if %cond3A_21 {
      %dma_start3A_68 = arith.constant 0 : i32
      %dma_start3A_69 = tpu.memref_slice %arg12[%multiple_of3A, %dma_start3A_68] : memref<10000x128xf32, #tpu.memory_space<vmem_shared>> -> memref<640x128xf32, #tpu.memory_space<vmem_shared>>
      tpu.enqueue_dma source(%arg5 : memref<640x128xf32, #tpu.memory_space<hbm>>) target(%dma_start3A_69 : memref<640x128xf32, #tpu.memory_space<vmem_shared>>) target_semaphore(%arg15 : memref<!tpu.dma_semaphore, #tpu.memory_space<semaphore_mem>>)
      %dma_wait3A_70 = arith.constant 0 : i32
      %dma_wait3A_71 = tpu.memref_slice %arg12[%multiple_of3A, %dma_wait3A_70] : memref<10000x128xf32, #tpu.memory_space<vmem_shared>> -> memref<640x128xf32, #tpu.memory_space<vmem_shared>>
      tpu.wait_dma2 semaphore(%arg15 : memref<!tpu.dma_semaphore, #tpu.memory_space<semaphore_mem>>) src(%arg5 : memref<640x128xf32, #tpu.memory_space<hbm>>) dst(%dma_wait3A_71 : memref<640x128xf32, #tpu.memory_space<vmem_shared>>)
    } else {
    }
    %dma_wait3A = arith.constant 0 : i32
    %dma_wait3A_22 = tpu.memref_slice %arg3[%add3A, %dma_wait3A] : memref<32x10000xi32, #tpu.memory_space<hbm>> -> memref<1x10000xi32, #tpu.memory_space<hbm>>
    %dma_wait3A_23 = tpu.memref_squeeze %dma_wait3A_22 : memref<1x10000xi32, #tpu.memory_space<hbm>> -> memref<10000xi32, #tpu.memory_space<hbm>>
    %dma_wait3A_24 = arith.constant 0 : i32
    %dma_wait3A_25 = tpu.memref_slice %arg3[%add3A, %dma_wait3A_24] : memref<32x10000xi32, #tpu.memory_space<hbm>> -> memref<1x10000xi32, #tpu.memory_space<hbm>>
    %dma_wait3A_26 = tpu.memref_squeeze %dma_wait3A_25 : memref<1x10000xi32, #tpu.memory_space<hbm>> -> memref<10000xi32, #tpu.memory_space<hbm>>
    tpu.wait_dma2 semaphore(%arg13 : memref<!tpu.dma_semaphore, #tpu.memory_space<semaphore_mem>>) src(%dma_wait3A_26 : memref<10000xi32, #tpu.memory_space<hbm>>) dst(%arg8 : memref<10000xi32, #tpu.memory_space<vmem>>)
    %dma_wait3A_27 = arith.constant 0 : i32
    %dma_wait3A_28 = arith.constant 0 : i32
    %dma_wait3A_29 = tpu.memref_slice %arg4[%add3A, %dma_wait3A_27, %dma_wait3A_28] : memref<32x125x80xi32, #tpu.memory_space<hbm>> -> memref<1x125x80xi32, #tpu.memory_space<hbm>>
    %dma_wait3A_30 = tpu.memref_squeeze %dma_wait3A_29 : memref<1x125x80xi32, #tpu.memory_space<hbm>> -> memref<125x80xi32, #tpu.memory_space<hbm>>
    %dma_wait3A_31 = arith.constant 0 : i32
    %dma_wait3A_32 = arith.constant 0 : i32
    %dma_wait3A_33 = tpu.memref_slice %arg4[%add3A, %dma_wait3A_31, %dma_wait3A_32] : memref<32x125x80xi32, #tpu.memory_space<hbm>> -> memref<1x125x80xi32, #tpu.memory_space<hbm>>
    %dma_wait3A_34 = tpu.memref_squeeze %dma_wait3A_33 : memref<1x125x80xi32, #tpu.memory_space<hbm>> -> memref<125x80xi32, #tpu.memory_space<hbm>>
    tpu.wait_dma2 semaphore(%arg14 : memref<!tpu.dma_semaphore, #tpu.memory_space<semaphore_mem>>) src(%dma_wait3A_34 : memref<125x80xi32, #tpu.memory_space<hbm>>) dst(%arg9 : memref<125x80xi32, #tpu.memory_space<vmem>>)
    %barrier3A = arith.constant 0 : index
    tpu.barrier barrier_id(%barrier3A)
    %dma_start3A_35 = arith.constant 0 : i32
    %dma_start3A_36 = tpu.memref_slice %arg8[%dma_start3A_35] : memref<10000xi32, #tpu.memory_space<vmem>> -> memref<80xi32, #tpu.memory_space<vmem>>
    %dma_start3A_37 = arith.constant 0 : i32
    %dma_start3A_38 = arith.constant 0 : i32
    %dma_start3A_39 = tpu.memref_slice %arg2[%dma_start3A_37, %dma_start3A_38] : memref<10000x128xf32, #tpu.memory_space<hbm>> -> memref<10000x128xf32, #tpu.memory_space<hbm>>
    tpu.enqueue_indirect_dma source(%dma_start3A_39 : memref<10000x128xf32, #tpu.memory_space<hbm>>) target(%arg10 : memref<80x128xf32, #tpu.memory_space<vmem>>) offsets(%dma_start3A_36 : memref<80xi32, #tpu.memory_space<vmem>>) semaphore(%arg13 : memref<!tpu.dma_semaphore, #tpu.memory_space<semaphore_mem>>)
    %scan3A = arith.constant 0 : i32
    %scan3A_40 = arith.constant 0 : i32
    %scan3A_41 = arith.constant 62 : i32
    %scan3A_42 = arith.addi %scan3A_40, %scan3A_41 : i32
    %scan3A_43 = arith.constant 1 : i32
    scf.for %scan3A_68 = %scan3A_40 to %scan3A_42 step %scan3A_43  : i32 {
      %mul3A_69 = arith.constant 2 : i32
      %mul3A_70 = arith.muli %mul3A_69, %scan3A_68 : i32
      %add3A_71 = arith.constant 1 : i32
      %add3A_72 = arith.addi %mul3A_70, %add3A_71 : i32
      %gt3A = arith.constant 0 : i32
      %gt3A_73 = arith.cmpi sgt, %scan3A_68, %gt3A : i32
      %convert_element_type3A_74 = arith.extui %gt3A_73 : i1 to i32
      %cond3A_75 = arith.constant 0 : i32
      %cond3A_76 = arith.cmpi ne, %convert_element_type3A_74, %cond3A_75 : i32
      scf.if %cond3A_76 {
        %sub3A = arith.constant 1 : i32
        %sub3A_120 = arith.subi %mul3A_70, %sub3A : i32
        %dma_wait3A_121 = arith.constant 0 : i32
        %dma_wait3A_122 = tpu.memref_slice %arg9[%sub3A_120, %dma_wait3A_121] : memref<125x80xi32, #tpu.memory_space<vmem>> -> memref<1x80xi32, #tpu.memory_space<vmem>>
        %dma_wait3A_123 = tpu.memref_squeeze %dma_wait3A_122 : memref<1x80xi32, #tpu.memory_space<vmem>> -> memref<80xi32, #tpu.memory_space<vmem>>
        %dma_wait3A_124 = arith.constant 0 : i32
        %dma_wait3A_125 = arith.constant 0 : i32
        %dma_wait3A_126 = tpu.memref_slice %arg12[%dma_wait3A_124, %dma_wait3A_125] : memref<10000x128xf32, #tpu.memory_space<vmem_shared>> -> memref<10000x128xf32, #tpu.memory_space<vmem_shared>>
        tpu.wait_indirect_dma semaphore(%arg16 : memref<!tpu.dma_semaphore, #tpu.memory_space<semaphore_mem>>) src(%arg11 : memref<80x128xf32, #tpu.memory_space<vmem>>) dst(%dma_wait3A_126 : memref<10000x128xf32, #tpu.memory_space<vmem_shared>>)
      } else {
      }
      %mul3A_77 = arith.constant 80 : i32
      %mul3A_78 = arith.muli %add3A_72, %mul3A_77 : i32
      %dma_start3A_79 = tpu.memref_slice %arg8[%mul3A_78] : memref<10000xi32, #tpu.memory_space<vmem>> -> memref<80xi32, #tpu.memory_space<vmem>>
      %dma_start3A_80 = arith.constant 0 : i32
      %dma_start3A_81 = arith.constant 0 : i32
      %dma_start3A_82 = tpu.memref_slice %arg2[%dma_start3A_80, %dma_start3A_81] : memref<10000x128xf32, #tpu.memory_space<hbm>> -> memref<10000x128xf32, #tpu.memory_space<hbm>>
      tpu.enqueue_indirect_dma source(%dma_start3A_82 : memref<10000x128xf32, #tpu.memory_space<hbm>>) target(%arg11 : memref<80x128xf32, #tpu.memory_space<vmem>>) offsets(%dma_start3A_79 : memref<80xi32, #tpu.memory_space<vmem>>) semaphore(%arg14 : memref<!tpu.dma_semaphore, #tpu.memory_space<semaphore_mem>>)
      %mul3A_83 = arith.constant 80 : i32
      %mul3A_84 = arith.muli %mul3A_70, %mul3A_83 : i32
      %dma_wait3A_85 = tpu.memref_slice %arg8[%mul3A_84] : memref<10000xi32, #tpu.memory_space<vmem>> -> memref<80xi32, #tpu.memory_space<vmem>>
      %dma_wait3A_86 = arith.constant 0 : i32
      %dma_wait3A_87 = arith.constant 0 : i32
      %dma_wait3A_88 = tpu.memref_slice %arg2[%dma_wait3A_86, %dma_wait3A_87] : memref<10000x128xf32, #tpu.memory_space<hbm>> -> memref<10000x128xf32, #tpu.memory_space<hbm>>
      tpu.wait_indirect_dma semaphore(%arg13 : memref<!tpu.dma_semaphore, #tpu.memory_space<semaphore_mem>>) src(%dma_wait3A_88 : memref<10000x128xf32, #tpu.memory_space<hbm>>) dst(%arg10 : memref<80x128xf32, #tpu.memory_space<vmem>>)
      %dma_start3A_89 = arith.constant 0 : i32
      %dma_start3A_90 = tpu.memref_slice %arg9[%mul3A_70, %dma_start3A_89] : memref<125x80xi32, #tpu.memory_space<vmem>> -> memref<1x80xi32, #tpu.memory_space<vmem>>
      %dma_start3A_91 = tpu.memref_squeeze %dma_start3A_90 : memref<1x80xi32, #tpu.memory_space<vmem>> -> memref<80xi32, #tpu.memory_space<vmem>>
      %dma_start3A_92 = arith.constant 0 : i32
      %dma_start3A_93 = arith.constant 0 : i32
      %dma_start3A_94 = tpu.memref_slice %arg12[%dma_start3A_92, %dma_start3A_93] : memref<10000x128xf32, #tpu.memory_space<vmem_shared>> -> memref<10000x128xf32, #tpu.memory_space<vmem_shared>>
      tpu.enqueue_indirect_dma source(%arg10 : memref<80x128xf32, #tpu.memory_space<vmem>>) target(%dma_start3A_94 : memref<10000x128xf32, #tpu.memory_space<vmem_shared>>) offsets(%dma_start3A_91 : memref<80xi32, #tpu.memory_space<vmem>>) semaphore(%arg15 : memref<!tpu.dma_semaphore, #tpu.memory_space<semaphore_mem>>) {add = true}
      %dma_wait3A_95 = arith.constant 0 : i32
      %dma_wait3A_96 = tpu.memref_slice %arg9[%mul3A_70, %dma_wait3A_95] : memref<125x80xi32, #tpu.memory_space<vmem>> -> memref<1x80xi32, #tpu.memory_space<vmem>>
      %dma_wait3A_97 = tpu.memref_squeeze %dma_wait3A_96 : memref<1x80xi32, #tpu.memory_space<vmem>> -> memref<80xi32, #tpu.memory_space<vmem>>
      %dma_wait3A_98 = arith.constant 0 : i32
      %dma_wait3A_99 = arith.constant 0 : i32
      %dma_wait3A_100 = tpu.memref_slice %arg12[%dma_wait3A_98, %dma_wait3A_99] : memref<10000x128xf32, #tpu.memory_space<vmem_shared>> -> memref<10000x128xf32, #tpu.memory_space<vmem_shared>>
      tpu.wait_indirect_dma semaphore(%arg15 : memref<!tpu.dma_semaphore, #tpu.memory_space<semaphore_mem>>) src(%arg10 : memref<80x128xf32, #tpu.memory_space<vmem>>) dst(%dma_wait3A_100 : memref<10000x128xf32, #tpu.memory_space<vmem_shared>>)
      %add3A_101 = arith.constant 2 : i32
      %add3A_102 = arith.addi %mul3A_70, %add3A_101 : i32
      %lt3A_103 = arith.constant 125 : i32
      %lt3A_104 = arith.cmpi slt, %add3A_102, %lt3A_103 : i32
      %convert_element_type3A_105 = arith.extui %lt3A_104 : i1 to i32
      %cond3A_106 = arith.constant 0 : i32
      %cond3A_107 = arith.cmpi ne, %convert_element_type3A_105, %cond3A_106 : i32
      scf.if %cond3A_107 {
        %add3A_120 = arith.constant 2 : i32
        %add3A_121 = arith.addi %mul3A_70, %add3A_120 : i32
        %mul3A_122 = arith.constant 80 : i32
        %mul3A_123 = arith.muli %add3A_121, %mul3A_122 : i32
        %dma_start3A_124 = tpu.memref_slice %arg8[%mul3A_123] : memref<10000xi32, #tpu.memory_space<vmem>> -> memref<80xi32, #tpu.memory_space<vmem>>
        %dma_start3A_125 = arith.constant 0 : i32
        %dma_start3A_126 = arith.constant 0 : i32
        %dma_start3A_127 = tpu.memref_slice %arg2[%dma_start3A_125, %dma_start3A_126] : memref<10000x128xf32, #tpu.memory_space<hbm>> -> memref<10000x128xf32, #tpu.memory_space<hbm>>
        tpu.enqueue_indirect_dma source(%dma_start3A_127 : memref<10000x128xf32, #tpu.memory_space<hbm>>) target(%arg10 : memref<80x128xf32, #tpu.memory_space<vmem>>) offsets(%dma_start3A_124 : memref<80xi32, #tpu.memory_space<vmem>>) semaphore(%arg13 : memref<!tpu.dma_semaphore, #tpu.memory_space<semaphore_mem>>)
      } else {
      }
      %mul3A_108 = arith.constant 80 : i32
      %mul3A_109 = arith.muli %add3A_72, %mul3A_108 : i32
      %dma_wait3A_110 = tpu.memref_slice %arg8[%mul3A_109] : memref<10000xi32, #tpu.memory_space<vmem>> -> memref<80xi32, #tpu.memory_space<vmem>>
      %dma_wait3A_111 = arith.constant 0 : i32
      %dma_wait3A_112 = arith.constant 0 : i32
      %dma_wait3A_113 = tpu.memref_slice %arg2[%dma_wait3A_111, %dma_wait3A_112] : memref<10000x128xf32, #tpu.memory_space<hbm>> -> memref<10000x128xf32, #tpu.memory_space<hbm>>
      tpu.wait_indirect_dma semaphore(%arg14 : memref<!tpu.dma_semaphore, #tpu.memory_space<semaphore_mem>>) src(%dma_wait3A_113 : memref<10000x128xf32, #tpu.memory_space<hbm>>) dst(%arg11 : memref<80x128xf32, #tpu.memory_space<vmem>>)
      %dma_start3A_114 = arith.constant 0 : i32
      %dma_start3A_115 = tpu.memref_slice %arg9[%add3A_72, %dma_start3A_114] : memref<125x80xi32, #tpu.memory_space<vmem>> -> memref<1x80xi32, #tpu.memory_space<vmem>>
      %dma_start3A_116 = tpu.memref_squeeze %dma_start3A_115 : memref<1x80xi32, #tpu.memory_space<vmem>> -> memref<80xi32, #tpu.memory_space<vmem>>
      %dma_start3A_117 = arith.constant 0 : i32
      %dma_start3A_118 = arith.constant 0 : i32
      %dma_start3A_119 = tpu.memref_slice %arg12[%dma_start3A_117, %dma_start3A_118] : memref<10000x128xf32, #tpu.memory_space<vmem_shared>> -> memref<10000x128xf32, #tpu.memory_space<vmem_shared>>
      tpu.enqueue_indirect_dma source(%arg11 : memref<80x128xf32, #tpu.memory_space<vmem>>) target(%dma_start3A_119 : memref<10000x128xf32, #tpu.memory_space<vmem_shared>>) offsets(%dma_start3A_116 : memref<80xi32, #tpu.memory_space<vmem>>) semaphore(%arg16 : memref<!tpu.dma_semaphore, #tpu.memory_space<semaphore_mem>>) {add = true}
    }
    %scan3A_44 = arith.constant 62 : i32
    %dma_wait3A_45 = arith.constant 123 : i32
    %dma_wait3A_46 = arith.constant 0 : i32
    %dma_wait3A_47 = tpu.memref_slice %arg9[%dma_wait3A_45, %dma_wait3A_46] : memref<125x80xi32, #tpu.memory_space<vmem>> -> memref<1x80xi32, #tpu.memory_space<vmem>>
    %dma_wait3A_48 = tpu.memref_squeeze %dma_wait3A_47 : memref<1x80xi32, #tpu.memory_space<vmem>> -> memref<80xi32, #tpu.memory_space<vmem>>
    %dma_wait3A_49 = arith.constant 0 : i32
    %dma_wait3A_50 = arith.constant 0 : i32
    %dma_wait3A_51 = tpu.memref_slice %arg12[%dma_wait3A_49, %dma_wait3A_50] : memref<10000x128xf32, #tpu.memory_space<vmem_shared>> -> memref<10000x128xf32, #tpu.memory_space<vmem_shared>>
    tpu.wait_indirect_dma semaphore(%arg16 : memref<!tpu.dma_semaphore, #tpu.memory_space<semaphore_mem>>) src(%arg11 : memref<80x128xf32, #tpu.memory_space<vmem>>) dst(%dma_wait3A_51 : memref<10000x128xf32, #tpu.memory_space<vmem_shared>>)
    %dma_wait3A_52 = arith.constant 9920 : i32
    %dma_wait3A_53 = tpu.memref_slice %arg8[%dma_wait3A_52] : memref<10000xi32, #tpu.memory_space<vmem>> -> memref<80xi32, #tpu.memory_space<vmem>>
    %dma_wait3A_54 = arith.constant 0 : i32
    %dma_wait3A_55 = arith.constant 0 : i32
    %dma_wait3A_56 = tpu.memref_slice %arg2[%dma_wait3A_54, %dma_wait3A_55] : memref<10000x128xf32, #tpu.memory_space<hbm>> -> memref<10000x128xf32, #tpu.memory_space<hbm>>
    tpu.wait_indirect_dma semaphore(%arg13 : memref<!tpu.dma_semaphore, #tpu.memory_space<semaphore_mem>>) src(%dma_wait3A_56 : memref<10000x128xf32, #tpu.memory_space<hbm>>) dst(%arg10 : memref<80x128xf32, #tpu.memory_space<vmem>>)
    %run_scoped3A = arith.constant 124 : i32
    "tpu.region"() ({
      %run_scoped3A_68 = tpu.sem_alloc : memref<!tpu.dma_semaphore, #tpu.memory_space<semaphore_mem>>
      %dma_start3A_69 = arith.constant 0 : i32
      %dma_start3A_70 = tpu.memref_slice %arg9[%run_scoped3A, %dma_start3A_69] : memref<125x80xi32, #tpu.memory_space<vmem>> -> memref<1x80xi32, #tpu.memory_space<vmem>>
      %dma_start3A_71 = tpu.memref_squeeze %dma_start3A_70 : memref<1x80xi32, #tpu.memory_space<vmem>> -> memref<80xi32, #tpu.memory_space<vmem>>
      %dma_start3A_72 = arith.constant 0 : i32
      %dma_start3A_73 = arith.constant 0 : i32
      %dma_start3A_74 = tpu.memref_slice %arg12[%dma_start3A_72, %dma_start3A_73] : memref<10000x128xf32, #tpu.memory_space<vmem_shared>> -> memref<10000x128xf32, #tpu.memory_space<vmem_shared>>
      tpu.enqueue_indirect_dma source(%arg10 : memref<80x128xf32, #tpu.memory_space<vmem>>) target(%dma_start3A_74 : memref<10000x128xf32, #tpu.memory_space<vmem_shared>>) offsets(%dma_start3A_71 : memref<80xi32, #tpu.memory_space<vmem>>) semaphore(%run_scoped3A_68 : memref<!tpu.dma_semaphore, #tpu.memory_space<semaphore_mem>>) {add = true}
      %dma_wait3A_75 = arith.constant 0 : i32
      %dma_wait3A_76 = tpu.memref_slice %arg9[%run_scoped3A, %dma_wait3A_75] : memref<125x80xi32, #tpu.memory_space<vmem>> -> memref<1x80xi32, #tpu.memory_space<vmem>>
      %dma_wait3A_77 = tpu.memref_squeeze %dma_wait3A_76 : memref<1x80xi32, #tpu.memory_space<vmem>> -> memref<80xi32, #tpu.memory_space<vmem>>
      %dma_wait3A_78 = arith.constant 0 : i32
      %dma_wait3A_79 = arith.constant 0 : i32
      %dma_wait3A_80 = tpu.memref_slice %arg12[%dma_wait3A_78, %dma_wait3A_79] : memref<10000x128xf32, #tpu.memory_space<vmem_shared>> -> memref<10000x128xf32, #tpu.memory_space<vmem_shared>>
      tpu.wait_indirect_dma semaphore(%run_scoped3A_68 : memref<!tpu.dma_semaphore, #tpu.memory_space<semaphore_mem>>) src(%arg10 : memref<80x128xf32, #tpu.memory_space<vmem>>) dst(%dma_wait3A_80 : memref<10000x128xf32, #tpu.memory_space<vmem_shared>>)
      tpu.yield
    }) : () -> ()
    %barrier3A_57 = arith.constant 0 : index
    tpu.barrier barrier_id(%barrier3A_57)
    %eq3A_58 = arith.constant 0 : i32
    %eq3A_59 = arith.cmpi eq, %arg0, %eq3A_58 : i32
    %convert_element_type3A_60 = arith.extui %eq3A_59 : i1 to i32
    %cond3A_61 = arith.constant 0 : i32
    %cond3A_62 = arith.cmpi ne, %convert_element_type3A_60, %cond3A_61 : i32
    scf.if %cond3A_62 {
      %lt3A_68 = arith.constant 15 : i32
      %lt3A_69 = arith.cmpi slt, %arg1, %lt3A_68 : i32
      %convert_element_type3A_70 = arith.extui %lt3A_69 : i1 to i32
      %cond3A_71 = arith.constant 0 : i32
      %cond3A_72 = arith.cmpi ne, %convert_element_type3A_70, %cond3A_71 : i32
      scf.if %cond3A_72 {
        "tpu.region"() ({
          %run_scoped3A_78 = tpu.sem_alloc : memref<!tpu.dma_semaphore, #tpu.memory_space<semaphore_mem>>
          %dma_start3A_79 = arith.constant 0 : i32
          %dma_start3A_80 = tpu.memref_slice %arg6[%multiple_of3A, %dma_start3A_79] : memref<10000x128xf32, #tpu.memory_space<hbm>> -> memref<624x128xf32, #tpu.memory_space<hbm>>
          %dma_start3A_81 = arith.constant 0 : i32
          %dma_start3A_82 = tpu.memref_slice %arg12[%multiple_of3A, %dma_start3A_81] : memref<10000x128xf32, #tpu.memory_space<vmem_shared>> -> memref<624x128xf32, #tpu.memory_space<vmem_shared>>
          tpu.enqueue_dma source(%dma_start3A_82 : memref<624x128xf32, #tpu.memory_space<vmem_shared>>) target(%dma_start3A_80 : memref<624x128xf32, #tpu.memory_space<hbm>>) target_semaphore(%run_scoped3A_78 : memref<!tpu.dma_semaphore, #tpu.memory_space<semaphore_mem>>)
          %dma_wait3A_83 = arith.constant 0 : i32
          %dma_wait3A_84 = tpu.memref_slice %arg6[%multiple_of3A, %dma_wait3A_83] : memref<10000x128xf32, #tpu.memory_space<hbm>> -> memref<624x128xf32, #tpu.memory_space<hbm>>
          %dma_wait3A_85 = arith.constant 0 : i32
          %dma_wait3A_86 = tpu.memref_slice %arg12[%multiple_of3A, %dma_wait3A_85] : memref<10000x128xf32, #tpu.memory_space<vmem_shared>> -> memref<624x128xf32, #tpu.memory_space<vmem_shared>>
          tpu.wait_dma2 semaphore(%run_scoped3A_78 : memref<!tpu.dma_semaphore, #tpu.memory_space<semaphore_mem>>) src(%dma_wait3A_86 : memref<624x128xf32, #tpu.memory_space<vmem_shared>>) dst(%dma_wait3A_84 : memref<624x128xf32, #tpu.memory_space<hbm>>)
          tpu.yield
        }) : () -> ()
      } else {
      }
      %eq3A_73 = arith.constant 15 : i32
      %eq3A_74 = arith.cmpi eq, %arg1, %eq3A_73 : i32
      %convert_element_type3A_75 = arith.extui %eq3A_74 : i1 to i32
      %cond3A_76 = arith.constant 0 : i32
      %cond3A_77 = arith.cmpi ne, %convert_element_type3A_75, %cond3A_76 : i32
      scf.if %cond3A_77 {
        "tpu.region"() ({
          %run_scoped3A_78 = tpu.sem_alloc : memref<!tpu.dma_semaphore, #tpu.memory_space<semaphore_mem>>
          %dma_start3A_79 = arith.constant 0 : i32
          %dma_start3A_80 = tpu.memref_slice %arg6[%multiple_of3A, %dma_start3A_79] : memref<10000x128xf32, #tpu.memory_space<hbm>> -> memref<640x128xf32, #tpu.memory_space<hbm>>
          %dma_start3A_81 = arith.constant 0 : i32
          %dma_start3A_82 = tpu.memref_slice %arg12[%multiple_of3A, %dma_start3A_81] : memref<10000x128xf32, #tpu.memory_space<vmem_shared>> -> memref<640x128xf32, #tpu.memory_space<vmem_shared>>
          tpu.enqueue_dma source(%dma_start3A_82 : memref<640x128xf32, #tpu.memory_space<vmem_shared>>) target(%dma_start3A_80 : memref<640x128xf32, #tpu.memory_space<hbm>>) target_semaphore(%run_scoped3A_78 : memref<!tpu.dma_semaphore, #tpu.memory_space<semaphore_mem>>)
          %dma_wait3A_83 = arith.constant 0 : i32
          %dma_wait3A_84 = tpu.memref_slice %arg6[%multiple_of3A, %dma_wait3A_83] : memref<10000x128xf32, #tpu.memory_space<hbm>> -> memref<640x128xf32, #tpu.memory_space<hbm>>
          %dma_wait3A_85 = arith.constant 0 : i32
          %dma_wait3A_86 = tpu.memref_slice %arg12[%multiple_of3A, %dma_wait3A_85] : memref<10000x128xf32, #tpu.memory_space<vmem_shared>> -> memref<640x128xf32, #tpu.memory_space<vmem_shared>>
          tpu.wait_dma2 semaphore(%run_scoped3A_78 : memref<!tpu.dma_semaphore, #tpu.memory_space<semaphore_mem>>) src(%dma_wait3A_86 : memref<640x128xf32, #tpu.memory_space<vmem_shared>>) dst(%dma_wait3A_84 : memref<640x128xf32, #tpu.memory_space<hbm>>)
          tpu.yield
        }) : () -> ()
      } else {
      }
    } else {
    }
    %eq3A_63 = arith.constant 1 : i32
    %eq3A_64 = arith.cmpi eq, %arg0, %eq3A_63 : i32
    %convert_element_type3A_65 = arith.extui %eq3A_64 : i1 to i32
    %cond3A_66 = arith.constant 0 : i32
    %cond3A_67 = arith.cmpi ne, %convert_element_type3A_65, %cond3A_66 : i32
    scf.if %cond3A_67 {
      %lt3A_68 = arith.constant 15 : i32
      %lt3A_69 = arith.cmpi slt, %arg1, %lt3A_68 : i32
      %convert_element_type3A_70 = arith.extui %lt3A_69 : i1 to i32
      %cond3A_71 = arith.constant 0 : i32
      %cond3A_72 = arith.cmpi ne, %convert_element_type3A_70, %cond3A_71 : i32
      scf.if %cond3A_72 {
        "tpu.region"() ({
          %run_scoped3A_78 = tpu.sem_alloc : memref<!tpu.dma_semaphore, #tpu.memory_space<semaphore_mem>>
          %dma_start3A_79 = arith.constant 0 : i32
          %dma_start3A_80 = tpu.memref_slice %arg7[%multiple_of3A, %dma_start3A_79] : memref<10000x128xf32, #tpu.memory_space<hbm>> -> memref<624x128xf32, #tpu.memory_space<hbm>>
          %dma_start3A_81 = arith.constant 0 : i32
          %dma_start3A_82 = tpu.memref_slice %arg12[%multiple_of3A, %dma_start3A_81] : memref<10000x128xf32, #tpu.memory_space<vmem_shared>> -> memref<624x128xf32, #tpu.memory_space<vmem_shared>>
          tpu.enqueue_dma source(%dma_start3A_82 : memref<624x128xf32, #tpu.memory_space<vmem_shared>>) target(%dma_start3A_80 : memref<624x128xf32, #tpu.memory_space<hbm>>) target_semaphore(%run_scoped3A_78 : memref<!tpu.dma_semaphore, #tpu.memory_space<semaphore_mem>>)
          %dma_wait3A_83 = arith.constant 0 : i32
          %dma_wait3A_84 = tpu.memref_slice %arg7[%multiple_of3A, %dma_wait3A_83] : memref<10000x128xf32, #tpu.memory_space<hbm>> -> memref<624x128xf32, #tpu.memory_space<hbm>>
          %dma_wait3A_85 = arith.constant 0 : i32
          %dma_wait3A_86 = tpu.memref_slice %arg12[%multiple_of3A, %dma_wait3A_85] : memref<10000x128xf32, #tpu.memory_space<vmem_shared>> -> memref<624x128xf32, #tpu.memory_space<vmem_shared>>
          tpu.wait_dma2 semaphore(%run_scoped3A_78 : memref<!tpu.dma_semaphore, #tpu.memory_space<semaphore_mem>>) src(%dma_wait3A_86 : memref<624x128xf32, #tpu.memory_space<vmem_shared>>) dst(%dma_wait3A_84 : memref<624x128xf32, #tpu.memory_space<hbm>>)
          tpu.yield
        }) : () -> ()
      } else {
      }
      %eq3A_73 = arith.constant 15 : i32
      %eq3A_74 = arith.cmpi eq, %arg1, %eq3A_73 : i32
      %convert_element_type3A_75 = arith.extui %eq3A_74 : i1 to i32
      %cond3A_76 = arith.constant 0 : i32
      %cond3A_77 = arith.cmpi ne, %convert_element_type3A_75, %cond3A_76 : i32
      scf.if %cond3A_77 {
        "tpu.region"() ({
          %run_scoped3A_78 = tpu.sem_alloc : memref<!tpu.dma_semaphore, #tpu.memory_space<semaphore_mem>>
          %dma_start3A_79 = arith.constant 0 : i32
          %dma_start3A_80 = tpu.memref_slice %arg7[%multiple_of3A, %dma_start3A_79] : memref<10000x128xf32, #tpu.memory_space<hbm>> -> memref<640x128xf32, #tpu.memory_space<hbm>>
          %dma_start3A_81 = arith.constant 0 : i32
          %dma_start3A_82 = tpu.memref_slice %arg12[%multiple_of3A, %dma_start3A_81] : memref<10000x128xf32, #tpu.memory_space<vmem_shared>> -> memref<640x128xf32, #tpu.memory_space<vmem_shared>>
          tpu.enqueue_dma source(%dma_start3A_82 : memref<640x128xf32, #tpu.memory_space<vmem_shared>>) target(%dma_start3A_80 : memref<640x128xf32, #tpu.memory_space<hbm>>) target_semaphore(%run_scoped3A_78 : memref<!tpu.dma_semaphore, #tpu.memory_space<semaphore_mem>>)
          %dma_wait3A_83 = arith.constant 0 : i32
          %dma_wait3A_84 = tpu.memref_slice %arg7[%multiple_of3A, %dma_wait3A_83] : memref<10000x128xf32, #tpu.memory_space<hbm>> -> memref<640x128xf32, #tpu.memory_space<hbm>>
          %dma_wait3A_85 = arith.constant 0 : i32
          %dma_wait3A_86 = tpu.memref_slice %arg12[%multiple_of3A, %dma_wait3A_85] : memref<10000x128xf32, #tpu.memory_space<vmem_shared>> -> memref<640x128xf32, #tpu.memory_space<vmem_shared>>
          tpu.wait_dma2 semaphore(%run_scoped3A_78 : memref<!tpu.dma_semaphore, #tpu.memory_space<semaphore_mem>>) src(%dma_wait3A_86 : memref<640x128xf32, #tpu.memory_space<vmem_shared>>) dst(%dma_wait3A_84 : memref<640x128xf32, #tpu.memory_space<hbm>>)
          tpu.yield
        }) : () -> ()
      } else {
      }
    } else {
    }
    return
  }
}

module attributes {stable_mosaic.version = 14 : i64} {
  func.func @_embed_body(%arg0: i32, %arg1: memref<5000x128xf32, #tpu.memory_space<vmem>>, %arg2: memref<128x128xf32, #tpu.memory_space<vmem>>, %arg3: memref<1x128xf32, #tpu.memory_space<vmem>>, %arg4: memref<5000x2xf32, #tpu.memory_space<vmem>>, %arg5: memref<5000x128xf32, #tpu.memory_space<vmem>>, %arg6: memref<5000x128xf32, #tpu.memory_space<vmem>>) attributes {dimension_semantics = [#tpu.dimension_semantics<arbitrary>], iteration_bounds = array<i64: 2>, scalar_prefetch = 0 : i64, scratch_operands = 0 : i64, tpu.core_type = #tpu.core_type<tc>, window_params = [{transform_indices = @transform_0, window_bounds = array<i64: 5000, 128>}, {pipeline_mode = #tpu.pipeline_mode<synchronous>, transform_indices = @transform_1, window_bounds = array<i64: 128, 128>}, {pipeline_mode = #tpu.pipeline_mode<synchronous>, transform_indices = @transform_2, window_bounds = array<i64: 1, 128>}, {transform_indices = @transform_3, window_bounds = array<i64: 5000, 2>}, {transform_indices = @transform_4, window_bounds = array<i64: 5000, 128>}, {transform_indices = @transform_5, window_bounds = array<i64: 5000, 128>}]} {
    %get3A = arith.constant 0 : index
    %get3A_0 = arith.constant 0 : index
    %get3A_1 = vector.load %arg1[%get3A, %get3A_0] : memref<5000x128xf32, #tpu.memory_space<vmem>>, vector<5000x128xf32>
    %get3A_2 = arith.constant 0 : index
    %get3A_3 = arith.constant 0 : index
    %get3A_4 = vector.load %arg2[%get3A_2, %get3A_3] : memref<128x128xf32, #tpu.memory_space<vmem>>, vector<128x128xf32>
    %dot_general3A = arith.constant dense<0.000000e+00> : vector<5000x128xf32>
    %dot_general3A_5 = tpu.matmul %get3A_1, %get3A_4, %dot_general3A {dimension_numbers = #tpu.dot_dimension_numbers<[1], [0], [0], [1], [0, 0, 1, 1], [], []>, transpose_lhs_hint = false} : vector<5000x128xf32>, vector<128x128xf32>, vector<5000x128xf32> -> vector<5000x128xf32>
    %get3A_6 = arith.constant 0 : index
    %get3A_7 = arith.constant 0 : index
    %get3A_8 = vector.load %arg3[%get3A_6, %get3A_7] : memref<1x128xf32, #tpu.memory_space<vmem>>, vector<1x128xf32>
    %add3A = vector.broadcast %get3A_8 : vector<1x128xf32> to vector<5000x128xf32>
    %add3A_9 = arith.addf %dot_general3A_5, %add3A : vector<5000x128xf32>
    %get3A_10 = arith.constant 0 : index
    %get3A_11 = arith.constant 0 : index
    %get3A_12 = vector.load %arg4[%get3A_10, %get3A_11] : memref<5000x2xf32, #tpu.memory_space<vmem>>, vector<5000x1xf32>
    %get3A_13 = vector.shape_cast %get3A_12 : vector<5000x1xf32> to vector<5000xf32>
    %get3A_14 = arith.constant 0 : index
    %get3A_15 = arith.constant 1 : index
    %get3A_16 = vector.load %arg4[%get3A_14, %get3A_15] : memref<5000x2xf32, #tpu.memory_space<vmem>>, vector<5000x1xf32>
    %get3A_17 = vector.shape_cast %get3A_16 : vector<5000x1xf32> to vector<5000xf32>
    %add3A_18 = arith.addf %get3A_13, %get3A_17 : vector<5000xf32>
    %gt3A = arith.constant 0.000000e+00 : f32
    %gt3A_19 = vector.broadcast %gt3A : f32 to vector<5000xf32>
    %gt3A_20 = arith.cmpf ogt, %add3A_18, %gt3A_19 : vector<5000xf32>
    %jit3A = arith.constant 1.000000e+00 : f32
    %broadcast_in_dim3A = vector.broadcast %jit3A : f32 to vector<5000xf32>
    %select_n3A = arith.select %gt3A_20, %add3A_18, %broadcast_in_dim3A : vector<5000xi1>, vector<5000xf32>
    %rsqrt3A = math.rsqrt %select_n3A : vector<5000xf32>
    %swap3A = arith.constant 0 : index
    %swap3A_21 = arith.constant 0 : index
    %swap3A_22 = vector.load %arg5[%swap3A, %swap3A_21] : memref<5000x128xf32, #tpu.memory_space<vmem>>, vector<5000x128xf32>
    tpu.vector_store %arg5[%swap3A, %swap3A_21], %add3A_9 {strides = array<i32>} : memref<5000x128xf32, #tpu.memory_space<vmem>>, vector<5000x128xf32>,
    %broadcast_in_dim3A_23 = vector.shape_cast %rsqrt3A : vector<5000xf32> to vector<5000x1xf32>
    %mul3A = vector.broadcast %broadcast_in_dim3A_23 : vector<5000x1xf32> to vector<5000x128xf32>
    %mul3A_24 = arith.mulf %add3A_9, %mul3A : vector<5000x128xf32>
    %swap3A_25 = arith.constant 0 : index
    %swap3A_26 = arith.constant 0 : index
    %swap3A_27 = vector.load %arg6[%swap3A_25, %swap3A_26] : memref<5000x128xf32, #tpu.memory_space<vmem>>, vector<5000x128xf32>
    tpu.vector_store %arg6[%swap3A_25, %swap3A_26], %mul3A_24 {strides = array<i32>} : memref<5000x128xf32, #tpu.memory_space<vmem>>, vector<5000x128xf32>,
    return
  }
  func.func @transform_0(%arg0: i32) -> (i32, i32) {
    %c0_i32 = arith.constant 0 : i32
    %c0_i32_0 = arith.constant 0 : i32
    return %arg0, %c0_i32 : i32, i32
  }
  func.func @transform_1(%arg0: i32) -> (i32, i32) {
    %c0_i32 = arith.constant 0 : i32
    %c0_i32_0 = arith.constant 0 : i32
    %c0_i32_1 = arith.constant 0 : i32
    return %c0_i32, %c0_i32_0 : i32, i32
  }
  func.func @transform_2(%arg0: i32) -> (i32, i32) {
    %c0_i32 = arith.constant 0 : i32
    %c0_i32_0 = arith.constant 0 : i32
    %c0_i32_1 = arith.constant 0 : i32
    return %c0_i32, %c0_i32_0 : i32, i32
  }
  func.func @transform_3(%arg0: i32) -> (i32, i32) {
    %c0_i32 = arith.constant 0 : i32
    %c0_i32_0 = arith.constant 0 : i32
    return %arg0, %c0_i32 : i32, i32
  }
  func.func @transform_4(%arg0: i32) -> (i32, i32) {
    %c0_i32 = arith.constant 0 : i32
    %c0_i32_0 = arith.constant 0 : i32
    return %arg0, %c0_i32 : i32, i32
  }
  func.func @transform_5(%arg0: i32) -> (i32, i32) {
    %c0_i32 = arith.constant 0 : i32
    %c0_i32_0 = arith.constant 0 : i32
    return %arg0, %c0_i32 : i32, i32
  }
}

module attributes {stable_mosaic.version = 14 : i64} {
  func.func @_layer_body(%arg0: i32, %arg1: memref<5000x128xf32, #tpu.memory_space<vmem>>, %arg2: memref<5000x128xf32, #tpu.memory_space<vmem>>, %arg3: memref<5000x128xf32, #tpu.memory_space<vmem>>, %arg4: memref<5000x2xf32, #tpu.memory_space<vmem>>, %arg5: memref<5000x1xf32, #tpu.memory_space<vmem>>, %arg6: memref<128x128xf32, #tpu.memory_space<vmem>>, %arg7: memref<1x128xf32, #tpu.memory_space<vmem>>, %arg8: memref<1x128xf32, #tpu.memory_space<vmem>>, %arg9: memref<1x128xf32, #tpu.memory_space<vmem>>, %arg10: memref<5000x2xf32, #tpu.memory_space<vmem>>, %arg11: memref<5000x128xf32, #tpu.memory_space<vmem>>, %arg12: memref<5000x128xf32, #tpu.memory_space<vmem>>) attributes {dimension_semantics = [#tpu.dimension_semantics<arbitrary>], iteration_bounds = array<i64: 2>, scalar_prefetch = 0 : i64, scratch_operands = 0 : i64, tpu.core_type = #tpu.core_type<tc>, window_params = [{transform_indices = @transform_0, window_bounds = array<i64: 5000, 128>}, {transform_indices = @transform_1, window_bounds = array<i64: 5000, 128>}, {transform_indices = @transform_2, window_bounds = array<i64: 5000, 128>}, {transform_indices = @transform_3, window_bounds = array<i64: 5000, 2>}, {transform_indices = @transform_4, window_bounds = array<i64: 5000, 1>}, {pipeline_mode = #tpu.pipeline_mode<synchronous>, transform_indices = @transform_5, window_bounds = array<i64: 128, 128>}, {pipeline_mode = #tpu.pipeline_mode<synchronous>, transform_indices = @transform_6, window_bounds = array<i64: 1, 128>}, {pipeline_mode = #tpu.pipeline_mode<synchronous>, transform_indices = @transform_7, window_bounds = array<i64: 1, 128>}, {pipeline_mode = #tpu.pipeline_mode<synchronous>, transform_indices = @transform_8, window_bounds = array<i64: 1, 128>}, {transform_indices = @transform_9, window_bounds = array<i64: 5000, 2>}, {transform_indices = @transform_10, window_bounds = array<i64: 5000, 128>}, {transform_indices = @transform_11, window_bounds = array<i64: 5000, 128>}]} {
    %get3A = arith.constant 0 : index
    %get3A_0 = arith.constant 0 : index
    %get3A_1 = vector.load %arg4[%get3A, %get3A_0] : memref<5000x2xf32, #tpu.memory_space<vmem>>, vector<5000x1xf32>
    %get3A_2 = vector.shape_cast %get3A_1 : vector<5000x1xf32> to vector<5000xf32>
    %get3A_3 = arith.constant 0 : index
    %get3A_4 = arith.constant 1 : index
    %get3A_5 = vector.load %arg4[%get3A_3, %get3A_4] : memref<5000x2xf32, #tpu.memory_space<vmem>>, vector<5000x1xf32>
    %get3A_6 = vector.shape_cast %get3A_5 : vector<5000x1xf32> to vector<5000xf32>
    %add3A = arith.addf %get3A_2, %get3A_6 : vector<5000xf32>
    %gt3A = arith.constant 0.000000e+00 : f32
    %gt3A_7 = vector.broadcast %gt3A : f32 to vector<5000xf32>
    %gt3A_8 = arith.cmpf ogt, %add3A, %gt3A_7 : vector<5000xf32>
    %jit3A = arith.constant 1.000000e+00 : f32
    %broadcast_in_dim3A = vector.broadcast %jit3A : f32 to vector<5000xf32>
    %select_n3A = arith.select %gt3A_8, %add3A, %broadcast_in_dim3A : vector<5000xi1>, vector<5000xf32>
    %rsqrt3A = math.rsqrt %select_n3A : vector<5000xf32>
    %get3A_9 = arith.constant 0 : index
    %get3A_10 = arith.constant 0 : index
    %get3A_11 = vector.load %arg1[%get3A_9, %get3A_10] : memref<5000x128xf32, #tpu.memory_space<vmem>>, vector<5000x128xf32>
    %get3A_12 = arith.constant 0 : index
    %get3A_13 = arith.constant 0 : index
    %get3A_14 = vector.load %arg2[%get3A_12, %get3A_13] : memref<5000x128xf32, #tpu.memory_space<vmem>>, vector<5000x128xf32>
    %add3A_15 = arith.addf %get3A_11, %get3A_14 : vector<5000x128xf32>
    %broadcast_in_dim3A_16 = vector.shape_cast %rsqrt3A : vector<5000xf32> to vector<5000x1xf32>
    %mul3A = vector.broadcast %broadcast_in_dim3A_16 : vector<5000x1xf32> to vector<5000x128xf32>
    %mul3A_17 = arith.mulf %add3A_15, %mul3A : vector<5000x128xf32>
    %get3A_18 = arith.constant 0 : index
    %get3A_19 = arith.constant 0 : index
    %get3A_20 = vector.load %arg6[%get3A_18, %get3A_19] : memref<128x128xf32, #tpu.memory_space<vmem>>, vector<128x128xf32>
    %dot_general3A = arith.constant dense<0.000000e+00> : vector<5000x128xf32>
    %dot_general3A_21 = tpu.matmul %mul3A_17, %get3A_20, %dot_general3A {dimension_numbers = #tpu.dot_dimension_numbers<[1], [0], [0], [1], [0, 0, 1, 1], [], []>, transpose_lhs_hint = false} : vector<5000x128xf32>, vector<128x128xf32>, vector<5000x128xf32> -> vector<5000x128xf32>
    %get3A_22 = arith.constant 0 : index
    %get3A_23 = arith.constant 0 : index
    %get3A_24 = vector.load %arg7[%get3A_22, %get3A_23] : memref<1x128xf32, #tpu.memory_space<vmem>>, vector<1x128xf32>
    %add3A_25 = vector.broadcast %get3A_24 : vector<1x128xf32> to vector<5000x128xf32>
    %add3A_26 = arith.addf %dot_general3A_21, %add3A_25 : vector<5000x128xf32>
    %get3A_27 = arith.constant 0 : index
    %get3A_28 = arith.constant 0 : index
    %get3A_29 = vector.load %arg5[%get3A_27, %get3A_28] : memref<5000x1xf32, #tpu.memory_space<vmem>>, vector<5000x1xf32>
    %mul3A_30 = vector.broadcast %get3A_29 : vector<5000x1xf32> to vector<5000x128xf32>
    %mul3A_31 = arith.mulf %add3A_26, %mul3A_30 : vector<5000x128xf32>
    %get3A_32 = arith.constant 0 : index
    %get3A_33 = arith.constant 0 : index
    %get3A_34 = vector.load %arg8[%get3A_32, %get3A_33] : memref<1x128xf32, #tpu.memory_space<vmem>>, vector<1x128xf32>
    %mul3A_35 = arith.constant 0.999994993 : f32
    %mul3A_36 = vector.broadcast %mul3A_35 : f32 to vector<1x128xf32>
    %mul3A_37 = arith.mulf %get3A_34, %mul3A_36 : vector<1x128xf32>
    %mul3A_38 = vector.broadcast %mul3A_37 : vector<1x128xf32> to vector<5000x128xf32>
    %mul3A_39 = arith.mulf %mul3A_31, %mul3A_38 : vector<5000x128xf32>
    %get3A_40 = arith.constant 0 : index
    %get3A_41 = arith.constant 0 : index
    %get3A_42 = vector.load %arg9[%get3A_40, %get3A_41] : memref<1x128xf32, #tpu.memory_space<vmem>>, vector<1x128xf32>
    %add3A_43 = vector.broadcast %get3A_42 : vector<1x128xf32> to vector<5000x128xf32>
    %add3A_44 = arith.addf %mul3A_39, %add3A_43 : vector<5000x128xf32>
    %max3A = arith.constant 0.000000e+00 : f32
    %max3A_45 = vector.broadcast %max3A : f32 to vector<5000x128xf32>
    %max3A_46 = arith.maximumf %add3A_44, %max3A_45 : vector<5000x128xf32>
    %get3A_47 = arith.constant 0 : index
    %get3A_48 = arith.constant 0 : index
    %get3A_49 = vector.load %arg3[%get3A_47, %get3A_48] : memref<5000x128xf32, #tpu.memory_space<vmem>>, vector<5000x128xf32>
    %add3A_50 = arith.addf %get3A_49, %max3A_46 : vector<5000x128xf32>
    %get3A_51 = arith.constant 0 : index
    %get3A_52 = arith.constant 0 : index
    %get3A_53 = vector.load %arg10[%get3A_51, %get3A_52] : memref<5000x2xf32, #tpu.memory_space<vmem>>, vector<5000x1xf32>
    %get3A_54 = vector.shape_cast %get3A_53 : vector<5000x1xf32> to vector<5000xf32>
    %get3A_55 = arith.constant 0 : index
    %get3A_56 = arith.constant 1 : index
    %get3A_57 = vector.load %arg10[%get3A_55, %get3A_56] : memref<5000x2xf32, #tpu.memory_space<vmem>>, vector<5000x1xf32>
    %get3A_58 = vector.shape_cast %get3A_57 : vector<5000x1xf32> to vector<5000xf32>
    %add3A_59 = arith.addf %get3A_54, %get3A_58 : vector<5000xf32>
    %gt3A_60 = arith.constant 0.000000e+00 : f32
    %gt3A_61 = vector.broadcast %gt3A_60 : f32 to vector<5000xf32>
    %gt3A_62 = arith.cmpf ogt, %add3A_59, %gt3A_61 : vector<5000xf32>
    %jit3A_63 = arith.constant 1.000000e+00 : f32
    %broadcast_in_dim3A_64 = vector.broadcast %jit3A_63 : f32 to vector<5000xf32>
    %select_n3A_65 = arith.select %gt3A_62, %add3A_59, %broadcast_in_dim3A_64 : vector<5000xi1>, vector<5000xf32>
    %rsqrt3A_66 = math.rsqrt %select_n3A_65 : vector<5000xf32>
    %swap3A = arith.constant 0 : index
    %swap3A_67 = arith.constant 0 : index
    %swap3A_68 = vector.load %arg11[%swap3A, %swap3A_67] : memref<5000x128xf32, #tpu.memory_space<vmem>>, vector<5000x128xf32>
    tpu.vector_store %arg11[%swap3A, %swap3A_67], %add3A_50 {strides = array<i32>} : memref<5000x128xf32, #tpu.memory_space<vmem>>, vector<5000x128xf32>,
    %broadcast_in_dim3A_69 = vector.shape_cast %rsqrt3A_66 : vector<5000xf32> to vector<5000x1xf32>
    %mul3A_70 = vector.broadcast %broadcast_in_dim3A_69 : vector<5000x1xf32> to vector<5000x128xf32>
    %mul3A_71 = arith.mulf %add3A_50, %mul3A_70 : vector<5000x128xf32>
    %swap3A_72 = arith.constant 0 : index
    %swap3A_73 = arith.constant 0 : index
    %swap3A_74 = vector.load %arg12[%swap3A_72, %swap3A_73] : memref<5000x128xf32, #tpu.memory_space<vmem>>, vector<5000x128xf32>
    tpu.vector_store %arg12[%swap3A_72, %swap3A_73], %mul3A_71 {strides = array<i32>} : memref<5000x128xf32, #tpu.memory_space<vmem>>, vector<5000x128xf32>,
    return
  }
  func.func @transform_0(%arg0: i32) -> (i32, i32) {
    %c0_i32 = arith.constant 0 : i32
    %c0_i32_0 = arith.constant 0 : i32
    return %arg0, %c0_i32 : i32, i32
  }
  func.func @transform_1(%arg0: i32) -> (i32, i32) {
    %c0_i32 = arith.constant 0 : i32
    %c0_i32_0 = arith.constant 0 : i32
    return %arg0, %c0_i32 : i32, i32
  }
  func.func @transform_2(%arg0: i32) -> (i32, i32) {
    %c0_i32 = arith.constant 0 : i32
    %c0_i32_0 = arith.constant 0 : i32
    return %arg0, %c0_i32 : i32, i32
  }
  func.func @transform_3(%arg0: i32) -> (i32, i32) {
    %c0_i32 = arith.constant 0 : i32
    %c0_i32_0 = arith.constant 0 : i32
    return %arg0, %c0_i32 : i32, i32
  }
  func.func @transform_4(%arg0: i32) -> (i32, i32) {
    %c0_i32 = arith.constant 0 : i32
    %c0_i32_0 = arith.constant 0 : i32
    return %arg0, %c0_i32 : i32, i32
  }
  func.func @transform_5(%arg0: i32) -> (i32, i32) {
    %c0_i32 = arith.constant 0 : i32
    %c0_i32_0 = arith.constant 0 : i32
    %c0_i32_1 = arith.constant 0 : i32
    return %c0_i32, %c0_i32_0 : i32, i32
  }
  func.func @transform_6(%arg0: i32) -> (i32, i32) {
    %c0_i32 = arith.constant 0 : i32
    %c0_i32_0 = arith.constant 0 : i32
    %c0_i32_1 = arith.constant 0 : i32
    return %c0_i32, %c0_i32_0 : i32, i32
  }
  func.func @transform_7(%arg0: i32) -> (i32, i32) {
    %c0_i32 = arith.constant 0 : i32
    %c0_i32_0 = arith.constant 0 : i32
    %c0_i32_1 = arith.constant 0 : i32
    return %c0_i32, %c0_i32_0 : i32, i32
  }
  func.func @transform_8(%arg0: i32) -> (i32, i32) {
    %c0_i32 = arith.constant 0 : i32
    %c0_i32_0 = arith.constant 0 : i32
    %c0_i32_1 = arith.constant 0 : i32
    return %c0_i32, %c0_i32_0 : i32, i32
  }
  func.func @transform_9(%arg0: i32) -> (i32, i32) {
    %c0_i32 = arith.constant 0 : i32
    %c0_i32_0 = arith.constant 0 : i32
    return %arg0, %c0_i32 : i32, i32
  }
  func.func @transform_10(%arg0: i32) -> (i32, i32) {
    %c0_i32 = arith.constant 0 : i32
    %c0_i32_0 = arith.constant 0 : i32
    return %arg0, %c0_i32 : i32, i32
  }
  func.func @transform_11(%arg0: i32) -> (i32, i32) {
    %c0_i32 = arith.constant 0 : i32
    %c0_i32_0 = arith.constant 0 : i32
    return %arg0, %c0_i32 : i32, i32
  }
}

module attributes {stable_mosaic.version = 14 : i64} {
  func.func @_last_body(%arg0: i32, %arg1: memref<5000x128xf32, #tpu.memory_space<vmem>>, %arg2: memref<5000x128xf32, #tpu.memory_space<vmem>>, %arg3: memref<5000x128xf32, #tpu.memory_space<vmem>>, %arg4: memref<5000x2xf32, #tpu.memory_space<vmem>>, %arg5: memref<5000x1xf32, #tpu.memory_space<vmem>>, %arg6: memref<128x128xf32, #tpu.memory_space<vmem>>, %arg7: memref<1x128xf32, #tpu.memory_space<vmem>>, %arg8: memref<1x128xf32, #tpu.memory_space<vmem>>, %arg9: memref<1x128xf32, #tpu.memory_space<vmem>>, %arg10: memref<128x64xf32, #tpu.memory_space<vmem>>, %arg11: memref<1x64xf32, #tpu.memory_space<vmem>>, %arg12: memref<64x32xf32, #tpu.memory_space<vmem>>, %arg13: memref<1x32xf32, #tpu.memory_space<vmem>>, %arg14: memref<32x10xf32, #tpu.memory_space<vmem>>, %arg15: memref<1x10xf32, #tpu.memory_space<vmem>>, %arg16: memref<1x10xf32, #tpu.memory_space<vmem>>, %arg17: memref<1x128xf32, #tpu.memory_space<vmem>>) attributes {dimension_semantics = [#tpu.dimension_semantics<arbitrary>], iteration_bounds = array<i64: 2>, scalar_prefetch = 0 : i64, scratch_operands = 1 : i64, tpu.core_type = #tpu.core_type<tc>, window_params = [{transform_indices = @transform_0, window_bounds = array<i64: 5000, 128>}, {transform_indices = @transform_1, window_bounds = array<i64: 5000, 128>}, {transform_indices = @transform_2, window_bounds = array<i64: 5000, 128>}, {transform_indices = @transform_3, window_bounds = array<i64: 5000, 2>}, {transform_indices = @transform_4, window_bounds = array<i64: 5000, 1>}, {pipeline_mode = #tpu.pipeline_mode<synchronous>, transform_indices = @transform_5, window_bounds = array<i64: 128, 128>}, {pipeline_mode = #tpu.pipeline_mode<synchronous>, transform_indices = @transform_6, window_bounds = array<i64: 1, 128>}, {pipeline_mode = #tpu.pipeline_mode<synchronous>, transform_indices = @transform_7, window_bounds = array<i64: 1, 128>}, {pipeline_mode = #tpu.pipeline_mode<synchronous>, transform_indices = @transform_8, window_bounds = array<i64: 1, 128>}, {pipeline_mode = #tpu.pipeline_mode<synchronous>, transform_indices = @transform_9, window_bounds = array<i64: 128, 64>}, {pipeline_mode = #tpu.pipeline_mode<synchronous>, transform_indices = @transform_10, window_bounds = array<i64: 1, 64>}, {pipeline_mode = #tpu.pipeline_mode<synchronous>, transform_indices = @transform_11, window_bounds = array<i64: 64, 32>}, {pipeline_mode = #tpu.pipeline_mode<synchronous>, transform_indices = @transform_12, window_bounds = array<i64: 1, 32>}, {pipeline_mode = #tpu.pipeline_mode<synchronous>, transform_indices = @transform_13, window_bounds = array<i64: 32, 10>}, {pipeline_mode = #tpu.pipeline_mode<synchronous>, transform_indices = @transform_14, window_bounds = array<i64: 1, 10>}, {pipeline_mode = #tpu.pipeline_mode<synchronous>, transform_indices = @transform_15, window_bounds = array<i64: 1, 10>}]} {
    %get3A = arith.constant 0 : index
    %get3A_0 = arith.constant 0 : index
    %get3A_1 = vector.load %arg4[%get3A, %get3A_0] : memref<5000x2xf32, #tpu.memory_space<vmem>>, vector<5000x1xf32>
    %get3A_2 = vector.shape_cast %get3A_1 : vector<5000x1xf32> to vector<5000xf32>
    %get3A_3 = arith.constant 0 : index
    %get3A_4 = arith.constant 1 : index
    %get3A_5 = vector.load %arg4[%get3A_3, %get3A_4] : memref<5000x2xf32, #tpu.memory_space<vmem>>, vector<5000x1xf32>
    %get3A_6 = vector.shape_cast %get3A_5 : vector<5000x1xf32> to vector<5000xf32>
    %add3A = arith.addf %get3A_2, %get3A_6 : vector<5000xf32>
    %gt3A = arith.constant 0.000000e+00 : f32
    %gt3A_7 = vector.broadcast %gt3A : f32 to vector<5000xf32>
    %gt3A_8 = arith.cmpf ogt, %add3A, %gt3A_7 : vector<5000xf32>
    %jit3A = arith.constant 1.000000e+00 : f32
    %broadcast_in_dim3A = vector.broadcast %jit3A : f32 to vector<5000xf32>
    %select_n3A = arith.select %gt3A_8, %add3A, %broadcast_in_dim3A : vector<5000xi1>, vector<5000xf32>
    %rsqrt3A = math.rsqrt %select_n3A : vector<5000xf32>
    %get3A_9 = arith.constant 0 : index
    %get3A_10 = arith.constant 0 : index
    %get3A_11 = vector.load %arg1[%get3A_9, %get3A_10] : memref<5000x128xf32, #tpu.memory_space<vmem>>, vector<5000x128xf32>
    %get3A_12 = arith.constant 0 : index
    %get3A_13 = arith.constant 0 : index
    %get3A_14 = vector.load %arg2[%get3A_12, %get3A_13] : memref<5000x128xf32, #tpu.memory_space<vmem>>, vector<5000x128xf32>
    %add3A_15 = arith.addf %get3A_11, %get3A_14 : vector<5000x128xf32>
    %broadcast_in_dim3A_16 = vector.shape_cast %rsqrt3A : vector<5000xf32> to vector<5000x1xf32>
    %mul3A = vector.broadcast %broadcast_in_dim3A_16 : vector<5000x1xf32> to vector<5000x128xf32>
    %mul3A_17 = arith.mulf %add3A_15, %mul3A : vector<5000x128xf32>
    %get3A_18 = arith.constant 0 : index
    %get3A_19 = arith.constant 0 : index
    %get3A_20 = vector.load %arg6[%get3A_18, %get3A_19] : memref<128x128xf32, #tpu.memory_space<vmem>>, vector<128x128xf32>
    %dot_general3A = arith.constant dense<0.000000e+00> : vector<5000x128xf32>
    %dot_general3A_21 = tpu.matmul %mul3A_17, %get3A_20, %dot_general3A {dimension_numbers = #tpu.dot_dimension_numbers<[1], [0], [0], [1], [0, 0, 1, 1], [], []>, transpose_lhs_hint = false} : vector<5000x128xf32>, vector<128x128xf32>, vector<5000x128xf32> -> vector<5000x128xf32>
    %get3A_22 = arith.constant 0 : index
    %get3A_23 = arith.constant 0 : index
    %get3A_24 = vector.load %arg7[%get3A_22, %get3A_23] : memref<1x128xf32, #tpu.memory_space<vmem>>, vector<1x128xf32>
    %add3A_25 = vector.broadcast %get3A_24 : vector<1x128xf32> to vector<5000x128xf32>
    %add3A_26 = arith.addf %dot_general3A_21, %add3A_25 : vector<5000x128xf32>
    %get3A_27 = arith.constant 0 : index
    %get3A_28 = arith.constant 0 : index
    %get3A_29 = vector.load %arg5[%get3A_27, %get3A_28] : memref<5000x1xf32, #tpu.memory_space<vmem>>, vector<5000x1xf32>
    %mul3A_30 = vector.broadcast %get3A_29 : vector<5000x1xf32> to vector<5000x128xf32>
    %mul3A_31 = arith.mulf %add3A_26, %mul3A_30 : vector<5000x128xf32>
    %get3A_32 = arith.constant 0 : index
    %get3A_33 = arith.constant 0 : index
    %get3A_34 = vector.load %arg8[%get3A_32, %get3A_33] : memref<1x128xf32, #tpu.memory_space<vmem>>, vector<1x128xf32>
    %mul3A_35 = arith.constant 0.999994993 : f32
    %mul3A_36 = vector.broadcast %mul3A_35 : f32 to vector<1x128xf32>
    %mul3A_37 = arith.mulf %get3A_34, %mul3A_36 : vector<1x128xf32>
    %mul3A_38 = vector.broadcast %mul3A_37 : vector<1x128xf32> to vector<5000x128xf32>
    %mul3A_39 = arith.mulf %mul3A_31, %mul3A_38 : vector<5000x128xf32>
    %get3A_40 = arith.constant 0 : index
    %get3A_41 = arith.constant 0 : index
    %get3A_42 = vector.load %arg9[%get3A_40, %get3A_41] : memref<1x128xf32, #tpu.memory_space<vmem>>, vector<1x128xf32>
    %add3A_43 = vector.broadcast %get3A_42 : vector<1x128xf32> to vector<5000x128xf32>
    %add3A_44 = arith.addf %mul3A_39, %add3A_43 : vector<5000x128xf32>
    %max3A = arith.constant 0.000000e+00 : f32
    %max3A_45 = vector.broadcast %max3A : f32 to vector<5000x128xf32>
    %max3A_46 = arith.maximumf %add3A_44, %max3A_45 : vector<5000x128xf32>
    %get3A_47 = arith.constant 0 : index
    %get3A_48 = arith.constant 0 : index
    %get3A_49 = vector.load %arg3[%get3A_47, %get3A_48] : memref<5000x128xf32, #tpu.memory_space<vmem>>, vector<5000x128xf32>
    %add3A_50 = arith.addf %get3A_49, %max3A_46 : vector<5000x128xf32>
    %eq3A = arith.constant 0 : i32
    %eq3A_51 = arith.cmpi eq, %arg0, %eq3A : i32
    %convert_element_type3A = arith.extui %eq3A_51 : i1 to i32
    %cond3A = arith.constant 0 : i32
    %cond3A_52 = arith.cmpi ne, %convert_element_type3A, %cond3A : i32
    scf.if %cond3A_52 {
      %broadcast_in_dim3A_66 = arith.constant 0.000000e+00 : f32
      %broadcast_in_dim3A_67 = vector.broadcast %broadcast_in_dim3A_66 : f32 to vector<1x128xf32>
      %swap3A_68 = arith.constant 0 : index
      %swap3A_69 = arith.constant 0 : index
      %swap3A_70 = vector.load %arg17[%swap3A_68, %swap3A_69] : memref<1x128xf32, #tpu.memory_space<vmem>>, vector<1x128xf32>
      tpu.vector_store %arg17[%swap3A_68, %swap3A_69], %broadcast_in_dim3A_67 {strides = array<i32>} : memref<1x128xf32, #tpu.memory_space<vmem>>, vector<1x128xf32>,
    } else {
    }
    %get3A_53 = arith.constant 0 : index
    %get3A_54 = arith.constant 0 : index
    %get3A_55 = vector.load %arg17[%get3A_53, %get3A_54] : memref<1x128xf32, #tpu.memory_space<vmem>>, vector<1x128xf32>
    %reduce_sum3A = arith.constant dense<0.000000e+00> : vector<128xf32>
    %reduce_sum3A_56 = vector.multi_reduction <add>, %add3A_50, %reduce_sum3A [0] : vector<5000x128xf32> to vector<128xf32>
    %broadcast_in_dim3A_57 = vector.shape_cast %reduce_sum3A_56 : vector<128xf32> to vector<1x128xf32>
    %add3A_58 = arith.addf %get3A_55, %broadcast_in_dim3A_57 : vector<1x128xf32>
    %swap3A = arith.constant 0 : index
    %swap3A_59 = arith.constant 0 : index
    %swap3A_60 = vector.load %arg17[%swap3A, %swap3A_59] : memref<1x128xf32, #tpu.memory_space<vmem>>, vector<1x128xf32>
    tpu.vector_store %arg17[%swap3A, %swap3A_59], %add3A_58 {strides = array<i32>} : memref<1x128xf32, #tpu.memory_space<vmem>>, vector<1x128xf32>,
    %eq3A_61 = arith.constant 1 : i32
    %eq3A_62 = arith.cmpi eq, %arg0, %eq3A_61 : i32
    %convert_element_type3A_63 = arith.extui %eq3A_62 : i1 to i32
    %cond3A_64 = arith.constant 0 : i32
    %cond3A_65 = arith.cmpi ne, %convert_element_type3A_63, %cond3A_64 : i32
    scf.if %cond3A_65 {
      %get3A_66 = arith.constant 0 : index
      %get3A_67 = arith.constant 0 : index
      %get3A_68 = vector.load %arg17[%get3A_66, %get3A_67] : memref<1x128xf32, #tpu.memory_space<vmem>>, vector<1x128xf32>
      %mul3A_69 = arith.constant 9.99999974E-5 : f32
      %mul3A_70 = vector.broadcast %mul3A_69 : f32 to vector<1x128xf32>
      %mul3A_71 = arith.mulf %get3A_68, %mul3A_70 : vector<1x128xf32>
      %get3A_72 = arith.constant 0 : index
      %get3A_73 = arith.constant 0 : index
      %get3A_74 = vector.load %arg10[%get3A_72, %get3A_73] : memref<128x64xf32, #tpu.memory_space<vmem>>, vector<128x64xf32>
      %dot_general3A_75 = arith.constant dense<0.000000e+00> : vector<1x64xf32>
      %dot_general3A_76 = tpu.matmul %mul3A_71, %get3A_74, %dot_general3A_75 {dimension_numbers = #tpu.dot_dimension_numbers<[1], [0], [0], [1], [0, 0, 1, 1], [], []>, transpose_lhs_hint = false} : vector<1x128xf32>, vector<128x64xf32>, vector<1x64xf32> -> vector<1x64xf32>
      %get3A_77 = arith.constant 0 : index
      %get3A_78 = arith.constant 0 : index
      %get3A_79 = vector.load %arg11[%get3A_77, %get3A_78] : memref<1x64xf32, #tpu.memory_space<vmem>>, vector<1x64xf32>
      %add3A_80 = arith.addf %dot_general3A_76, %get3A_79 : vector<1x64xf32>
      %max3A_81 = arith.constant 0.000000e+00 : f32
      %max3A_82 = vector.broadcast %max3A_81 : f32 to vector<1x64xf32>
      %max3A_83 = arith.maximumf %add3A_80, %max3A_82 : vector<1x64xf32>
      %get3A_84 = arith.constant 0 : index
      %get3A_85 = arith.constant 0 : index
      %get3A_86 = vector.load %arg12[%get3A_84, %get3A_85] : memref<64x32xf32, #tpu.memory_space<vmem>>, vector<64x32xf32>
      %dot_general3A_87 = arith.constant dense<0.000000e+00> : vector<1x32xf32>
      %dot_general3A_88 = tpu.matmul %max3A_83, %get3A_86, %dot_general3A_87 {dimension_numbers = #tpu.dot_dimension_numbers<[1], [0], [0], [1], [0, 0, 1, 1], [], []>, transpose_lhs_hint = false} : vector<1x64xf32>, vector<64x32xf32>, vector<1x32xf32> -> vector<1x32xf32>
      %get3A_89 = arith.constant 0 : index
      %get3A_90 = arith.constant 0 : index
      %get3A_91 = vector.load %arg13[%get3A_89, %get3A_90] : memref<1x32xf32, #tpu.memory_space<vmem>>, vector<1x32xf32>
      %add3A_92 = arith.addf %dot_general3A_88, %get3A_91 : vector<1x32xf32>
      %max3A_93 = arith.constant 0.000000e+00 : f32
      %max3A_94 = vector.broadcast %max3A_93 : f32 to vector<1x32xf32>
      %max3A_95 = arith.maximumf %add3A_92, %max3A_94 : vector<1x32xf32>
      %get3A_96 = arith.constant 0 : index
      %get3A_97 = arith.constant 0 : index
      %get3A_98 = vector.load %arg14[%get3A_96, %get3A_97] : memref<32x10xf32, #tpu.memory_space<vmem>>, vector<32x10xf32>
      %dot_general3A_99 = arith.constant dense<0.000000e+00> : vector<1x10xf32>
      %dot_general3A_100 = tpu.matmul %max3A_95, %get3A_98, %dot_general3A_99 {dimension_numbers = #tpu.dot_dimension_numbers<[1], [0], [0], [1], [0, 0, 1, 1], [], []>, transpose_lhs_hint = false} : vector<1x32xf32>, vector<32x10xf32>, vector<1x10xf32> -> vector<1x10xf32>
      %get3A_101 = arith.constant 0 : index
      %get3A_102 = arith.constant 0 : index
      %get3A_103 = vector.load %arg15[%get3A_101, %get3A_102] : memref<1x10xf32, #tpu.memory_space<vmem>>, vector<1x10xf32>
      %add3A_104 = arith.addf %dot_general3A_100, %get3A_103 : vector<1x10xf32>
      %swap3A_105 = arith.constant 0 : index
      %swap3A_106 = arith.constant 0 : index
      %swap3A_107 = vector.load %arg16[%swap3A_105, %swap3A_106] : memref<1x10xf32, #tpu.memory_space<vmem>>, vector<1x10xf32>
      tpu.vector_store %arg16[%swap3A_105, %swap3A_106], %add3A_104 {strides = array<i32>} : memref<1x10xf32, #tpu.memory_space<vmem>>, vector<1x10xf32>,
    } else {
    }
    return
  }
  func.func @transform_0(%arg0: i32) -> (i32, i32) {
    %c0_i32 = arith.constant 0 : i32
    %c0_i32_0 = arith.constant 0 : i32
    return %arg0, %c0_i32 : i32, i32
  }
  func.func @transform_1(%arg0: i32) -> (i32, i32) {
    %c0_i32 = arith.constant 0 : i32
    %c0_i32_0 = arith.constant 0 : i32
    return %arg0, %c0_i32 : i32, i32
  }
  func.func @transform_2(%arg0: i32) -> (i32, i32) {
    %c0_i32 = arith.constant 0 : i32
    %c0_i32_0 = arith.constant 0 : i32
    return %arg0, %c0_i32 : i32, i32
  }
  func.func @transform_3(%arg0: i32) -> (i32, i32) {
    %c0_i32 = arith.constant 0 : i32
    %c0_i32_0 = arith.constant 0 : i32
    return %arg0, %c0_i32 : i32, i32
  }
  func.func @transform_4(%arg0: i32) -> (i32, i32) {
    %c0_i32 = arith.constant 0 : i32
    %c0_i32_0 = arith.constant 0 : i32
    return %arg0, %c0_i32 : i32, i32
  }
  func.func @transform_5(%arg0: i32) -> (i32, i32) {
    %c0_i32 = arith.constant 0 : i32
    %c0_i32_0 = arith.constant 0 : i32
    %c0_i32_1 = arith.constant 0 : i32
    return %c0_i32, %c0_i32_0 : i32, i32
  }
  func.func @transform_6(%arg0: i32) -> (i32, i32) {
    %c0_i32 = arith.constant 0 : i32
    %c0_i32_0 = arith.constant 0 : i32
    %c0_i32_1 = arith.constant 0 : i32
    return %c0_i32, %c0_i32_0 : i32, i32
  }
  func.func @transform_7(%arg0: i32) -> (i32, i32) {
    %c0_i32 = arith.constant 0 : i32
    %c0_i32_0 = arith.constant 0 : i32
    %c0_i32_1 = arith.constant 0 : i32
    return %c0_i32, %c0_i32_0 : i32, i32
  }
  func.func @transform_8(%arg0: i32) -> (i32, i32) {
    %c0_i32 = arith.constant 0 : i32
    %c0_i32_0 = arith.constant 0 : i32
    %c0_i32_1 = arith.constant 0 : i32
    return %c0_i32, %c0_i32_0 : i32, i32
  }
  func.func @transform_9(%arg0: i32) -> (i32, i32) {
    %c0_i32 = arith.constant 0 : i32
    %c0_i32_0 = arith.constant 0 : i32
    %c0_i32_1 = arith.constant 0 : i32
    return %c0_i32, %c0_i32_0 : i32, i32
  }
  func.func @transform_10(%arg0: i32) -> (i32, i32) {
    %c0_i32 = arith.constant 0 : i32
    %c0_i32_0 = arith.constant 0 : i32
    %c0_i32_1 = arith.constant 0 : i32
    return %c0_i32, %c0_i32_0 : i32, i32
  }
  func.func @transform_11(%arg0: i32) -> (i32, i32) {
    %c0_i32 = arith.constant 0 : i32
    %c0_i32_0 = arith.constant 0 : i32
    %c0_i32_1 = arith.constant 0 : i32
    return %c0_i32, %c0_i32_0 : i32, i32
  }
  func.func @transform_12(%arg0: i32) -> (i32, i32) {
    %c0_i32 = arith.constant 0 : i32
    %c0_i32_0 = arith.constant 0 : i32
    %c0_i32_1 = arith.constant 0 : i32
    return %c0_i32, %c0_i32_0 : i32, i32
  }
  func.func @transform_13(%arg0: i32) -> (i32, i32) {
    %c0_i32 = arith.constant 0 : i32
    %c0_i32_0 = arith.constant 0 : i32
    %c0_i32_1 = arith.constant 0 : i32
    return %c0_i32, %c0_i32_0 : i32, i32
  }
  func.func @transform_14(%arg0: i32) -> (i32, i32) {
    %c0_i32 = arith.constant 0 : i32
    %c0_i32_0 = arith.constant 0 : i32
    %c0_i32_1 = arith.constant 0 : i32
    return %c0_i32, %c0_i32_0 : i32, i32
  }
  func.func @transform_15(%arg0: i32) -> (i32, i32) {
    %c0_i32 = arith.constant 0 : i32
    %c0_i32_0 = arith.constant 0 : i32
    %c0_i32_1 = arith.constant 0 : i32
    return %c0_i32, %c0_i32_0 : i32, i32
  }
}

</mosaic_0001>

<sc_bundles>
// kernel: kernel.12.cloned.1.call-start
scs
__scs_entry_jumppad:
0x0: {  	(pc) =	sbr.rel $0x88, $3  }
0x1: {  	(tag) =	ssettag $0x0;
	lr =	simm.s32 $0x1  }
0x2: {  	[smem:$0x3F86] =	sst lr;
	_ =	strace $0xD0000000  }
0x3: {  	_ = 	snop  }
0x4: {  	_ = 	snop  }
0x5: {  	_ = 	snop  }
0x6: {  	_ = 	snop  }
0x7: {  	_ = 	snop  }
__scs_overlays_trampoline_lowered:
0x8: {  	[smem:$0x3F95] =	sst s0  }
0x9: {  	[smem:$0x3F96] =	sst s1  }
0xa: {  	[smem:$0x3F97] =	sst s2  }
0xb: {  	[smem:$0x3F98] =	sst s3  }
0xc: {  	[smem:$0x3F99] =	sst s4  }
0xd: {  	[smem:$0x3F9A] =	sst s5  }
0xe: {  	[smem:$0x3F9B] =	sst s6  }
0xf: {  	[smem:$0x3F9C] =	sst s7  }
0x10: {  	[smem:$0x3F9D] =	sst s8  }
0x11: {  	[smem:$0x3F9E] =	sst s9;
	s0 =	simm.s32 @!p0 $0x0  }
0x12: {  	s1 =	sld [smem:$0x3F84];
	s0 =	simm.s32 @p0 $0x1  }
0x13: {  	[smem:$0x3F9F] =	sst s0;
	s0 =	simm.s32 @!p1 $0x0  }
0x14: {  	s2 =	sld [smem:$0x3F83];
	s0 =	simm.s32 @p1 $0x1  }
0x15: {  	[smem:$0x3FA0] =	sst s0;
	s0 =	simm.s32 @!p2 $0x0  }
0x16: {  	s3 =	sld [smem:$0x3FDB];
	s0 =	simm.s32 @p2 $0x1  }
0x17: {  	s4 =	simm.s32 $0x1BF5;
	[smem:$0x3FA2] =	sst s0  }
0x18: {  	s0 =	sld [smem:$0x3F85];
	_ =	swait.ge [sflag:s4], $0x0  }
0x19: {  	s7 =	sld [smem:$0x3F86]  }
0x1a: {  	s8 =	sadd.s32 $0xFFFFE003, lr  }
0x1b: {  	s9 =	sadd.s32 $0xFFFFFEF7, lr;
	s5 =	simm.s32 $0xFFFFFFFF;
	p2 =	slt.u32 s8, $0xFFFFF086  }
0x1c: {  	p1 =	slt.u32 s9, $0xF7A;
	s5 =	simm.s32 @!p2 $0x0  }
0x1d: {  	s5 =	simm.s32 @p1 $0x1;
	p0 =	seq.s32 s7, s2  }
0x1e: {  	s7 =	smul.u32 @!p0 $0xF7A, s2;
	p2 =	seq.s32 @!p0 s5, $0x0  }
0x1f: {  	s9 =	smul.u32 $0xF7A, s1;
	s8 =	simm.s32 @!p0 $0x1BF5;
	p2 =	por !p2, p0  }
0x20: {  	[sflag:s8] =	ssyncset.s32 @!p0 $0xFFFFF086;
	s6 =	sadd.s32 @!p0 s3, s7;
	s7 =	simm.s32 @!p0 $0x108  }
0x21: {  	s3 =	sadd.s32 s3, s9;
	s6 =	sadd.s32 @!p0 $0x88, s6;
	s7 =	simm.s32 @p2 $0x1082  }
0x22: {  	[simem:s7], [sflag:s8] =	dma.local @!p0 [hbm:s6], $0xF7A  }
0x23: {  	s9 =	sor.u32 $0xD0000000, s2;
	s6 =	simm.s32 $0x108;
	_ =	swait.ge @!p0 [sflag:s8], $0x0  }
0x24: {  	s3 =	sadd.s32 $0x88, s3;
	s6 =	simm.s32 @!p1 $0x1082;
	[sflag:s4] =	ssyncset.s32 $0xFFFFF086  }
0x25: {  	[simem:s6], [sflag:s4] =	dma.local [hbm:s3], $0xF7A  }
0x26: {  	[smem:$0x3F86] =	sst s1;
	(tag) =	ssettag s2;
	_ =	strace s9  }
0x27: {  	s1 =	sld [smem:$0x3F96]  }
0x28: {  	s2 =	sld [smem:$0x3F97]  }
0x29: {  	s4 =	sld [smem:$0x3F99]  }
0x2a: {  	p0 =	seq.s32 s5, $0x0;
	s5 =	sld [smem:$0x3F9A]  }
0x2b: {  	s6 =	sld [smem:$0x3F9B]  }
0x2c: {  	s7 =	sld [smem:$0x3F9C]  }
0x2d: {  	s3 =	simm.s32 $0x108;
	s8 =	sld [smem:$0x3F9D]  }
0x2e: {  	s3 =	simm.s32 @!p0 $0x1082;
	s9 =	sld [smem:$0x3F9E]  }
0x2f: {  	lr =	sadd.s32 s0, s3;
	s0 =	sld [smem:$0x3F95]  }
0x30: {  	s3 =	sld [smem:$0x3F98]  }
0x31: {  	[smem:$0x3FA1] =	sst s10  }
0x32: {  	s10 =	sld [smem:$0x3F9F];
	_ =	sdelay $0x3  }
0x33: {  	p0 =	seq.s32 s10, $0x1;
	s10 =	sld [smem:$0x3FA1];
	_ =	sdelay $0x3  }
0x34: {  	[smem:$0x3FA1] =	sst s10  }
0x35: {  	s10 =	sld [smem:$0x3FA0];
	_ =	sdelay $0x3  }
0x36: {  	p1 =	seq.s32 s10, $0x1;
	s10 =	sld [smem:$0x3FA1];
	_ =	sdelay $0x3  }
0x37: {  	[smem:$0x3FA1] =	sst s10  }
0x38: {  	s10 =	sld [smem:$0x3FA2]  }
0x39: {  	_ = 	snop;
	(pc) =	sbr.ind lr, $3  }
0x3a: {  	_ = 	snop  }
0x3b: {  	_ = 	snop  }
0x3c: {  	p2 =	seq.s32 s10, $0x1;
	s10 =	sld [smem:$0x3FA1]  }
0x3d: {  	_ =	shalt  }
0x3e: {  	_ =	shalt  }
0x3f: {  	_ =	shalt  }
0x40: {  	_ =	shalt  }
0x41: {  	_ =	shalt  }
0x42: {  	_ =	shalt  }
0x43: {  	_ =	shalt  }
0x44: {  	_ =	shalt  }
0x45: {  	_ =	shalt  }
0x46: {  	_ =	shalt  }
0x47: {  	_ =	shalt  }
0x48: {  	_ =	shalt  }
0x49: {  	_ =	shalt  }
0x4a: {  	_ =	shalt  }
0x4b: {  	_ =	shalt  }
0x4c: {  	_ =	shalt  }
0x4d: {  	_ =	shalt  }
0x4e: {  	_ =	shalt  }
0x4f: {  	_ =	shalt  }
0x50: {  	_ =	shalt  }
0x51: {  	_ =	shalt  }
0x52: {  	_ =	shalt  }
0x53: {  	_ =	shalt  }
0x54: {  	_ =	shalt  }
0x55: {  	_ =	shalt  }
0x56: {  	_ =	shalt  }
0x57: {  	_ =	shalt  }
0x58: {  	_ =	shalt  }
0x59: {  	_ =	shalt  }
0x5a: {  	_ =	shalt  }
0x5b: {  	_ =	shalt  }
0x5c: {  	_ =	shalt  }
0x5d: {  	_ =	shalt  }
0x5e: {  	_ =	shalt  }
0x5f: {  	_ =	shalt  }
0x60: {  	_ =	shalt  }
0x61: {  	_ =	shalt  }
0x62: {  	_ =	shalt  }
0x63: {  	_ =	shalt  }
0x64: {  	_ =	shalt  }
0x65: {  	_ =	shalt  }
0x66: {  	_ =	shalt  }
0x67: {  	_ =	shalt  }
0x68: {  	_ =	shalt  }
0x69: {  	_ =	shalt  }
0x6a: {  	_ =	shalt  }
0x6b: {  	_ =	shalt  }
0x6c: {  	_ =	shalt  }
0x6d: {  	_ =	shalt  }
0x6e: {  	_ =	shalt  }
0x6f: {  	_ =	shalt  }
0x70: {  	_ =	shalt  }
0x71: {  	_ =	shalt  }
0x72: {  	_ =	shalt  }
0x73: {  	_ =	shalt  }
0x74: {  	_ =	shalt  }
0x75: {  	_ =	shalt  }
0x76: {  	_ =	shalt  }
0x77: {  	_ =	shalt  }
0x78: {  	_ =	shalt  }
0x79: {  	_ =	shalt  }
0x7a: {  	_ =	shalt  }
0x7b: {  	_ =	shalt  }
0x7c: {  	_ =	shalt  }
0x7d: {  	_ =	shalt  }
0x7e: {  	_ =	shalt  }
0x7f: {  	_ =	shalt  }
0x80: {  	_ =	shalt  }
0x81: {  	_ =	shalt  }
0x82: {  	_ =	shalt  }
0x83: {  	_ =	shalt  }
0x84: {  	_ =	shalt  }
0x85: {  	_ =	shalt  }
0x86: {  	_ =	shalt  }
0x87: {  	_ =	shalt  }
.Lfunc_end0:
.L_simem_size_0:
called_computation_lowered:
.L_overlay_start_0:
0x88: {  	s2 =	sld [smem:$0x3FD9]  }
0x89: {  	s3 =	sld [smem:$0x3FFE];
	_ =	sdelay $0x1  }
0x8a: {  	s1 =	srdreg.scid  }
0x8b: {  	s0 =	sand.u32 $0x1, s1  }
0x8c: {  	s16 =	sshll.u32 s0, $0xA;
	s2 =	sadd.s32 s3, s2  }
0x8d: {  	s2 =	sadd.s32 s2, s16  }
0x8e: {  	[smem:$0x3FAD] =	sst s2  }
0x8f: {  	_ = 	snop  }
0x90: {  	(tm) =	ssettm $0x1  }
0x91: {  	s17 =	sld [smem:$0x3FFB];
	_ =	sdelay $0x3  }
0x92: {  	_ =	strace s17  }
0x93: {  	s2 =	sld [smem:$0x3FFC];
	_ =	sdelay $0x3  }
0x94: {  	_ =	strace s2  }
0x95: {  	s2 =	sld [smem:$0x3FFD];
	_ =	sdelay $0x3  }
0x96: {  	_ =	strace s2  }
0x97: {  	_ =	strace $0x8FFFFFFF  }
0x98: {  	s18 =	sld [smem:$0x3FDB];
	_ =	sdelay $0x1  }
0x99: {  	s19 =	simm.s32 $_scs_section_size  }
0x9a: {  	s4 =	simm.s32 $_size__tile_overlayer_lowered;
	s5 =	simm.s32 $_tile_overlayer_lowered  }
0x9b: {  	s22 =	simm.s32 $0x1BFF;
	s21 =	sshll.u32 s5, $0x1;
	s2 =	sadd.s32 s19, s18  }
0x9c: {  	s6 =	simm.s32 $0x0;
	s20 =	sshll.u32 s4, $0x1;
	s4 =	sadd.s32 s21, s2  }
0x9d: {  	[timem:s6], [sflag:s22] =	dma.local [hbm:s4], s20  }
0x9e: {  	_ =	swait.ge [sflag:s22], s20  }
0x9f: {  	s3 =	ssub.s32 $0x0, s20;
	[sflag:s22] =	ssyncset.done $0x0  }
0xa0: {  	[sflag:s22] =	ssyncadd.s32 s3;
	_ =	sdelay $0x1  }
0xa1: {  	s23 =	simm.s32 $0x1B8B  }
0xa2: {  	_ =	swait.ge [sflag:s23], $0x1  }
0xa3: {  	[sflag:s23] =	ssyncset.done $0x0  }
0xa4: {  	s25 =	simm.s32 $0x1B8E;
	s24 =	sld [smem:$0x3FFE];
	[sflag:s23] =	ssyncadd.s32 $0xFFFFFFFF  }
0xa5: {  	s26 =	simm.s32 $execute0_lowered;
	[smem:$0x3FD2] =	sst s25  }
0xa6: {  	s4 =	sshll.u32 s26, $0x1;
	_ =	strace $0x80000046;
	[dreg:$0x1] =	wrdreg $0xFFFFFFFF  }
0xa7: {  	s28 =	simm.s32 $_size_execute0_lowered;
	s2 =	sadd.s32 s2, s4;
	[dreg:$0x0] =	wrdreg $0x0  }
0xa8: {  	s4 =	sshll.u32 s28, $0x1;
	[dreg:$0x2] =	wrdreg s2  }
0xa9: {  	[dreg:$0x3] =	wrdreg s4  }
0xaa: {  	[dreg:$0x4] =	wrdreg $0xC0  }
0xab: {  	_ =	task [dreg:s6], $0x5FFFF  }
0xac: {  	[dreg:$0x1] =	wrdreg $0xFFFFFFFF  }
0xad: {  	[dreg:$0x0] =	wrdreg $0x60  }
0xae: {  	[dreg:$0x2] =	wrdreg s24  }
0xaf: {  	[dreg:$0x3] =	wrdreg $0x80800  }
0xb0: {  	[dreg:$0x4] =	wrdreg $0x82F80  }
0xb1: {  	[dreg:$0x5] =	wrdreg $0x9  }
0xb2: {  	_ =	task.clear_ibuf [dreg:s6], $0x6FFFF;
	_ =	strace $0x90000046  }
0xb3: {  	s29 =	simm.s32 $0x9;
	_ =	strace $0x80000048  }
0xb4: {  	_ =	swait.ge [sflag:s29], $0x1  }
0xb5: {  	[sflag:s29] =	ssyncadd.s32 $0xFFFFFFFF  }
0xb6: {  	_ =	strace $0x90000048  }
0xb7: {  	_ =	sfence  }
0xb8: {  	s30 =	sld [smem:$0x0];
	_ =	sdelay $0x2  }
0xb9: {  	s31 =	sshll.u32 s1, $0xD;
	s1 =	sshrl.u32 s1, $0x2  }
0xba: {  	s3 =	sand.u32 $0x4000, s31;
	s1 =	sadd.s32 s1, s30  }
0xbb: {  	s0 =	sor.u32 s3, s0;
	s1 =	sshll.u32 s1, $0x11  }
0xbc: {  	s0 =	sor.u32 s1, s0  }
0xbd: {  	s0 =	sadd.s32 $0x8F2B, s0  }
0xbe: {  	[sflag:s0] =	ssyncadd.remote.s32 $0x1  }
0xbf: {  	_ =	sfence.sel $0xFFFF  }
0xc0: {  	[dreg:$0x0] =	wrdreg $0xFFFFFFFF;
	(pc) =	sbr.abs _section_cstart, $3  }
0xc1: {  	[dreg:$0x1] =	wrdreg $0xFFFFFFFF  }
0xc2: {  	_ =	task.clear_ibuf [dreg:s6], $0x2FFFF;
	_ =	strace $0x9FFFFFFF  }
0xc3: {  	(tm) =	ssettm $0x7FFFFFFF  }
tec
execute0_lowered:
.L_overlay_start_1:
0x0: {  	(tag) =	ssettag $0x1  }
0x1: {  	s8 =	rddreg [dreg:$0x0]  }
0x2: {  	s1 =	rddreg [dreg:$0x1]  }
0x3: {  	s2 =	rddreg [dreg:$0x2];
	s3 =	srdreg.scid  }
0x4: {  	s0 =	rddreg [dreg:$0x3];
	s18 =	stileid.u32  }
0x5: {  	s13 =	simm.s32 $0x4000;
	s17 =	simm.s32 $0x8000;
	s19 =	simm.s32 $0x2  }
0x6: {  	s23 =	simm.s32 $0x0;
	s11 =	sand.u32 $0x1, s3;
	s3 =	simm.s32 $0x0  }
0x7: {  	s4 =	sshll.u32 s18, $0xC;
	s6 =	sadd.s32 $0x2A600, s8;
	s7 =	sadd.s32 $0x29A00, s8  }
0x8: {  	p0 =	seq.s32 s18, $0x0;
	s5 =	sshll.u32 s11, $0xB;
	[smem:$0x7FF] =	sst s3  }
0x9: {  	s9 =	ssub.s32 $0x2, s11;
	p1 =	seq.s32 s11, $0x1;
	s16 =	sor.u32 s11, s18  }
0xa: {  	s4 =	sor.u32 s5, s4;
	_ =	strace $0x80000047;
	s5 =	sadd.s32 $0x29400, s8  }
0xb: {  	s12 =	sshrl.u32 s9, $0x1;
	p0 =	por !p0, !p1;
	p2 =	sne.s32 s16, $0x0  }
0xc: {  	s16 =	simm.s32 $0x50;
	s10 =	sadd.s32 s4, s8;
	s4 =	sadd.s32 $0x28E00, s8  }
0xd: {  	s8 =	sadd.s32 $0x2A000, s8;
	s12 =	ssub.s32 s9, s12;
	p1 =	por !p0, !p0  }
0xe: {  	p0 =	sne.s32 s18, $0x0;
	s20 =	sshll.u32 @!p2 s18, $0x6;
	s18 =	simm.s32 $0x1  }
0xf: {  	s21 =	sshrl.u32 @!p2 s1, $0x3;
	s22 =	sshrl.u32 @!p2 s2, $0x3;
	s9 =	sadd.s32 $0x18E00, s10  }
0x10: {  	s10 =	sadd.s32 $0x8E00, s10;
	s11 =	smax.u32 s12, $0x1;
	s12 =	simm.s32 $0x3  }
0x11: {  	v0 =	vimm.f32 $1.000000000e+00;
	s14 =	sshrl.u32 @!p0 s1, $0x3;
	s15 =	sshrl.u32 @!p0 s2, $0x3;
	s20 =	sor.u32 @!p2 $0x1C03, s20  }
.LBB2_1:
0x12: {  	[tilespmem:s3], [sflag:$0x3] =	stream.linear.gather [hbm4b:s9+s3], $0x3E80, $0x38;
	[tilespmem:$0x8570] =	vst v63  }
0x13: {  	_ =	swait.ge [sflag:s12], $0x3E80  }
0x14: {  	[sflag:s12] =	ssyncset.done $0x0  }
0x15: {  	[sflag:s12] =	ssyncadd.s32 $0xFFFFC180  }
0x16: {  	[tilespmem:s13], [sflag:$0x3] =	stream.linear.gather [hbm4b:s10+s3], $0x3E80, $0x38;
	[tilespmem:$0x8570] =	vst v63  }
0x17: {  	_ =	swait.ge [sflag:s12], $0x3E80  }
0x18: {  	[sflag:s12] =	ssyncset.done $0x0  }
0x19: {  	[sflag:s12] =	ssyncadd.s32 $0xFFFFC180  }
0x1a: {  	[tilespmem:$0x8000] =	vst v0  }
0x1b: {  	[tilespmem:$0x8010] =	vst v0  }
0x1c: {  	[tilespmem:$0x8020] =	vst v0  }
0x1d: {  	[tilespmem:$0x8030] =	vst v0  }
0x1e: {  	s24 =	simm.s32 @!p0 $0x1C03;
	s25 =	simm.s32 @!p0 $0x3;
	[tilespmem:$0x8040] =	vst v0  }
0x1f: {  	[spmem:s14], [sflag:s24] =	dma.local @!p0 [hbm:s4], $0x4F0  }
0x20: {  	_ =	swait.ge @!p0 [sflag:s25], $0x4F0  }
0x21: {  	[sflag:s25] =	ssyncset.done @!p0 $0x0  }
0x22: {  	[sflag:s25] =	ssyncadd.s32 @!p0 $0xFFFFFB10  }
0x23: {  	[spmem:s15], [sflag:s24] =	dma.local @!p0 [hbm:s4], $0x4F0  }
0x24: {  	_ =	swait.ge @!p0 [sflag:s25], $0x4F0  }
0x25: {  	[sflag:s25] =	ssyncset.done @!p0 $0x0  }
0x26: {  	[sflag:s25] =	ssyncadd.s32 @!p0 $0xFFFFFB10  }
0x27: {  	[bflag:$0x0] =	sbarrier.arrive $0xFFFF  }
0x28: {  	[spmem:s1] =	stream.indirect.scatter.add.f32 [tilespmem:s17], [sflag:$0x1], $0x1, s3, s16, $0xb8;
	[tilespmem:$0x8570] =	vst v63  }
0x29: {  	_ = 	snop  }
0x2a: {  	[spmem:s2] =	stream.indirect.scatter.add.f32 [tilespmem:s17], [sflag:$0x2], $0x1, s13, s16, $0xb8;
	[tilespmem:$0x8570] =	vst v63  }
0x2b: {  	_ =	swait.ge [sflag:s18], $0x50  }
0x2c: {  	[sflag:s18] =	ssyncset.done $0x0  }
0x2d: {  	[sflag:s18] =	ssyncadd.s32 $0xFFFFFFB0  }
0x2e: {  	_ =	swait.ge [sflag:s19], $0x50  }
0x2f: {  	s31 =	simm.s32 $0x80;
	[sflag:s19] =	ssyncset.done $0x0  }
0x30: {  	s24 =	simm.s32 $0x400;
	s25 =	simm.s32 $0x4080;
	[sflag:s19] =	ssyncadd.s32 $0xFFFFFFB0  }
0x31: {  	[spmem:s1] =	stream.indirect.scatter.add.f32 [tilespmem:s17], [sflag:$0x1], $0x1, s31, s16, $0xb8;
	[tilespmem:$0x8570] =	vst v63  }
.LBB2_2:
0x32: {  	[spmem:s2] =	stream.indirect.scatter.add.f32 [tilespmem:s17], [sflag:$0x2], $0x1, s25, s16, $0xb8;
	[tilespmem:$0x8570] =	vst v63  }
0x33: {  	s25 =	smov.u32 s24  }
0x34: {  	p3 =	sne.s32 s24, $0xF800;
	s24 =	sadd.s32 $0x200, s24;
	_ =	swait.ge [sflag:s18], $0x50  }
0x35: {  	[sflag:s18] =	ssyncset.done $0x0  }
0x36: {  	[sflag:s18] =	ssyncadd.s32 $0xFFFFFFB0  }
.Ltmp0:
0x37: {  	_ =	swait.ge [sflag:s19], $0x50;
	(pc) =	sbr.rel @p3 .LBB2_2-.Ltmp0, $4  }
0x38: {  	[sflag:s19] =	ssyncset.done $0x0  }
0x39: {  	s25 =	sshra.s32 s25, $0x2;
	[sflag:s19] =	ssyncadd.s32 $0xFFFFFFB0  }
0x3a: {  	[spmem:s1] =	stream.indirect.scatter.add.f32 [tilespmem:s17], [sflag:$0x1], $0x1, s25, s16, $0xb8;
	[tilespmem:$0x8570] =	vst v63  }
0x3b: {  	s25 =	sadd.s32 $0x4000, s25  }
0x3c: {  	[spmem:s2] =	stream.indirect.scatter.add.f32 [tilespmem:s17], [sflag:$0x2], $0x1, s25, s16, $0xb8;
	[tilespmem:$0x8570] =	vst v63  }
0x3d: {  	_ =	swait.ge [sflag:s18], $0x50  }
0x3e: {  	[sflag:s18] =	ssyncset.done $0x0  }
0x3f: {  	[sflag:s18] =	ssyncadd.s32 $0xFFFFFFB0  }
0x40: {  	_ =	swait.ge [sflag:s19], $0x50  }
0x41: {  	[sflag:s19] =	ssyncset.done $0x0  }
0x42: {  	[sflag:s19] =	ssyncadd.s32 $0xFFFFFFB0  }
0x43: {  	s24 =	simm.s32 @!p2 $0x3;
	[bflag:$0x0] =	sbarrier.arrive $0xFFFF  }
0x44: {  	[hbm:s5], [sflag:s20] =	dma.local @!p2 [spmem:s21], $0x4F0  }
0x45: {  	_ =	swait.ge @!p2 [sflag:s24], $0x4F0  }
0x46: {  	[sflag:s24] =	ssyncset.done @!p2 $0x0  }
0x47: {  	[sflag:s24] =	ssyncadd.s32 @!p2 $0xFFFFFB10  }
0x48: {  	[hbm:s6], [sflag:s20] =	dma.local @!p2 [spmem:s22], $0x4F0  }
0x49: {  	_ =	swait.ge @!p2 [sflag:s24], $0x4F0  }
0x4a: {  	[sflag:s24] =	ssyncset.done @!p2 $0x0  }
0x4b: {  	s25 =	simm.s32 @p1 $0x1C03;
	[sflag:s24] =	ssyncadd.s32 @!p2 $0xFFFFFB10;
	s24 =	sshrl.u32 @p1 s1, $0x3  }
0x4c: {  	[hbm:s7], [sflag:s25] =	dma.local @p1 [spmem:s24], $0x4F0  }
0x4d: {  	s24 =	simm.s32 @p1 $0x3  }
0x4e: {  	s23 =	sadd.s32 $0x1, s23;
	_ =	swait.ge @p1 [sflag:s24], $0x4F0  }
0x4f: {  	p3 =	sne.s32 s23, s11;
	[sflag:s24] =	ssyncset.done @p1 $0x0  }
.Ltmp1:
0x50: {  	s26 =	sshrl.u32 @p1 s2, $0x3;
	[sflag:s24] =	ssyncadd.s32 @p1 $0xFFFFFB10;
	(pc) =	sbr.rel @p3 .LBB2_1-.Ltmp1, $4  }
0x51: {  	[hbm:s8], [sflag:s25] =	dma.local @p1 [spmem:s26], $0x4F0  }
0x52: {  	_ =	swait.ge @p1 [sflag:s24], $0x4F0  }
0x53: {  	[sflag:s24] =	ssyncset.done @p1 $0x0  }
0x54: {  	[sflag:s24] =	ssyncadd.s32 @p1 $0xFFFFFB10  }
0x55: {  	_ =	sfence.sel $0x180000  }
0x56: {  	[bflag:$0x0] =	sbarrier.arrive $0xFFFF  }
0x57: {  	_ =	strace $0x90000047  }
0x58: {  	s0 =	sadd.s32 @!p0 $0x100000, s0;
	[bflag:$0x2] =	sbarrier.arrive $0xFFFF  }
0x59: {  	[sflag:s0] =	ssyncadd.tile.s32 @!p0 $0x1;
	_ =	shalt  }
.Lfunc_end2:
_tile_overlayer_lowered:
.L_overlay_start_2:
0x5a: {  	(tag) =	ssettag $0x2  }
0x5b: {  	s0 =	rddreg [dreg:$0x0];
	s2 =	stileid.u32  }
0x5c: {  	s1 =	rddreg [dreg:$0x1];
	p0 =	sne.s32 s2, $0x0  }
0x5d: {  	s3 =	rddreg [dreg:$0x2];
	[bflag:$0x3] =	sbarrier.arrive $0xFFFF;
	s2 =	simm.s32 @!p0 $0x1C03  }
0x5e: {  	[timem:s3], [sflag:s2] =	dma.local @!p0 [hbm:s0], s1  }
0x5f: {  	s0 =	simm.s32 @!p0 $0x3  }
0x60: {  	_ =	swait.ge @!p0 [sflag:s0], s1  }
0x61: {  	s1 =	ssub.s32 @!p0 $0x0, s1;
	[sflag:s0] =	ssyncset.done @!p0 $0x0  }
0x62: {  	[sflag:s0] =	ssyncadd.s32 @!p0 s1  }
0x63: {  	[bflag:$0x3] =	sbarrier.arrive $0xFFFF  }
0x64: {  	_ =	shalt  }

// kernel: kernel.15.cloned.1.call-start
scs
__scs_entry_jumppad:
0x0: {  	(pc) =	sbr.rel $0x88, $3  }
0x1: {  	(tag) =	ssettag $0x0;
	lr =	simm.s32 $0x1  }
0x2: {  	[smem:$0x3F86] =	sst lr;
	_ =	strace $0xD0000000  }
0x3: {  	_ = 	snop  }
0x4: {  	_ = 	snop  }
0x5: {  	_ = 	snop  }
0x6: {  	_ = 	snop  }
0x7: {  	_ = 	snop  }
__scs_overlays_trampoline_lowered:
0x8: {  	[smem:$0x3F95] =	sst s0  }
0x9: {  	[smem:$0x3F96] =	sst s1  }
0xa: {  	[smem:$0x3F97] =	sst s2  }
0xb: {  	[smem:$0x3F98] =	sst s3  }
0xc: {  	[smem:$0x3F99] =	sst s4  }
0xd: {  	[smem:$0x3F9A] =	sst s5  }
0xe: {  	[smem:$0x3F9B] =	sst s6  }
0xf: {  	[smem:$0x3F9C] =	sst s7  }
0x10: {  	[smem:$0x3F9D] =	sst s8  }
0x11: {  	[smem:$0x3F9E] =	sst s9;
	s0 =	simm.s32 @!p0 $0x0  }
0x12: {  	s1 =	sld [smem:$0x3F84];
	s0 =	simm.s32 @p0 $0x1  }
0x13: {  	[smem:$0x3F9F] =	sst s0;
	s0 =	simm.s32 @!p1 $0x0  }
0x14: {  	s2 =	sld [smem:$0x3F83];
	s0 =	simm.s32 @p1 $0x1  }
0x15: {  	[smem:$0x3FA0] =	sst s0;
	s0 =	simm.s32 @!p2 $0x0  }
0x16: {  	s3 =	sld [smem:$0x3FDB];
	s0 =	simm.s32 @p2 $0x1  }
0x17: {  	s4 =	simm.s32 $0x1BF5;
	[smem:$0x3FA2] =	sst s0  }
0x18: {  	s0 =	sld [smem:$0x3F85];
	_ =	swait.ge [sflag:s4], $0x0  }
0x19: {  	s7 =	sld [smem:$0x3F86]  }
0x1a: {  	s8 =	sadd.s32 $0xFFFFE003, lr  }
0x1b: {  	s9 =	sadd.s32 $0xFFFFFEF7, lr;
	s5 =	simm.s32 $0xFFFFFFFF;
	p2 =	slt.u32 s8, $0xFFFFF086  }
0x1c: {  	p1 =	slt.u32 s9, $0xF7A;
	s5 =	simm.s32 @!p2 $0x0  }
0x1d: {  	s5 =	simm.s32 @p1 $0x1;
	p0 =	seq.s32 s7, s2  }
0x1e: {  	s7 =	smul.u32 @!p0 $0xF7A, s2;
	p2 =	seq.s32 @!p0 s5, $0x0  }
0x1f: {  	s9 =	smul.u32 $0xF7A, s1;
	s8 =	simm.s32 @!p0 $0x1BF5;
	p2 =	por !p2, p0  }
0x20: {  	[sflag:s8] =	ssyncset.s32 @!p0 $0xFFFFF086;
	s6 =	sadd.s32 @!p0 s3, s7;
	s7 =	simm.s32 @!p0 $0x108  }
0x21: {  	s3 =	sadd.s32 s3, s9;
	s6 =	sadd.s32 @!p0 $0x88, s6;
	s7 =	simm.s32 @p2 $0x1082  }
0x22: {  	[simem:s7], [sflag:s8] =	dma.local @!p0 [hbm:s6], $0xF7A  }
0x23: {  	s9 =	sor.u32 $0xD0000000, s2;
	s6 =	simm.s32 $0x108;
	_ =	swait.ge @!p0 [sflag:s8], $0x0  }
0x24: {  	s3 =	sadd.s32 $0x88, s3;
	s6 =	simm.s32 @!p1 $0x1082;
	[sflag:s4] =	ssyncset.s32 $0xFFFFF086  }
0x25: {  	[simem:s6], [sflag:s4] =	dma.local [hbm:s3], $0xF7A  }
0x26: {  	[smem:$0x3F86] =	sst s1;
	(tag) =	ssettag s2;
	_ =	strace s9  }
0x27: {  	s1 =	sld [smem:$0x3F96]  }
0x28: {  	s2 =	sld [smem:$0x3F97]  }
0x29: {  	s4 =	sld [smem:$0x3F99]  }
0x2a: {  	p0 =	seq.s32 s5, $0x0;
	s5 =	sld [smem:$0x3F9A]  }
0x2b: {  	s6 =	sld [smem:$0x3F9B]  }
0x2c: {  	s7 =	sld [smem:$0x3F9C]  }
0x2d: {  	s3 =	simm.s32 $0x108;
	s8 =	sld [smem:$0x3F9D]  }
0x2e: {  	s3 =	simm.s32 @!p0 $0x1082;
	s9 =	sld [smem:$0x3F9E]  }
0x2f: {  	lr =	sadd.s32 s0, s3;
	s0 =	sld [smem:$0x3F95]  }
0x30: {  	s3 =	sld [smem:$0x3F98]  }
0x31: {  	[smem:$0x3FA1] =	sst s10  }
0x32: {  	s10 =	sld [smem:$0x3F9F];
	_ =	sdelay $0x3  }
0x33: {  	p0 =	seq.s32 s10, $0x1;
	s10 =	sld [smem:$0x3FA1];
	_ =	sdelay $0x3  }
0x34: {  	[smem:$0x3FA1] =	sst s10  }
0x35: {  	s10 =	sld [smem:$0x3FA0];
	_ =	sdelay $0x3  }
0x36: {  	p1 =	seq.s32 s10, $0x1;
	s10 =	sld [smem:$0x3FA1];
	_ =	sdelay $0x3  }
0x37: {  	[smem:$0x3FA1] =	sst s10  }
0x38: {  	s10 =	sld [smem:$0x3FA2]  }
0x39: {  	_ = 	snop;
	(pc) =	sbr.ind lr, $3  }
0x3a: {  	_ = 	snop  }
0x3b: {  	_ = 	snop  }
0x3c: {  	p2 =	seq.s32 s10, $0x1;
	s10 =	sld [smem:$0x3FA1]  }
0x3d: {  	_ =	shalt  }
0x3e: {  	_ =	shalt  }
0x3f: {  	_ =	shalt  }
0x40: {  	_ =	shalt  }
0x41: {  	_ =	shalt  }
0x42: {  	_ =	shalt  }
0x43: {  	_ =	shalt  }
0x44: {  	_ =	shalt  }
0x45: {  	_ =	shalt  }
0x46: {  	_ =	shalt  }
0x47: {  	_ =	shalt  }
0x48: {  	_ =	shalt  }
0x49: {  	_ =	shalt  }
0x4a: {  	_ =	shalt  }
0x4b: {  	_ =	shalt  }
0x4c: {  	_ =	shalt  }
0x4d: {  	_ =	shalt  }
0x4e: {  	_ =	shalt  }
0x4f: {  	_ =	shalt  }
0x50: {  	_ =	shalt  }
0x51: {  	_ =	shalt  }
0x52: {  	_ =	shalt  }
0x53: {  	_ =	shalt  }
0x54: {  	_ =	shalt  }
0x55: {  	_ =	shalt  }
0x56: {  	_ =	shalt  }
0x57: {  	_ =	shalt  }
0x58: {  	_ =	shalt  }
0x59: {  	_ =	shalt  }
0x5a: {  	_ =	shalt  }
0x5b: {  	_ =	shalt  }
0x5c: {  	_ =	shalt  }
0x5d: {  	_ =	shalt  }
0x5e: {  	_ =	shalt  }
0x5f: {  	_ =	shalt  }
0x60: {  	_ =	shalt  }
0x61: {  	_ =	shalt  }
0x62: {  	_ =	shalt  }
0x63: {  	_ =	shalt  }
0x64: {  	_ =	shalt  }
0x65: {  	_ =	shalt  }
0x66: {  	_ =	shalt  }
0x67: {  	_ =	shalt  }
0x68: {  	_ =	shalt  }
0x69: {  	_ =	shalt  }
0x6a: {  	_ =	shalt  }
0x6b: {  	_ =	shalt  }
0x6c: {  	_ =	shalt  }
0x6d: {  	_ =	shalt  }
0x6e: {  	_ =	shalt  }
0x6f: {  	_ =	shalt  }
0x70: {  	_ =	shalt  }
0x71: {  	_ =	shalt  }
0x72: {  	_ =	shalt  }
0x73: {  	_ =	shalt  }
0x74: {  	_ =	shalt  }
0x75: {  	_ =	shalt  }
0x76: {  	_ =	shalt  }
0x77: {  	_ =	shalt  }
0x78: {  	_ =	shalt  }
0x79: {  	_ =	shalt  }
0x7a: {  	_ =	shalt  }
0x7b: {  	_ =	shalt  }
0x7c: {  	_ =	shalt  }
0x7d: {  	_ =	shalt  }
0x7e: {  	_ =	shalt  }
0x7f: {  	_ =	shalt  }
0x80: {  	_ =	shalt  }
0x81: {  	_ =	shalt  }
0x82: {  	_ =	shalt  }
0x83: {  	_ =	shalt  }
0x84: {  	_ =	shalt  }
0x85: {  	_ =	shalt  }
0x86: {  	_ =	shalt  }
0x87: {  	_ =	shalt  }
.Lfunc_end0:
.L_simem_size_0:
called_computation.1_lowered:
.L_overlay_start_0:
0x88: {  	s2 =	sld [smem:$0x3FD9]  }
0x89: {  	s3 =	sld [smem:$0x3FFE];
	_ =	sdelay $0x1  }
0x8a: {  	s1 =	srdreg.scid  }
0x8b: {  	s0 =	sand.u32 $0x1, s1  }
0x8c: {  	s16 =	sshll.u32 s0, $0xA;
	s2 =	sadd.s32 s3, s2  }
0x8d: {  	s2 =	sadd.s32 s2, s16  }
0x8e: {  	[smem:$0x3FAD] =	sst s2  }
0x8f: {  	_ = 	snop  }
0x90: {  	(tm) =	ssettm $0x1  }
0x91: {  	s17 =	sld [smem:$0x3FFB];
	_ =	sdelay $0x3  }
0x92: {  	_ =	strace s17  }
0x93: {  	s2 =	sld [smem:$0x3FFC];
	_ =	sdelay $0x3  }
0x94: {  	_ =	strace s2  }
0x95: {  	s2 =	sld [smem:$0x3FFD];
	_ =	sdelay $0x3  }
0x96: {  	_ =	strace s2  }
0x97: {  	_ =	strace $0x8FFFFFFF  }
0x98: {  	s18 =	sld [smem:$0x3FDB];
	_ =	sdelay $0x1  }
0x99: {  	s19 =	simm.s32 $_scs_section_size  }
0x9a: {  	s4 =	simm.s32 $_size__tile_overlayer_lowered;
	s5 =	simm.s32 $_tile_overlayer_lowered  }
0x9b: {  	s22 =	simm.s32 $0x1BFF;
	s21 =	sshll.u32 s5, $0x1;
	s2 =	sadd.s32 s19, s18  }
0x9c: {  	s6 =	simm.s32 $0x0;
	s20 =	sshll.u32 s4, $0x1;
	s4 =	sadd.s32 s21, s2  }
0x9d: {  	[timem:s6], [sflag:s22] =	dma.local [hbm:s4], s20  }
0x9e: {  	_ =	swait.ge [sflag:s22], s20  }
0x9f: {  	s3 =	ssub.s32 $0x0, s20;
	[sflag:s22] =	ssyncset.done $0x0  }
0xa0: {  	[sflag:s22] =	ssyncadd.s32 s3;
	_ =	sdelay $0x1  }
0xa1: {  	s23 =	simm.s32 $0x1B8B  }
0xa2: {  	_ =	swait.ge [sflag:s23], $0x1  }
0xa3: {  	[sflag:s23] =	ssyncset.done $0x0  }
0xa4: {  	s25 =	simm.s32 $0x1B8E;
	s24 =	sld [smem:$0x3FFE];
	[sflag:s23] =	ssyncadd.s32 $0xFFFFFFFF  }
0xa5: {  	s26 =	simm.s32 $execute0_lowered;
	[smem:$0x3FD2] =	sst s25  }
0xa6: {  	s4 =	sshll.u32 s26, $0x1;
	_ =	strace $0x80000049;
	[dreg:$0x1] =	wrdreg $0xFFFFFFFF  }
0xa7: {  	s28 =	simm.s32 $_size_execute0_lowered;
	s2 =	sadd.s32 s2, s4;
	[dreg:$0x0] =	wrdreg $0x0  }
0xa8: {  	s4 =	sshll.u32 s28, $0x1;
	[dreg:$0x2] =	wrdreg s2  }
0xa9: {  	[dreg:$0x3] =	wrdreg s4  }
0xaa: {  	[dreg:$0x4] =	wrdreg $0xC0  }
0xab: {  	_ =	task [dreg:s6], $0x5FFFF  }
0xac: {  	[dreg:$0x1] =	wrdreg $0xFFFFFFFF  }
0xad: {  	[dreg:$0x0] =	wrdreg $0x60  }
0xae: {  	[dreg:$0x2] =	wrdreg s24  }
0xaf: {  	[dreg:$0x3] =	wrdreg $0xB7800  }
0xb0: {  	[dreg:$0x4] =	wrdreg $0x9  }
0xb1: {  	_ =	task.clear_ibuf [dreg:s6], $0x5FFFF;
	_ =	strace $0x90000049  }
0xb2: {  	s29 =	simm.s32 $0x9;
	_ =	strace $0x8000004B  }
0xb3: {  	_ =	swait.ge [sflag:s29], $0x1  }
0xb4: {  	[sflag:s29] =	ssyncadd.s32 $0xFFFFFFFF  }
0xb5: {  	_ =	strace $0x9000004B  }
0xb6: {  	_ =	sfence  }
0xb7: {  	s30 =	sld [smem:$0x0];
	_ =	sdelay $0x2  }
0xb8: {  	s31 =	sshll.u32 s1, $0xD;
	s1 =	sshrl.u32 s1, $0x2  }
0xb9: {  	s3 =	sand.u32 $0x4000, s31;
	s1 =	sadd.s32 s1, s30  }
0xba: {  	s0 =	sor.u32 s3, s0;
	s1 =	sshll.u32 s1, $0x11  }
0xbb: {  	s0 =	sor.u32 s1, s0  }
0xbc: {  	s0 =	sadd.s32 $0x8F2B, s0  }
0xbd: {  	[sflag:s0] =	ssyncadd.remote.s32 $0x1  }
0xbe: {  	_ =	sfence.sel $0xFFFF  }
0xbf: {  	[dreg:$0x0] =	wrdreg $0xFFFFFFFF;
	(pc) =	sbr.abs _section_cstart, $3  }
0xc0: {  	[dreg:$0x1] =	wrdreg $0xFFFFFFFF  }
0xc1: {  	_ =	task.clear_ibuf [dreg:s6], $0x2FFFF;
	_ =	strace $0x9FFFFFFF  }
0xc2: {  	(tm) =	ssettm $0x7FFFFFFF  }
0xc3: {  	_ =	shalt  }
tec
execute0_lowered:
.L_overlay_start_1:
0x0: {  	(tag) =	ssettag $0x1  }
0x1: {  	s1 =	srdreg.scid;
	s0 =	stileid.u32  }
0x2: {  	s13 =	rddreg [dreg:$0x0];
	s17 =	simm.s32 $0x2780;
	s21 =	simm.s32 $0x1  }
0x3: {  	s22 =	simm.s32 $0x2;
	s23 =	simm.s32 $0x50;
	s24 =	simm.s32 $0x6780  }
0x4: {  	s25 =	simm.s32 $0x8F80;
	s26 =	simm.s32 $0x3;
	s30 =	simm.s32 $0x4  }
0x5: {  	s15 =	simm.s32 $0x0;
	s1 =	sand.u32 $0x1, s1;
	s7 =	smul.u32 $0x2700, s0  }
0x6: {  	s2 =	sshll.u32 s0, $0x1;
	s3 =	sshrl.u32 s0, $0x2;
	s9 =	smul.u32 $0x4E000, s0  }
0x7: {  	p0 =	seq.s32 s0, $0xF;
	s5 =	sor.u32 s1, s2;
	s2 =	rddreg [dreg:$0x1]  }
0x8: {  	s4 =	smul.u32 $0x13C00, s3;
	s3 =	simm.s32 $0x0;
	s8 =	ssub.s32 $0x2, s1  }
0x9: {  	p4 =	seq.s32 s1, $0x1;
	s1 =	sshll.u32 @!p0 s0, $0x6;
	s6 =	sshll.u32 s5, $0x7  }
0xa: {  	[smem:$0x7FF] =	sst s3;
	s5 =	sshll.u32 s5, $0xB;
	s11 =	sshrl.u32 s8, $0x1  }
0xb: {  	s12 =	sadd.s32 s7, s13;
	s31 =	sshrl.u32 s9, $0x2;
	s9 =	sadd.s32 $0x124800, s2  }
0xc: {  	s19 =	sor.u32 @!p0 $0x1C03, s1;
	p2 =	seq.s32 @p4 s0, $0xF;
	p5 =	seq.s32 @!p4 s0, $0xF  }
0xd: {  	s1 =	simm.s32 $0x5;
	s6 =	sand.u32 $0x380, s6;
	_ =	strace $0x8000004A  }
0xe: {  	s10 =	sadd.s32 s5, s13;
	s5 =	sadd.s32 $0x18E00, s13;
	s14 =	ssub.s32 s8, s11  }
0xf: {  	s8 =	sadd.s32 s31, s2;
	s11 =	sadd.s32 $0xCE900, s13;
	s18 =	sshrl.u32 @p0 s9, $0x3  }
0x10: {  	p1 =	por !p2, !p4;
	p2 =	por p2, !p4;
	p3 =	por !p5, p4  }
0x11: {  	p4 =	por p5, p4;
	s4 =	sor.u32 s4, s6;
	s7 =	sadd.s32 $0x8E00, s10  }
0x12: {  	s10 =	sadd.s32 $0xAA000, s12;
	s12 =	sadd.s32 $0xD1200, s12;
	s6 =	sshrl.u32 s4, $0x3  }
0x13: {  	s14 =	smax.u32 s14, $0x1;
	s20 =	sshrl.u32 @!p0 s8, $0x3;
	s6 =	sadd.s32 s6, s13  }
0x14: {  	s4 =	sadd.s32 $0x5BC00, s13;
	s13 =	sadd.s32 $0xF5B00, s13;
	s6 =	sadd.s32 $0x2AC00, s6  }
.LBB2_1:
0x15: {  	s16 =	simm.s32 $0x80;
	s28 =	simm.s32 $0x400  }
0x16: {  	[tilespmem:s3], [sflag:$0x1] =	stream.strided.gather [hbm4b:s6+s16], $0x2780, s28, s16, $0x38;
	[tilespmem:$0x1F000] =	vst v63  }
0x17: {  	s16 =	simm.s32 @p0 $0x1FC3  }
0x18: {  	[tilespmem:s17], [sflag:$0x2] =	stream.linear.gather [hbm4b:s7+s3], $0x3E80, $0x38;
	[tilespmem:$0x1F000] =	vst v63  }
0x19: {  	[spmem:s18], [sflag:s16] =	dma.local @p0 [hbm:s5], $0x2800  }
0x1a: {  	s16 =	simm.s32 @p0 $0x3  }
0x1b: {  	_ =	swait.ge @p0 [sflag:s16], $0x2800  }
0x1c: {  	[sflag:s16] =	ssyncset.done @p0 $0x0  }
0x1d: {  	[sflag:s16] =	ssyncadd.s32 @p0 $0xFFFFD800;
	s16 =	simm.s32 @!p0 $0x3  }
0x1e: {  	[spmem:s20], [sflag:s19] =	dma.local @!p0 [hbm:s5], $0x2700  }
0x1f: {  	_ =	swait.ge @!p0 [sflag:s16], $0x2700  }
0x20: {  	[sflag:s16] =	ssyncset.done @!p0 $0x0  }
0x21: {  	[sflag:s16] =	ssyncadd.s32 @!p0 $0xFFFFD900  }
0x22: {  	_ =	swait.ge [sflag:s21], $0x2780  }
0x23: {  	[sflag:s21] =	ssyncset.done $0x0  }
0x24: {  	[sflag:s21] =	ssyncadd.s32 $0xFFFFD880  }
0x25: {  	_ =	swait.ge [sflag:s22], $0x3E80  }
0x26: {  	[sflag:s22] =	ssyncset.done $0x0  }
0x27: {  	[sflag:s22] =	ssyncadd.s32 $0xFFFFC180  }
0x28: {  	[bflag:$0x0] =	sbarrier.arrive $0xFFFF  }
0x29: {  	[tilespmem:s24], [sflag:$0x1] =	stream.indirect.gather [hbm4b:s4+s23], $0x80, s3, s23, $0xb8;
	[tilespmem:$0x1F000] =	vst v63  }
0x2a: {  	_ = 	snop  }
0x2b: {  	[tilespmem:s25], [sflag:$0x2] =	stream.indirect.gather [hbm4b:s4+s23], $0x80, s23, s23, $0xb8;
	[tilespmem:$0x1F000] =	vst v63  }
0x2c: {  	_ =	swait.ge [sflag:s21], $0x2800  }
0x2d: {  	[sflag:s21] =	ssyncset.done $0x0  }
0x2e: {  	[sflag:s21] =	ssyncadd.s32 $0xFFFFD800  }
0x2f: {  	[spmem:s2] =	stream.indirect.scatter.add.f32 [tilespmem:s24], [sflag:$0x3], $0x80, s17, s23, $0xb8;
	[tilespmem:$0x1F000] =	vst v63  }
0x30: {  	_ =	swait.ge [sflag:s26], $0x2800  }
0x31: {  	[sflag:s26] =	ssyncset.done $0x0  }
0x32: {  	s31 =	simm.s32 $0xA0;
	[sflag:s26] =	ssyncadd.s32 $0xFFFFD800  }
0x33: {  	[tilespmem:s24], [sflag:$0x1] =	stream.indirect.gather [hbm4b:s4+s23], $0x80, s31, s23, $0xb8;
	[tilespmem:$0x1F000] =	vst v63  }
0x34: {  	_ =	swait.ge [sflag:s22], $0x2800  }
0x35: {  	[sflag:s22] =	ssyncset.done $0x0  }
0x36: {  	s31 =	simm.s32 $0x2800;
	[sflag:s22] =	ssyncadd.s32 $0xFFFFD800  }
0x37: {  	[spmem:s2] =	stream.indirect.scatter.add.f32 [tilespmem:s25], [sflag:$0x4], $0x80, s31, s23, $0xb8;
	[tilespmem:$0x1F000] =	vst v63  }
0x38: {  	_ =	swait.ge [sflag:s30], $0x2800  }
0x39: {  	[sflag:s30] =	ssyncset.done $0x0  }
0x3a: {  	s31 =	simm.s32 $0xF0;
	[sflag:s30] =	ssyncadd.s32 $0xFFFFD800  }
0x3b: {  	[tilespmem:s25], [sflag:$0x2] =	stream.indirect.gather [hbm4b:s4+s23], $0x80, s31, s23, $0xb8;
	[tilespmem:$0x1F000] =	vst v63  }
0x3c: {  	_ =	swait.ge [sflag:s21], $0x2800  }
0x3d: {  	[sflag:s21] =	ssyncset.done $0x0  }
0x3e: {  	s31 =	simm.s32 $0x2880;
	[sflag:s21] =	ssyncadd.s32 $0xFFFFD800  }
0x3f: {  	[spmem:s2] =	stream.indirect.scatter.add.f32 [tilespmem:s24], [sflag:$0x3], $0x80, s31, s23, $0xb8;
	[tilespmem:$0x1F000] =	vst v63  }
0x40: {  	_ =	swait.ge [sflag:s26], $0x2800  }
0x41: {  	[sflag:s26] =	ssyncset.done $0x0  }
0x42: {  	s31 =	simm.s32 $0x140;
	[sflag:s26] =	ssyncadd.s32 $0xFFFFD800  }
0x43: {  	[tilespmem:s24], [sflag:$0x1] =	stream.indirect.gather [hbm4b:s4+s23], $0x80, s31, s23, $0xb8;
	[tilespmem:$0x1F000] =	vst v63  }
0x44: {  	_ =	swait.ge [sflag:s22], $0x2800  }
0x45: {  	s29 =	simm.s32 $0x2900;
	[sflag:s22] =	ssyncset.done $0x0  }
0x46: {  	s28 =	simm.s32 $0x190;
	s16 =	simm.s32 $0xFFFF1000;
	[sflag:s22] =	ssyncadd.s32 $0xFFFFD800  }
.LBB2_2:
0x47: {  	[spmem:s2] =	stream.indirect.scatter.add.f32 [tilespmem:s25], [sflag:$0x4], $0x80, s29, s23, $0xb8;
	[tilespmem:$0x1F000] =	vst v63  }
0x48: {  	s29 =	smov.u32 s16  }
0x49: {  	p5 =	sne.s32 s16, $0xFFFFFC00;
	s16 =	sadd.s32 $0x400, s16;
	_ =	swait.ge [sflag:s30], $0x2800  }
0x4a: {  	[sflag:s30] =	ssyncset.done $0x0  }
0x4b: {  	[sflag:s30] =	ssyncadd.s32 $0xFFFFD800  }
0x4c: {  	[tilespmem:s25], [sflag:$0x2] =	stream.indirect.gather [hbm4b:s4+s23], $0x80, s28, s23, $0xb8;
	[tilespmem:$0x1F000] =	vst v63  }
0x4d: {  	_ =	swait.ge [sflag:s21], $0x2800  }
0x4e: {  	s29 =	sshra.s32 s29, $0x2;
	[sflag:s21] =	ssyncset.done $0x0  }
0x4f: {  	s31 =	sadd.s32 $0x6580, s29;
	[sflag:s21] =	ssyncadd.s32 $0xFFFFD800  }
0x50: {  	[spmem:s2] =	stream.indirect.scatter.add.f32 [tilespmem:s24], [sflag:$0x3], $0x80, s31, s23, $0xb8;
	[tilespmem:$0x1F000] =	vst v63  }
0x51: {  	_ =	swait.ge [sflag:s26], $0x2800  }
0x52: {  	[sflag:s26] =	ssyncset.done $0x0  }
.Ltmp0:
0x53: {  	s31 =	sadd.s32 $0x50, s28;
	[sflag:s26] =	ssyncadd.s32 $0xFFFFD800;
	(pc) =	sbr.rel @p5 .LBB2_2-.Ltmp0, $4  }
0x54: {  	[tilespmem:s24], [sflag:$0x1] =	stream.indirect.gather [hbm4b:s4+s23], $0x80, s31, s23, $0xb8;
	[tilespmem:$0x1F000] =	vst v63  }
0x55: {  	_ =	swait.ge [sflag:s22], $0x2800  }
0x56: {  	[sflag:s22] =	ssyncset.done $0x0  }
0x57: {  	s29 =	sadd.s32 $0x6600, s29;
	s28 =	sadd.s32 $0xA0, s28;
	[sflag:s22] =	ssyncadd.s32 $0xFFFFD800  }
0x58: {  	[spmem:s2] =	stream.indirect.scatter.add.f32 [tilespmem:s25], [sflag:$0x4], $0x80, s29, s23, $0xb8;
	[tilespmem:$0x1F000] =	vst v63  }
0x59: {  	_ =	swait.ge [sflag:s30], $0x2800  }
0x5a: {  	[sflag:s30] =	ssyncset.done $0x0  }
0x5b: {  	[sflag:s30] =	ssyncadd.s32 $0xFFFFD800  }
0x5c: {  	_ =	swait.ge [sflag:s21], $0x2800  }
0x5d: {  	[sflag:s21] =	ssyncset.done $0x0  }
0x5e: {  	s16 =	simm.s32 $0x6580;
	[sflag:s21] =	ssyncadd.s32 $0xFFFFD800  }
0x5f: {  	[spmem:s2] =	stream.indirect.scatter.add.f32 [tilespmem:s24], [sflag:$0x5], $0x80, s16, s23, $0xb8;
	[tilespmem:$0x1F000] =	vst v63  }
0x60: {  	_ =	swait.ge [sflag:s1], $0x2800  }
0x61: {  	[sflag:s1] =	ssyncset.done $0x0  }
0x62: {  	[sflag:s1] =	ssyncadd.s32 $0xFFFFD800  }
0x63: {  	s28 =	simm.s32 @!p1 $0x1FC5;
	s16 =	sshrl.u32 @!p1 s9, $0x3;
	[bflag:$0x0] =	sbarrier.arrive $0xFFFF  }
0x64: {  	[hbm:s13], [sflag:s28] =	dma.local @!p1 [spmem:s16], $0x2800  }
0x65: {  	s16 =	simm.s32 @!p1 $0x5  }
0x66: {  	_ =	swait.ge @!p1 [sflag:s16], $0x2800  }
0x67: {  	s28 =	sshll.u32 @!p2 s0, $0x6;
	[sflag:s16] =	ssyncset.done @!p1 $0x0  }
0x68: {  	[sflag:s16] =	ssyncadd.s32 @!p1 $0xFFFFD800;
	s16 =	sor.u32 @!p2 $0x1C05, s28;
	s28 =	sshrl.u32 @!p2 s8, $0x3  }
0x69: {  	[hbm:s12], [sflag:s16] =	dma.local @!p2 [spmem:s28], $0x2700  }
0x6a: {  	s16 =	simm.s32 @!p2 $0x5  }
0x6b: {  	_ =	swait.ge @!p2 [sflag:s16], $0x2700  }
0x6c: {  	[sflag:s16] =	ssyncset.done @!p2 $0x0  }
0x6d: {  	s28 =	simm.s32 @!p3 $0x1FC5;
	[sflag:s16] =	ssyncadd.s32 @!p2 $0xFFFFD900;
	s16 =	sshrl.u32 @!p3 s9, $0x3  }
0x6e: {  	[hbm:s11], [sflag:s28] =	dma.local @!p3 [spmem:s16], $0x2800  }
0x6f: {  	s16 =	simm.s32 @!p3 $0x5  }
0x70: {  	s15 =	sadd.s32 $0x1, s15;
	_ =	swait.ge @!p3 [sflag:s16], $0x2800  }
0x71: {  	p5 =	sne.s32 s15, s14;
	s28 =	sshll.u32 @!p4 s0, $0x6;
	[sflag:s16] =	ssyncset.done @!p3 $0x0  }
0x72: {  	[sflag:s16] =	ssyncadd.s32 @!p3 $0xFFFFD800;
	s16 =	sor.u32 @!p4 $0x1C05, s28;
	s28 =	sshrl.u32 @!p4 s8, $0x3  }
0x73: {  	[hbm:s10], [sflag:s16] =	dma.local @!p4 [spmem:s28], $0x2700  }
.Ltmp1:
0x74: {  	_ = 	snop;
	(pc) =	sbr.rel @p5 .LBB2_1-.Ltmp1, $4  }
0x75: {  	s16 =	simm.s32 @!p4 $0x5  }
0x76: {  	_ =	swait.ge @!p4 [sflag:s16], $0x2700  }
0x77: {  	[sflag:s16] =	ssyncset.done @!p4 $0x0  }
0x78: {  	[sflag:s16] =	ssyncadd.s32 @!p4 $0xFFFFD900  }
0x79: {  	_ =	sfence.sel $0x180000  }
0x7a: {  	[bflag:$0x0] =	sbarrier.arrive $0xFFFF  }
0x7b: {  	_ =	strace $0x9000004A  }
0x7c: {  	[bflag:$0x2] =	sbarrier.arrive $0xFFFF  }
0x7d: {  	p0 =	sne.s32 s0, $0x0;
	s0 =	rddreg [dreg:$0x2]  }
0x7e: {  	s0 =	sadd.s32 @!p0 $0x100000, s0  }
0x7f: {  	[sflag:s0] =	ssyncadd.tile.s32 @!p0 $0x1;
	_ =	shalt  }
.Lfunc_end2:
_tile_overlayer_lowered:
.L_overlay_start_2:
0x80: {  	(tag) =	ssettag $0x2  }
0x81: {  	s0 =	rddreg [dreg:$0x0];
	s2 =	stileid.u32  }
0x82: {  	s1 =	rddreg [dreg:$0x1];
	p0 =	sne.s32 s2, $0x0  }
0x83: {  	s3 =	rddreg [dreg:$0x2];
	[bflag:$0x3] =	sbarrier.arrive $0xFFFF;
	s2 =	simm.s32 @!p0 $0x1C05  }
0x84: {  	[timem:s3], [sflag:s2] =	dma.local @!p0 [hbm:s0], s1  }
0x85: {  	s0 =	simm.s32 @!p0 $0x5  }
0x86: {  	_ =	swait.ge @!p0 [sflag:s0], s1  }
0x87: {  	s1 =	ssub.s32 @!p0 $0x0, s1;
	[sflag:s0] =	ssyncset.done @!p0 $0x0  }
0x88: {  	[sflag:s0] =	ssyncadd.s32 @!p0 s1  }
0x89: {  	[bflag:$0x3] =	sbarrier.arrive $0xFFFF  }
0x8a: {  	_ =	shalt  }

// kernel: kernel.18.cloned.1.call-start
scs
__scs_entry_jumppad:
0x0: {  	(pc) =	sbr.rel $0x88, $3  }
0x1: {  	(tag) =	ssettag $0x0;
	lr =	simm.s32 $0x1  }
0x2: {  	[smem:$0x3F86] =	sst lr;
	_ =	strace $0xD0000000  }
0x3: {  	_ = 	snop  }
0x4: {  	_ = 	snop  }
0x5: {  	_ = 	snop  }
0x6: {  	_ = 	snop  }
0x7: {  	_ = 	snop  }
__scs_overlays_trampoline_lowered:
0x8: {  	[smem:$0x3F95] =	sst s0  }
0x9: {  	[smem:$0x3F96] =	sst s1  }
0xa: {  	[smem:$0x3F97] =	sst s2  }
0xb: {  	[smem:$0x3F98] =	sst s3  }
0xc: {  	[smem:$0x3F99] =	sst s4  }
0xd: {  	[smem:$0x3F9A] =	sst s5  }
0xe: {  	[smem:$0x3F9B] =	sst s6  }
0xf: {  	[smem:$0x3F9C] =	sst s7  }
0x10: {  	[smem:$0x3F9D] =	sst s8  }
0x11: {  	[smem:$0x3F9E] =	sst s9;
	s0 =	simm.s32 @!p0 $0x0  }
0x12: {  	s1 =	sld [smem:$0x3F84];
	s0 =	simm.s32 @p0 $0x1  }
0x13: {  	[smem:$0x3F9F] =	sst s0;
	s0 =	simm.s32 @!p1 $0x0  }
0x14: {  	s2 =	sld [smem:$0x3F83];
	s0 =	simm.s32 @p1 $0x1  }
0x15: {  	[smem:$0x3FA0] =	sst s0;
	s0 =	simm.s32 @!p2 $0x0  }
0x16: {  	s3 =	sld [smem:$0x3FDB];
	s0 =	simm.s32 @p2 $0x1  }
0x17: {  	s4 =	simm.s32 $0x1BF5;
	[smem:$0x3FA2] =	sst s0  }
0x18: {  	s0 =	sld [smem:$0x3F85];
	_ =	swait.ge [sflag:s4], $0x0  }
0x19: {  	s7 =	sld [smem:$0x3F86]  }
0x1a: {  	s8 =	sadd.s32 $0xFFFFE003, lr  }
0x1b: {  	s9 =	sadd.s32 $0xFFFFFEF7, lr;
	s5 =	simm.s32 $0xFFFFFFFF;
	p2 =	slt.u32 s8, $0xFFFFF086  }
0x1c: {  	p1 =	slt.u32 s9, $0xF7A;
	s5 =	simm.s32 @!p2 $0x0  }
0x1d: {  	s5 =	simm.s32 @p1 $0x1;
	p0 =	seq.s32 s7, s2  }
0x1e: {  	s7 =	smul.u32 @!p0 $0xF7A, s2;
	p2 =	seq.s32 @!p0 s5, $0x0  }
0x1f: {  	s9 =	smul.u32 $0xF7A, s1;
	s8 =	simm.s32 @!p0 $0x1BF5;
	p2 =	por !p2, p0  }
0x20: {  	[sflag:s8] =	ssyncset.s32 @!p0 $0xFFFFF086;
	s6 =	sadd.s32 @!p0 s3, s7;
	s7 =	simm.s32 @!p0 $0x108  }
0x21: {  	s3 =	sadd.s32 s3, s9;
	s6 =	sadd.s32 @!p0 $0x88, s6;
	s7 =	simm.s32 @p2 $0x1082  }
0x22: {  	[simem:s7], [sflag:s8] =	dma.local @!p0 [hbm:s6], $0xF7A  }
0x23: {  	s9 =	sor.u32 $0xD0000000, s2;
	s6 =	simm.s32 $0x108;
	_ =	swait.ge @!p0 [sflag:s8], $0x0  }
0x24: {  	s3 =	sadd.s32 $0x88, s3;
	s6 =	simm.s32 @!p1 $0x1082;
	[sflag:s4] =	ssyncset.s32 $0xFFFFF086  }
0x25: {  	[simem:s6], [sflag:s4] =	dma.local [hbm:s3], $0xF7A  }
0x26: {  	[smem:$0x3F86] =	sst s1;
	(tag) =	ssettag s2;
	_ =	strace s9  }
0x27: {  	s1 =	sld [smem:$0x3F96]  }
0x28: {  	s2 =	sld [smem:$0x3F97]  }
0x29: {  	s4 =	sld [smem:$0x3F99]  }
0x2a: {  	p0 =	seq.s32 s5, $0x0;
	s5 =	sld [smem:$0x3F9A]  }
0x2b: {  	s6 =	sld [smem:$0x3F9B]  }
0x2c: {  	s7 =	sld [smem:$0x3F9C]  }
0x2d: {  	s3 =	simm.s32 $0x108;
	s8 =	sld [smem:$0x3F9D]  }
0x2e: {  	s3 =	simm.s32 @!p0 $0x1082;
	s9 =	sld [smem:$0x3F9E]  }
0x2f: {  	lr =	sadd.s32 s0, s3;
	s0 =	sld [smem:$0x3F95]  }
0x30: {  	s3 =	sld [smem:$0x3F98]  }
0x31: {  	[smem:$0x3FA1] =	sst s10  }
0x32: {  	s10 =	sld [smem:$0x3F9F];
	_ =	sdelay $0x3  }
0x33: {  	p0 =	seq.s32 s10, $0x1;
	s10 =	sld [smem:$0x3FA1];
	_ =	sdelay $0x3  }
0x34: {  	[smem:$0x3FA1] =	sst s10  }
0x35: {  	s10 =	sld [smem:$0x3FA0];
	_ =	sdelay $0x3  }
0x36: {  	p1 =	seq.s32 s10, $0x1;
	s10 =	sld [smem:$0x3FA1];
	_ =	sdelay $0x3  }
0x37: {  	[smem:$0x3FA1] =	sst s10  }
0x38: {  	s10 =	sld [smem:$0x3FA2]  }
0x39: {  	_ = 	snop;
	(pc) =	sbr.ind lr, $3  }
0x3a: {  	_ = 	snop  }
0x3b: {  	_ = 	snop  }
0x3c: {  	p2 =	seq.s32 s10, $0x1;
	s10 =	sld [smem:$0x3FA1]  }
0x3d: {  	_ =	shalt  }
0x3e: {  	_ =	shalt  }
0x3f: {  	_ =	shalt  }
0x40: {  	_ =	shalt  }
0x41: {  	_ =	shalt  }
0x42: {  	_ =	shalt  }
0x43: {  	_ =	shalt  }
0x44: {  	_ =	shalt  }
0x45: {  	_ =	shalt  }
0x46: {  	_ =	shalt  }
0x47: {  	_ =	shalt  }
0x48: {  	_ =	shalt  }
0x49: {  	_ =	shalt  }
0x4a: {  	_ =	shalt  }
0x4b: {  	_ =	shalt  }
0x4c: {  	_ =	shalt  }
0x4d: {  	_ =	shalt  }
0x4e: {  	_ =	shalt  }
0x4f: {  	_ =	shalt  }
0x50: {  	_ =	shalt  }
0x51: {  	_ =	shalt  }
0x52: {  	_ =	shalt  }
0x53: {  	_ =	shalt  }
0x54: {  	_ =	shalt  }
0x55: {  	_ =	shalt  }
0x56: {  	_ =	shalt  }
0x57: {  	_ =	shalt  }
0x58: {  	_ =	shalt  }
0x59: {  	_ =	shalt  }
0x5a: {  	_ =	shalt  }
0x5b: {  	_ =	shalt  }
0x5c: {  	_ =	shalt  }
0x5d: {  	_ =	shalt  }
0x5e: {  	_ =	shalt  }
0x5f: {  	_ =	shalt  }
0x60: {  	_ =	shalt  }
0x61: {  	_ =	shalt  }
0x62: {  	_ =	shalt  }
0x63: {  	_ =	shalt  }
0x64: {  	_ =	shalt  }
0x65: {  	_ =	shalt  }
0x66: {  	_ =	shalt  }
0x67: {  	_ =	shalt  }
0x68: {  	_ =	shalt  }
0x69: {  	_ =	shalt  }
0x6a: {  	_ =	shalt  }
0x6b: {  	_ =	shalt  }
0x6c: {  	_ =	shalt  }
0x6d: {  	_ =	shalt  }
0x6e: {  	_ =	shalt  }
0x6f: {  	_ =	shalt  }
0x70: {  	_ =	shalt  }
0x71: {  	_ =	shalt  }
0x72: {  	_ =	shalt  }
0x73: {  	_ =	shalt  }
0x74: {  	_ =	shalt  }
0x75: {  	_ =	shalt  }
0x76: {  	_ =	shalt  }
0x77: {  	_ =	shalt  }
0x78: {  	_ =	shalt  }
0x79: {  	_ =	shalt  }
0x7a: {  	_ =	shalt  }
0x7b: {  	_ =	shalt  }
0x7c: {  	_ =	shalt  }
0x7d: {  	_ =	shalt  }
0x7e: {  	_ =	shalt  }
0x7f: {  	_ =	shalt  }
0x80: {  	_ =	shalt  }
0x81: {  	_ =	shalt  }
0x82: {  	_ =	shalt  }
0x83: {  	_ =	shalt  }
0x84: {  	_ =	shalt  }
0x85: {  	_ =	shalt  }
0x86: {  	_ =	shalt  }
0x87: {  	_ =	shalt  }
.Lfunc_end0:
.L_simem_size_0:
called_computation.2_lowered:
.L_overlay_start_0:
0x88: {  	s2 =	sld [smem:$0x3FD9]  }
0x89: {  	s3 =	sld [smem:$0x3FFE];
	_ =	sdelay $0x1  }
0x8a: {  	s1 =	srdreg.scid  }
0x8b: {  	s0 =	sand.u32 $0x1, s1  }
0x8c: {  	s16 =	sshll.u32 s0, $0xA;
	s2 =	sadd.s32 s3, s2  }
0x8d: {  	s2 =	sadd.s32 s2, s16  }
0x8e: {  	[smem:$0x3FAD] =	sst s2  }
0x8f: {  	_ = 	snop  }
0x90: {  	(tm) =	ssettm $0x1  }
0x91: {  	s17 =	sld [smem:$0x3FFB];
	_ =	sdelay $0x3  }
0x92: {  	_ =	strace s17  }
0x93: {  	s2 =	sld [smem:$0x3FFC];
	_ =	sdelay $0x3  }
0x94: {  	_ =	strace s2  }
0x95: {  	s2 =	sld [smem:$0x3FFD];
	_ =	sdelay $0x3  }
0x96: {  	_ =	strace s2  }
0x97: {  	_ =	strace $0x8FFFFFFF  }
0x98: {  	s18 =	sld [smem:$0x3FDB];
	_ =	sdelay $0x1  }
0x99: {  	s19 =	simm.s32 $_scs_section_size  }
0x9a: {  	s4 =	simm.s32 $_size__tile_overlayer_lowered;
	s5 =	simm.s32 $_tile_overlayer_lowered  }
0x9b: {  	s22 =	simm.s32 $0x1BFF;
	s21 =	sshll.u32 s5, $0x1;
	s2 =	sadd.s32 s19, s18  }
0x9c: {  	s6 =	simm.s32 $0x0;
	s20 =	sshll.u32 s4, $0x1;
	s4 =	sadd.s32 s21, s2  }
0x9d: {  	[timem:s6], [sflag:s22] =	dma.local [hbm:s4], s20  }
0x9e: {  	_ =	swait.ge [sflag:s22], s20  }
0x9f: {  	s3 =	ssub.s32 $0x0, s20;
	[sflag:s22] =	ssyncset.done $0x0  }
0xa0: {  	[sflag:s22] =	ssyncadd.s32 s3;
	_ =	sdelay $0x1  }
0xa1: {  	s23 =	simm.s32 $0x1B8B  }
0xa2: {  	_ =	swait.ge [sflag:s23], $0x1  }
0xa3: {  	[sflag:s23] =	ssyncset.done $0x0  }
0xa4: {  	s25 =	simm.s32 $0x1B8E;
	s24 =	sld [smem:$0x3FFE];
	[sflag:s23] =	ssyncadd.s32 $0xFFFFFFFF  }
0xa5: {  	s26 =	simm.s32 $execute0_lowered;
	[smem:$0x3FD2] =	sst s25  }
0xa6: {  	s4 =	sshll.u32 s26, $0x1;
	_ =	strace $0x8000004C;
	[dreg:$0x1] =	wrdreg $0xFFFFFFFF  }
0xa7: {  	s28 =	simm.s32 $_size_execute0_lowered;
	s2 =	sadd.s32 s2, s4;
	[dreg:$0x0] =	wrdreg $0x0  }
0xa8: {  	s4 =	sshll.u32 s28, $0x1;
	[dreg:$0x2] =	wrdreg s2  }
0xa9: {  	[dreg:$0x3] =	wrdreg s4  }
0xaa: {  	[dreg:$0x4] =	wrdreg $0xC0  }
0xab: {  	_ =	task [dreg:s6], $0x5FFFF  }
0xac: {  	[dreg:$0x1] =	wrdreg $0xFFFFFFFF  }
0xad: {  	[dreg:$0x0] =	wrdreg $0x60  }
0xae: {  	[dreg:$0x2] =	wrdreg s24  }
0xaf: {  	[dreg:$0x3] =	wrdreg $0xB7800  }
0xb0: {  	[dreg:$0x4] =	wrdreg $0x9  }
0xb1: {  	_ =	task.clear_ibuf [dreg:s6], $0x5FFFF;
	_ =	strace $0x9000004C  }
0xb2: {  	s29 =	simm.s32 $0x9;
	_ =	strace $0x8000004E  }
0xb3: {  	_ =	swait.ge [sflag:s29], $0x1  }
0xb4: {  	[sflag:s29] =	ssyncadd.s32 $0xFFFFFFFF  }
0xb5: {  	_ =	strace $0x9000004E  }
0xb6: {  	_ =	sfence  }
0xb7: {  	s30 =	sld [smem:$0x0];
	_ =	sdelay $0x2  }
0xb8: {  	s31 =	sshll.u32 s1, $0xD;
	s1 =	sshrl.u32 s1, $0x2  }
0xb9: {  	s3 =	sand.u32 $0x4000, s31;
	s1 =	sadd.s32 s1, s30  }
0xba: {  	s0 =	sor.u32 s3, s0;
	s1 =	sshll.u32 s1, $0x11  }
0xbb: {  	s0 =	sor.u32 s1, s0  }
0xbc: {  	s0 =	sadd.s32 $0x8F2B, s0  }
0xbd: {  	[sflag:s0] =	ssyncadd.remote.s32 $0x1  }
0xbe: {  	_ =	sfence.sel $0xFFFF  }
0xbf: {  	[dreg:$0x0] =	wrdreg $0xFFFFFFFF;
	(pc) =	sbr.abs _section_cstart, $3  }
0xc0: {  	[dreg:$0x1] =	wrdreg $0xFFFFFFFF  }
0xc1: {  	_ =	task.clear_ibuf [dreg:s6], $0x2FFFF;
	_ =	strace $0x9FFFFFFF  }
0xc2: {  	(tm) =	ssettm $0x7FFFFFFF  }
0xc3: {  	_ =	shalt  }
tec
execute0_lowered:
.L_overlay_start_1:
0x0: {  	(tag) =	ssettag $0x1  }
0x1: {  	s1 =	srdreg.scid;
	s0 =	stileid.u32  }
0x2: {  	s13 =	rddreg [dreg:$0x0];
	s17 =	simm.s32 $0x2780;
	s21 =	simm.s32 $0x1  }
0x3: {  	s22 =	simm.s32 $0x2;
	s23 =	simm.s32 $0x50;
	s24 =	simm.s32 $0x6780  }
0x4: {  	s25 =	simm.s32 $0x8F80;
	s26 =	simm.s32 $0x3;
	s30 =	simm.s32 $0x4  }
0x5: {  	s15 =	simm.s32 $0x0;
	s1 =	sand.u32 $0x1, s1;
	s7 =	smul.u32 $0x2700, s0  }
0x6: {  	s2 =	sshll.u32 s0, $0x1;
	s3 =	sshrl.u32 s0, $0x2;
	s9 =	smul.u32 $0x4E000, s0  }
0x7: {  	p0 =	seq.s32 s0, $0xF;
	s5 =	sor.u32 s1, s2;
	s2 =	rddreg [dreg:$0x1]  }
0x8: {  	s4 =	smul.u32 $0x13C00, s3;
	s3 =	simm.s32 $0x0;
	s8 =	ssub.s32 $0x2, s1  }
0x9: {  	p4 =	seq.s32 s1, $0x1;
	s1 =	sshll.u32 @!p0 s0, $0x6;
	s6 =	sshll.u32 s5, $0x7  }
0xa: {  	[smem:$0x7FF] =	sst s3;
	s5 =	sshll.u32 s5, $0xB;
	s11 =	sshrl.u32 s8, $0x1  }
0xb: {  	s12 =	sadd.s32 s7, s13;
	s31 =	sshrl.u32 s9, $0x2;
	s9 =	sadd.s32 $0x124800, s2  }
0xc: {  	s19 =	sor.u32 @!p0 $0x1C03, s1;
	p2 =	seq.s32 @p4 s0, $0xF;
	p5 =	seq.s32 @!p4 s0, $0xF  }
0xd: {  	s1 =	simm.s32 $0x5;
	s6 =	sand.u32 $0x380, s6;
	_ =	strace $0x8000004D  }
0xe: {  	s10 =	sadd.s32 s5, s13;
	s5 =	sadd.s32 $0x18E00, s13;
	s14 =	ssub.s32 s8, s11  }
0xf: {  	s8 =	sadd.s32 s31, s2;
	s11 =	sadd.s32 $0xCE900, s13;
	s18 =	sshrl.u32 @p0 s9, $0x3  }
0x10: {  	p1 =	por !p2, !p4;
	p2 =	por p2, !p4;
	p3 =	por !p5, p4  }
0x11: {  	p4 =	por p5, p4;
	s4 =	sor.u32 s4, s6;
	s7 =	sadd.s32 $0x8E00, s10  }
0x12: {  	s10 =	sadd.s32 $0xAA000, s12;
	s12 =	sadd.s32 $0xD1200, s12;
	s6 =	sshrl.u32 s4, $0x3  }
0x13: {  	s14 =	smax.u32 s14, $0x1;
	s20 =	sshrl.u32 @!p0 s8, $0x3;
	s6 =	sadd.s32 s6, s13  }
0x14: {  	s4 =	sadd.s32 $0x5BC00, s13;
	s13 =	sadd.s32 $0xF5B00, s13;
	s6 =	sadd.s32 $0x2AC00, s6  }
.LBB2_1:
0x15: {  	s16 =	simm.s32 $0x80;
	s28 =	simm.s32 $0x400  }
0x16: {  	[tilespmem:s3], [sflag:$0x1] =	stream.strided.gather [hbm4b:s6+s16], $0x2780, s28, s16, $0x38;
	[tilespmem:$0x1F000] =	vst v63  }
0x17: {  	s16 =	simm.s32 @p0 $0x1FC3  }
0x18: {  	[tilespmem:s17], [sflag:$0x2] =	stream.linear.gather [hbm4b:s7+s3], $0x3E80, $0x38;
	[tilespmem:$0x1F000] =	vst v63  }
0x19: {  	[spmem:s18], [sflag:s16] =	dma.local @p0 [hbm:s5], $0x2800  }
0x1a: {  	s16 =	simm.s32 @p0 $0x3  }
0x1b: {  	_ =	swait.ge @p0 [sflag:s16], $0x2800  }
0x1c: {  	[sflag:s16] =	ssyncset.done @p0 $0x0  }
0x1d: {  	[sflag:s16] =	ssyncadd.s32 @p0 $0xFFFFD800;
	s16 =	simm.s32 @!p0 $0x3  }
0x1e: {  	[spmem:s20], [sflag:s19] =	dma.local @!p0 [hbm:s5], $0x2700  }
0x1f: {  	_ =	swait.ge @!p0 [sflag:s16], $0x2700  }
0x20: {  	[sflag:s16] =	ssyncset.done @!p0 $0x0  }
0x21: {  	[sflag:s16] =	ssyncadd.s32 @!p0 $0xFFFFD900  }
0x22: {  	_ =	swait.ge [sflag:s21], $0x2780  }
0x23: {  	[sflag:s21] =	ssyncset.done $0x0  }
0x24: {  	[sflag:s21] =	ssyncadd.s32 $0xFFFFD880  }
0x25: {  	_ =	swait.ge [sflag:s22], $0x3E80  }
0x26: {  	[sflag:s22] =	ssyncset.done $0x0  }
0x27: {  	[sflag:s22] =	ssyncadd.s32 $0xFFFFC180  }
0x28: {  	[bflag:$0x0] =	sbarrier.arrive $0xFFFF  }
0x29: {  	[tilespmem:s24], [sflag:$0x1] =	stream.indirect.gather [hbm4b:s4+s23], $0x80, s3, s23, $0xb8;
	[tilespmem:$0x1F000] =	vst v63  }
0x2a: {  	_ = 	snop  }
0x2b: {  	[tilespmem:s25], [sflag:$0x2] =	stream.indirect.gather [hbm4b:s4+s23], $0x80, s23, s23, $0xb8;
	[tilespmem:$0x1F000] =	vst v63  }
0x2c: {  	_ =	swait.ge [sflag:s21], $0x2800  }
0x2d: {  	[sflag:s21] =	ssyncset.done $0x0  }
0x2e: {  	[sflag:s21] =	ssyncadd.s32 $0xFFFFD800  }
0x2f: {  	[spmem:s2] =	stream.indirect.scatter.add.f32 [tilespmem:s24], [sflag:$0x3], $0x80, s17, s23, $0xb8;
	[tilespmem:$0x1F000] =	vst v63  }
0x30: {  	_ =	swait.ge [sflag:s26], $0x2800  }
0x31: {  	[sflag:s26] =	ssyncset.done $0x0  }
0x32: {  	s31 =	simm.s32 $0xA0;
	[sflag:s26] =	ssyncadd.s32 $0xFFFFD800  }
0x33: {  	[tilespmem:s24], [sflag:$0x1] =	stream.indirect.gather [hbm4b:s4+s23], $0x80, s31, s23, $0xb8;
	[tilespmem:$0x1F000] =	vst v63  }
0x34: {  	_ =	swait.ge [sflag:s22], $0x2800  }
0x35: {  	[sflag:s22] =	ssyncset.done $0x0  }
0x36: {  	s31 =	simm.s32 $0x2800;
	[sflag:s22] =	ssyncadd.s32 $0xFFFFD800  }
0x37: {  	[spmem:s2] =	stream.indirect.scatter.add.f32 [tilespmem:s25], [sflag:$0x4], $0x80, s31, s23, $0xb8;
	[tilespmem:$0x1F000] =	vst v63  }
0x38: {  	_ =	swait.ge [sflag:s30], $0x2800  }
0x39: {  	[sflag:s30] =	ssyncset.done $0x0  }
0x3a: {  	s31 =	simm.s32 $0xF0;
	[sflag:s30] =	ssyncadd.s32 $0xFFFFD800  }
0x3b: {  	[tilespmem:s25], [sflag:$0x2] =	stream.indirect.gather [hbm4b:s4+s23], $0x80, s31, s23, $0xb8;
	[tilespmem:$0x1F000] =	vst v63  }
0x3c: {  	_ =	swait.ge [sflag:s21], $0x2800  }
0x3d: {  	[sflag:s21] =	ssyncset.done $0x0  }
0x3e: {  	s31 =	simm.s32 $0x2880;
	[sflag:s21] =	ssyncadd.s32 $0xFFFFD800  }
0x3f: {  	[spmem:s2] =	stream.indirect.scatter.add.f32 [tilespmem:s24], [sflag:$0x3], $0x80, s31, s23, $0xb8;
	[tilespmem:$0x1F000] =	vst v63  }
0x40: {  	_ =	swait.ge [sflag:s26], $0x2800  }
0x41: {  	[sflag:s26] =	ssyncset.done $0x0  }
0x42: {  	s31 =	simm.s32 $0x140;
	[sflag:s26] =	ssyncadd.s32 $0xFFFFD800  }
0x43: {  	[tilespmem:s24], [sflag:$0x1] =	stream.indirect.gather [hbm4b:s4+s23], $0x80, s31, s23, $0xb8;
	[tilespmem:$0x1F000] =	vst v63  }
0x44: {  	_ =	swait.ge [sflag:s22], $0x2800  }
0x45: {  	s29 =	simm.s32 $0x2900;
	[sflag:s22] =	ssyncset.done $0x0  }
0x46: {  	s28 =	simm.s32 $0x190;
	s16 =	simm.s32 $0xFFFF1000;
	[sflag:s22] =	ssyncadd.s32 $0xFFFFD800  }
.LBB2_2:
0x47: {  	[spmem:s2] =	stream.indirect.scatter.add.f32 [tilespmem:s25], [sflag:$0x4], $0x80, s29, s23, $0xb8;
	[tilespmem:$0x1F000] =	vst v63  }
0x48: {  	s29 =	smov.u32 s16  }
0x49: {  	p5 =	sne.s32 s16, $0xFFFFFC00;
	s16 =	sadd.s32 $0x400, s16;
	_ =	swait.ge [sflag:s30], $0x2800  }
0x4a: {  	[sflag:s30] =	ssyncset.done $0x0  }
0x4b: {  	[sflag:s30] =	ssyncadd.s32 $0xFFFFD800  }
0x4c: {  	[tilespmem:s25], [sflag:$0x2] =	stream.indirect.gather [hbm4b:s4+s23], $0x80, s28, s23, $0xb8;
	[tilespmem:$0x1F000] =	vst v63  }
0x4d: {  	_ =	swait.ge [sflag:s21], $0x2800  }
0x4e: {  	s29 =	sshra.s32 s29, $0x2;
	[sflag:s21] =	ssyncset.done $0x0  }
0x4f: {  	s31 =	sadd.s32 $0x6580, s29;
	[sflag:s21] =	ssyncadd.s32 $0xFFFFD800  }
0x50: {  	[spmem:s2] =	stream.indirect.scatter.add.f32 [tilespmem:s24], [sflag:$0x3], $0x80, s31, s23, $0xb8;
	[tilespmem:$0x1F000] =	vst v63  }
0x51: {  	_ =	swait.ge [sflag:s26], $0x2800  }
0x52: {  	[sflag:s26] =	ssyncset.done $0x0  }
.Ltmp0:
0x53: {  	s31 =	sadd.s32 $0x50, s28;
	[sflag:s26] =	ssyncadd.s32 $0xFFFFD800;
	(pc) =	sbr.rel @p5 .LBB2_2-.Ltmp0, $4  }
0x54: {  	[tilespmem:s24], [sflag:$0x1] =	stream.indirect.gather [hbm4b:s4+s23], $0x80, s31, s23, $0xb8;
	[tilespmem:$0x1F000] =	vst v63  }
0x55: {  	_ =	swait.ge [sflag:s22], $0x2800  }
0x56: {  	[sflag:s22] =	ssyncset.done $0x0  }
0x57: {  	s29 =	sadd.s32 $0x6600, s29;
	s28 =	sadd.s32 $0xA0, s28;
	[sflag:s22] =	ssyncadd.s32 $0xFFFFD800  }
0x58: {  	[spmem:s2] =	stream.indirect.scatter.add.f32 [tilespmem:s25], [sflag:$0x4], $0x80, s29, s23, $0xb8;
	[tilespmem:$0x1F000] =	vst v63  }
0x59: {  	_ =	swait.ge [sflag:s30], $0x2800  }
0x5a: {  	[sflag:s30] =	ssyncset.done $0x0  }
0x5b: {  	[sflag:s30] =	ssyncadd.s32 $0xFFFFD800  }
0x5c: {  	_ =	swait.ge [sflag:s21], $0x2800  }
0x5d: {  	[sflag:s21] =	ssyncset.done $0x0  }
0x5e: {  	s16 =	simm.s32 $0x6580;
	[sflag:s21] =	ssyncadd.s32 $0xFFFFD800  }
0x5f: {  	[spmem:s2] =	stream.indirect.scatter.add.f32 [tilespmem:s24], [sflag:$0x5], $0x80, s16, s23, $0xb8;
	[tilespmem:$0x1F000] =	vst v63  }
0x60: {  	_ =	swait.ge [sflag:s1], $0x2800  }
0x61: {  	[sflag:s1] =	ssyncset.done $0x0  }
0x62: {  	[sflag:s1] =	ssyncadd.s32 $0xFFFFD800  }
0x63: {  	s28 =	simm.s32 @!p1 $0x1FC5;
	s16 =	sshrl.u32 @!p1 s9, $0x3;
	[bflag:$0x0] =	sbarrier.arrive $0xFFFF  }
0x64: {  	[hbm:s13], [sflag:s28] =	dma.local @!p1 [spmem:s16], $0x2800  }
0x65: {  	s16 =	simm.s32 @!p1 $0x5  }
0x66: {  	_ =	swait.ge @!p1 [sflag:s16], $0x2800  }
0x67: {  	s28 =	sshll.u32 @!p2 s0, $0x6;
	[sflag:s16] =	ssyncset.done @!p1 $0x0  }
0x68: {  	[sflag:s16] =	ssyncadd.s32 @!p1 $0xFFFFD800;
	s16 =	sor.u32 @!p2 $0x1C05, s28;
	s28 =	sshrl.u32 @!p2 s8, $0x3  }
0x69: {  	[hbm:s12], [sflag:s16] =	dma.local @!p2 [spmem:s28], $0x2700  }
0x6a: {  	s16 =	simm.s32 @!p2 $0x5  }
0x6b: {  	_ =	swait.ge @!p2 [sflag:s16], $0x2700  }
0x6c: {  	[sflag:s16] =	ssyncset.done @!p2 $0x0  }
0x6d: {  	s28 =	simm.s32 @!p3 $0x1FC5;
	[sflag:s16] =	ssyncadd.s32 @!p2 $0xFFFFD900;
	s16 =	sshrl.u32 @!p3 s9, $0x3  }
0x6e: {  	[hbm:s11], [sflag:s28] =	dma.local @!p3 [spmem:s16], $0x2800  }
0x6f: {  	s16 =	simm.s32 @!p3 $0x5  }
0x70: {  	s15 =	sadd.s32 $0x1, s15;
	_ =	swait.ge @!p3 [sflag:s16], $0x2800  }
0x71: {  	p5 =	sne.s32 s15, s14;
	s28 =	sshll.u32 @!p4 s0, $0x6;
	[sflag:s16] =	ssyncset.done @!p3 $0x0  }
0x72: {  	[sflag:s16] =	ssyncadd.s32 @!p3 $0xFFFFD800;
	s16 =	sor.u32 @!p4 $0x1C05, s28;
	s28 =	sshrl.u32 @!p4 s8, $0x3  }
0x73: {  	[hbm:s10], [sflag:s16] =	dma.local @!p4 [spmem:s28], $0x2700  }
.Ltmp1:
0x74: {  	_ = 	snop;
	(pc) =	sbr.rel @p5 .LBB2_1-.Ltmp1, $4  }
0x75: {  	s16 =	simm.s32 @!p4 $0x5  }
0x76: {  	_ =	swait.ge @!p4 [sflag:s16], $0x2700  }
0x77: {  	[sflag:s16] =	ssyncset.done @!p4 $0x0  }
0x78: {  	[sflag:s16] =	ssyncadd.s32 @!p4 $0xFFFFD900  }
0x79: {  	_ =	sfence.sel $0x180000  }
0x7a: {  	[bflag:$0x0] =	sbarrier.arrive $0xFFFF  }
0x7b: {  	_ =	strace $0x9000004D  }
0x7c: {  	[bflag:$0x2] =	sbarrier.arrive $0xFFFF  }
0x7d: {  	p0 =	sne.s32 s0, $0x0;
	s0 =	rddreg [dreg:$0x2]  }
0x7e: {  	s0 =	sadd.s32 @!p0 $0x100000, s0  }
0x7f: {  	[sflag:s0] =	ssyncadd.tile.s32 @!p0 $0x1;
	_ =	shalt  }
.Lfunc_end2:
_tile_overlayer_lowered:
.L_overlay_start_2:
0x80: {  	(tag) =	ssettag $0x2  }
0x81: {  	s0 =	rddreg [dreg:$0x0];
	s2 =	stileid.u32  }
0x82: {  	s1 =	rddreg [dreg:$0x1];
	p0 =	sne.s32 s2, $0x0  }
0x83: {  	s3 =	rddreg [dreg:$0x2];
	[bflag:$0x3] =	sbarrier.arrive $0xFFFF;
	s2 =	simm.s32 @!p0 $0x1C05  }
0x84: {  	[timem:s3], [sflag:s2] =	dma.local @!p0 [hbm:s0], s1  }
0x85: {  	s0 =	simm.s32 @!p0 $0x5  }
0x86: {  	_ =	swait.ge @!p0 [sflag:s0], s1  }
0x87: {  	s1 =	ssub.s32 @!p0 $0x0, s1;
	[sflag:s0] =	ssyncset.done @!p0 $0x0  }
0x88: {  	[sflag:s0] =	ssyncadd.s32 @!p0 s1  }
0x89: {  	[bflag:$0x3] =	sbarrier.arrive $0xFFFF  }
0x8a: {  	_ =	shalt  }

// kernel: kernel.21.cloned.1.call-start
scs
__scs_entry_jumppad:
0x0: {  	(pc) =	sbr.rel $0x88, $3  }
0x1: {  	(tag) =	ssettag $0x0;
	lr =	simm.s32 $0x1  }
0x2: {  	[smem:$0x3F86] =	sst lr;
	_ =	strace $0xD0000000  }
0x3: {  	_ = 	snop  }
0x4: {  	_ = 	snop  }
0x5: {  	_ = 	snop  }
0x6: {  	_ = 	snop  }
0x7: {  	_ = 	snop  }
__scs_overlays_trampoline_lowered:
0x8: {  	[smem:$0x3F95] =	sst s0  }
0x9: {  	[smem:$0x3F96] =	sst s1  }
0xa: {  	[smem:$0x3F97] =	sst s2  }
0xb: {  	[smem:$0x3F98] =	sst s3  }
0xc: {  	[smem:$0x3F99] =	sst s4  }
0xd: {  	[smem:$0x3F9A] =	sst s5  }
0xe: {  	[smem:$0x3F9B] =	sst s6  }
0xf: {  	[smem:$0x3F9C] =	sst s7  }
0x10: {  	[smem:$0x3F9D] =	sst s8  }
0x11: {  	[smem:$0x3F9E] =	sst s9;
	s0 =	simm.s32 @!p0 $0x0  }
0x12: {  	s1 =	sld [smem:$0x3F84];
	s0 =	simm.s32 @p0 $0x1  }
0x13: {  	[smem:$0x3F9F] =	sst s0;
	s0 =	simm.s32 @!p1 $0x0  }
0x14: {  	s2 =	sld [smem:$0x3F83];
	s0 =	simm.s32 @p1 $0x1  }
0x15: {  	[smem:$0x3FA0] =	sst s0;
	s0 =	simm.s32 @!p2 $0x0  }
0x16: {  	s3 =	sld [smem:$0x3FDB];
	s0 =	simm.s32 @p2 $0x1  }
0x17: {  	s4 =	simm.s32 $0x1BF5;
	[smem:$0x3FA2] =	sst s0  }
0x18: {  	s0 =	sld [smem:$0x3F85];
	_ =	swait.ge [sflag:s4], $0x0  }
0x19: {  	s7 =	sld [smem:$0x3F86]  }
0x1a: {  	s8 =	sadd.s32 $0xFFFFE003, lr  }
0x1b: {  	s9 =	sadd.s32 $0xFFFFFEF7, lr;
	s5 =	simm.s32 $0xFFFFFFFF;
	p2 =	slt.u32 s8, $0xFFFFF086  }
0x1c: {  	p1 =	slt.u32 s9, $0xF7A;
	s5 =	simm.s32 @!p2 $0x0  }
0x1d: {  	s5 =	simm.s32 @p1 $0x1;
	p0 =	seq.s32 s7, s2  }
0x1e: {  	s7 =	smul.u32 @!p0 $0xF7A, s2;
	p2 =	seq.s32 @!p0 s5, $0x0  }
0x1f: {  	s9 =	smul.u32 $0xF7A, s1;
	s8 =	simm.s32 @!p0 $0x1BF5;
	p2 =	por !p2, p0  }
0x20: {  	[sflag:s8] =	ssyncset.s32 @!p0 $0xFFFFF086;
	s6 =	sadd.s32 @!p0 s3, s7;
	s7 =	simm.s32 @!p0 $0x108  }
0x21: {  	s3 =	sadd.s32 s3, s9;
	s6 =	sadd.s32 @!p0 $0x88, s6;
	s7 =	simm.s32 @p2 $0x1082  }
0x22: {  	[simem:s7], [sflag:s8] =	dma.local @!p0 [hbm:s6], $0xF7A  }
0x23: {  	s9 =	sor.u32 $0xD0000000, s2;
	s6 =	simm.s32 $0x108;
	_ =	swait.ge @!p0 [sflag:s8], $0x0  }
0x24: {  	s3 =	sadd.s32 $0x88, s3;
	s6 =	simm.s32 @!p1 $0x1082;
	[sflag:s4] =	ssyncset.s32 $0xFFFFF086  }
0x25: {  	[simem:s6], [sflag:s4] =	dma.local [hbm:s3], $0xF7A  }
0x26: {  	[smem:$0x3F86] =	sst s1;
	(tag) =	ssettag s2;
	_ =	strace s9  }
0x27: {  	s1 =	sld [smem:$0x3F96]  }
0x28: {  	s2 =	sld [smem:$0x3F97]  }
0x29: {  	s4 =	sld [smem:$0x3F99]  }
0x2a: {  	p0 =	seq.s32 s5, $0x0;
	s5 =	sld [smem:$0x3F9A]  }
0x2b: {  	s6 =	sld [smem:$0x3F9B]  }
0x2c: {  	s7 =	sld [smem:$0x3F9C]  }
0x2d: {  	s3 =	simm.s32 $0x108;
	s8 =	sld [smem:$0x3F9D]  }
0x2e: {  	s3 =	simm.s32 @!p0 $0x1082;
	s9 =	sld [smem:$0x3F9E]  }
0x2f: {  	lr =	sadd.s32 s0, s3;
	s0 =	sld [smem:$0x3F95]  }
0x30: {  	s3 =	sld [smem:$0x3F98]  }
0x31: {  	[smem:$0x3FA1] =	sst s10  }
0x32: {  	s10 =	sld [smem:$0x3F9F];
	_ =	sdelay $0x3  }
0x33: {  	p0 =	seq.s32 s10, $0x1;
	s10 =	sld [smem:$0x3FA1];
	_ =	sdelay $0x3  }
0x34: {  	[smem:$0x3FA1] =	sst s10  }
0x35: {  	s10 =	sld [smem:$0x3FA0];
	_ =	sdelay $0x3  }
0x36: {  	p1 =	seq.s32 s10, $0x1;
	s10 =	sld [smem:$0x3FA1];
	_ =	sdelay $0x3  }
0x37: {  	[smem:$0x3FA1] =	sst s10  }
0x38: {  	s10 =	sld [smem:$0x3FA2]  }
0x39: {  	_ = 	snop;
	(pc) =	sbr.ind lr, $3  }
0x3a: {  	_ = 	snop  }
0x3b: {  	_ = 	snop  }
0x3c: {  	p2 =	seq.s32 s10, $0x1;
	s10 =	sld [smem:$0x3FA1]  }
0x3d: {  	_ =	shalt  }
0x3e: {  	_ =	shalt  }
0x3f: {  	_ =	shalt  }
0x40: {  	_ =	shalt  }
0x41: {  	_ =	shalt  }
0x42: {  	_ =	shalt  }
0x43: {  	_ =	shalt  }
0x44: {  	_ =	shalt  }
0x45: {  	_ =	shalt  }
0x46: {  	_ =	shalt  }
0x47: {  	_ =	shalt  }
0x48: {  	_ =	shalt  }
0x49: {  	_ =	shalt  }
0x4a: {  	_ =	shalt  }
0x4b: {  	_ =	shalt  }
0x4c: {  	_ =	shalt  }
0x4d: {  	_ =	shalt  }
0x4e: {  	_ =	shalt  }
0x4f: {  	_ =	shalt  }
0x50: {  	_ =	shalt  }
0x51: {  	_ =	shalt  }
0x52: {  	_ =	shalt  }
0x53: {  	_ =	shalt  }
0x54: {  	_ =	shalt  }
0x55: {  	_ =	shalt  }
0x56: {  	_ =	shalt  }
0x57: {  	_ =	shalt  }
0x58: {  	_ =	shalt  }
0x59: {  	_ =	shalt  }
0x5a: {  	_ =	shalt  }
0x5b: {  	_ =	shalt  }
0x5c: {  	_ =	shalt  }
0x5d: {  	_ =	shalt  }
0x5e: {  	_ =	shalt  }
0x5f: {  	_ =	shalt  }
0x60: {  	_ =	shalt  }
0x61: {  	_ =	shalt  }
0x62: {  	_ =	shalt  }
0x63: {  	_ =	shalt  }
0x64: {  	_ =	shalt  }
0x65: {  	_ =	shalt  }
0x66: {  	_ =	shalt  }
0x67: {  	_ =	shalt  }
0x68: {  	_ =	shalt  }
0x69: {  	_ =	shalt  }
0x6a: {  	_ =	shalt  }
0x6b: {  	_ =	shalt  }
0x6c: {  	_ =	shalt  }
0x6d: {  	_ =	shalt  }
0x6e: {  	_ =	shalt  }
0x6f: {  	_ =	shalt  }
0x70: {  	_ =	shalt  }
0x71: {  	_ =	shalt  }
0x72: {  	_ =	shalt  }
0x73: {  	_ =	shalt  }
0x74: {  	_ =	shalt  }
0x75: {  	_ =	shalt  }
0x76: {  	_ =	shalt  }
0x77: {  	_ =	shalt  }
0x78: {  	_ =	shalt  }
0x79: {  	_ =	shalt  }
0x7a: {  	_ =	shalt  }
0x7b: {  	_ =	shalt  }
0x7c: {  	_ =	shalt  }
0x7d: {  	_ =	shalt  }
0x7e: {  	_ =	shalt  }
0x7f: {  	_ =	shalt  }
0x80: {  	_ =	shalt  }
0x81: {  	_ =	shalt  }
0x82: {  	_ =	shalt  }
0x83: {  	_ =	shalt  }
0x84: {  	_ =	shalt  }
0x85: {  	_ =	shalt  }
0x86: {  	_ =	shalt  }
0x87: {  	_ =	shalt  }
.Lfunc_end0:
.L_simem_size_0:
called_computation.3_lowered:
.L_overlay_start_0:
0x88: {  	s2 =	sld [smem:$0x3FD9]  }
0x89: {  	s3 =	sld [smem:$0x3FFE];
	_ =	sdelay $0x1  }
0x8a: {  	s1 =	srdreg.scid  }
0x8b: {  	s0 =	sand.u32 $0x1, s1  }
0x8c: {  	s16 =	sshll.u32 s0, $0xA;
	s2 =	sadd.s32 s3, s2  }
0x8d: {  	s2 =	sadd.s32 s2, s16  }
0x8e: {  	[smem:$0x3FAD] =	sst s2  }
0x8f: {  	_ = 	snop  }
0x90: {  	(tm) =	ssettm $0x1  }
0x91: {  	s17 =	sld [smem:$0x3FFB];
	_ =	sdelay $0x3  }
0x92: {  	_ =	strace s17  }
0x93: {  	s2 =	sld [smem:$0x3FFC];
	_ =	sdelay $0x3  }
0x94: {  	_ =	strace s2  }
0x95: {  	s2 =	sld [smem:$0x3FFD];
	_ =	sdelay $0x3  }
0x96: {  	_ =	strace s2  }
0x97: {  	_ =	strace $0x8FFFFFFF  }
0x98: {  	s18 =	sld [smem:$0x3FDB];
	_ =	sdelay $0x1  }
0x99: {  	s19 =	simm.s32 $_scs_section_size  }
0x9a: {  	s4 =	simm.s32 $_size__tile_overlayer_lowered;
	s5 =	simm.s32 $_tile_overlayer_lowered  }
0x9b: {  	s22 =	simm.s32 $0x1BFF;
	s21 =	sshll.u32 s5, $0x1;
	s2 =	sadd.s32 s19, s18  }
0x9c: {  	s6 =	simm.s32 $0x0;
	s20 =	sshll.u32 s4, $0x1;
	s4 =	sadd.s32 s21, s2  }
0x9d: {  	[timem:s6], [sflag:s22] =	dma.local [hbm:s4], s20  }
0x9e: {  	_ =	swait.ge [sflag:s22], s20  }
0x9f: {  	s3 =	ssub.s32 $0x0, s20;
	[sflag:s22] =	ssyncset.done $0x0  }
0xa0: {  	[sflag:s22] =	ssyncadd.s32 s3;
	_ =	sdelay $0x1  }
0xa1: {  	s23 =	simm.s32 $0x1B8B  }
0xa2: {  	_ =	swait.ge [sflag:s23], $0x1  }
0xa3: {  	[sflag:s23] =	ssyncset.done $0x0  }
0xa4: {  	s25 =	simm.s32 $0x1B8E;
	s24 =	sld [smem:$0x3FFE];
	[sflag:s23] =	ssyncadd.s32 $0xFFFFFFFF  }
0xa5: {  	s26 =	simm.s32 $execute0_lowered;
	[smem:$0x3FD2] =	sst s25  }
0xa6: {  	s4 =	sshll.u32 s26, $0x1;
	_ =	strace $0x8000004F;
	[dreg:$0x1] =	wrdreg $0xFFFFFFFF  }
0xa7: {  	s28 =	simm.s32 $_size_execute0_lowered;
	s2 =	sadd.s32 s2, s4;
	[dreg:$0x0] =	wrdreg $0x0  }
0xa8: {  	s4 =	sshll.u32 s28, $0x1;
	[dreg:$0x2] =	wrdreg s2  }
0xa9: {  	[dreg:$0x3] =	wrdreg s4  }
0xaa: {  	[dreg:$0x4] =	wrdreg $0xC0  }
0xab: {  	_ =	task [dreg:s6], $0x5FFFF  }
0xac: {  	[dreg:$0x1] =	wrdreg $0xFFFFFFFF  }
0xad: {  	[dreg:$0x0] =	wrdreg $0x60  }
0xae: {  	[dreg:$0x2] =	wrdreg s24  }
0xaf: {  	[dreg:$0x3] =	wrdreg $0xB7800  }
0xb0: {  	[dreg:$0x4] =	wrdreg $0x9  }
0xb1: {  	_ =	task.clear_ibuf [dreg:s6], $0x5FFFF;
	_ =	strace $0x9000004F  }
0xb2: {  	s29 =	simm.s32 $0x9;
	_ =	strace $0x80000051  }
0xb3: {  	_ =	swait.ge [sflag:s29], $0x1  }
0xb4: {  	[sflag:s29] =	ssyncadd.s32 $0xFFFFFFFF  }
0xb5: {  	_ =	strace $0x90000051  }
0xb6: {  	_ =	sfence  }
0xb7: {  	s30 =	sld [smem:$0x0];
	_ =	sdelay $0x2  }
0xb8: {  	s31 =	sshll.u32 s1, $0xD;
	s1 =	sshrl.u32 s1, $0x2  }
0xb9: {  	s3 =	sand.u32 $0x4000, s31;
	s1 =	sadd.s32 s1, s30  }
0xba: {  	s0 =	sor.u32 s3, s0;
	s1 =	sshll.u32 s1, $0x11  }
0xbb: {  	s0 =	sor.u32 s1, s0  }
0xbc: {  	s0 =	sadd.s32 $0x8F2B, s0  }
0xbd: {  	[sflag:s0] =	ssyncadd.remote.s32 $0x1  }
0xbe: {  	_ =	sfence.sel $0xFFFF  }
0xbf: {  	[dreg:$0x0] =	wrdreg $0xFFFFFFFF;
	(pc) =	sbr.abs _section_cstart, $3  }
0xc0: {  	[dreg:$0x1] =	wrdreg $0xFFFFFFFF  }
0xc1: {  	_ =	task.clear_ibuf [dreg:s6], $0x2FFFF;
	_ =	strace $0x9FFFFFFF  }
0xc2: {  	(tm) =	ssettm $0x7FFFFFFF  }
0xc3: {  	_ =	shalt  }
tec
execute0_lowered:
.L_overlay_start_1:
0x0: {  	(tag) =	ssettag $0x1  }
0x1: {  	s1 =	srdreg.scid;
	s0 =	stileid.u32  }
0x2: {  	s13 =	rddreg [dreg:$0x0];
	s17 =	simm.s32 $0x2780;
	s21 =	simm.s32 $0x1  }
0x3: {  	s22 =	simm.s32 $0x2;
	s23 =	simm.s32 $0x50;
	s24 =	simm.s32 $0x6780  }
0x4: {  	s25 =	simm.s32 $0x8F80;
	s26 =	simm.s32 $0x3;
	s30 =	simm.s32 $0x4  }
0x5: {  	s15 =	simm.s32 $0x0;
	s1 =	sand.u32 $0x1, s1;
	s7 =	smul.u32 $0x2700, s0  }
0x6: {  	s2 =	sshll.u32 s0, $0x1;
	s3 =	sshrl.u32 s0, $0x2;
	s9 =	smul.u32 $0x4E000, s0  }
0x7: {  	p0 =	seq.s32 s0, $0xF;
	s5 =	sor.u32 s1, s2;
	s2 =	rddreg [dreg:$0x1]  }
0x8: {  	s4 =	smul.u32 $0x13C00, s3;
	s3 =	simm.s32 $0x0;
	s8 =	ssub.s32 $0x2, s1  }
0x9: {  	p4 =	seq.s32 s1, $0x1;
	s1 =	sshll.u32 @!p0 s0, $0x6;
	s6 =	sshll.u32 s5, $0x7  }
0xa: {  	[smem:$0x7FF] =	sst s3;
	s5 =	sshll.u32 s5, $0xB;
	s11 =	sshrl.u32 s8, $0x1  }
0xb: {  	s12 =	sadd.s32 s7, s13;
	s31 =	sshrl.u32 s9, $0x2;
	s9 =	sadd.s32 $0x124800, s2  }
0xc: {  	s19 =	sor.u32 @!p0 $0x1C03, s1;
	p2 =	seq.s32 @p4 s0, $0xF;
	p5 =	seq.s32 @!p4 s0, $0xF  }
0xd: {  	s1 =	simm.s32 $0x5;
	s6 =	sand.u32 $0x380, s6;
	_ =	strace $0x80000050  }
0xe: {  	s10 =	sadd.s32 s5, s13;
	s5 =	sadd.s32 $0x18E00, s13;
	s14 =	ssub.s32 s8, s11  }
0xf: {  	s8 =	sadd.s32 s31, s2;
	s11 =	sadd.s32 $0xCE900, s13;
	s18 =	sshrl.u32 @p0 s9, $0x3  }
0x10: {  	p1 =	por !p2, !p4;
	p2 =	por p2, !p4;
	p3 =	por !p5, p4  }
0x11: {  	p4 =	por p5, p4;
	s4 =	sor.u32 s4, s6;
	s7 =	sadd.s32 $0x8E00, s10  }
0x12: {  	s10 =	sadd.s32 $0xAA000, s12;
	s12 =	sadd.s32 $0xD1200, s12;
	s6 =	sshrl.u32 s4, $0x3  }
0x13: {  	s14 =	smax.u32 s14, $0x1;
	s20 =	sshrl.u32 @!p0 s8, $0x3;
	s6 =	sadd.s32 s6, s13  }
0x14: {  	s4 =	sadd.s32 $0x5BC00, s13;
	s13 =	sadd.s32 $0xF5B00, s13;
	s6 =	sadd.s32 $0x2AC00, s6  }
.LBB2_1:
0x15: {  	s16 =	simm.s32 $0x80;
	s28 =	simm.s32 $0x400  }
0x16: {  	[tilespmem:s3], [sflag:$0x1] =	stream.strided.gather [hbm4b:s6+s16], $0x2780, s28, s16, $0x38;
	[tilespmem:$0x1F000] =	vst v63  }
0x17: {  	s16 =	simm.s32 @p0 $0x1FC3  }
0x18: {  	[tilespmem:s17], [sflag:$0x2] =	stream.linear.gather [hbm4b:s7+s3], $0x3E80, $0x38;
	[tilespmem:$0x1F000] =	vst v63  }
0x19: {  	[spmem:s18], [sflag:s16] =	dma.local @p0 [hbm:s5], $0x2800  }
0x1a: {  	s16 =	simm.s32 @p0 $0x3  }
0x1b: {  	_ =	swait.ge @p0 [sflag:s16], $0x2800  }
0x1c: {  	[sflag:s16] =	ssyncset.done @p0 $0x0  }
0x1d: {  	[sflag:s16] =	ssyncadd.s32 @p0 $0xFFFFD800;
	s16 =	simm.s32 @!p0 $0x3  }
0x1e: {  	[spmem:s20], [sflag:s19] =	dma.local @!p0 [hbm:s5], $0x2700  }
0x1f: {  	_ =	swait.ge @!p0 [sflag:s16], $0x2700  }
0x20: {  	[sflag:s16] =	ssyncset.done @!p0 $0x0  }
0x21: {  	[sflag:s16] =	ssyncadd.s32 @!p0 $0xFFFFD900  }
0x22: {  	_ =	swait.ge [sflag:s21], $0x2780  }
0x23: {  	[sflag:s21] =	ssyncset.done $0x0  }
0x24: {  	[sflag:s21] =	ssyncadd.s32 $0xFFFFD880  }
0x25: {  	_ =	swait.ge [sflag:s22], $0x3E80  }
0x26: {  	[sflag:s22] =	ssyncset.done $0x0  }
0x27: {  	[sflag:s22] =	ssyncadd.s32 $0xFFFFC180  }
0x28: {  	[bflag:$0x0] =	sbarrier.arrive $0xFFFF  }
0x29: {  	[tilespmem:s24], [sflag:$0x1] =	stream.indirect.gather [hbm4b:s4+s23], $0x80, s3, s23, $0xb8;
	[tilespmem:$0x1F000] =	vst v63  }
0x2a: {  	_ = 	snop  }
0x2b: {  	[tilespmem:s25], [sflag:$0x2] =	stream.indirect.gather [hbm4b:s4+s23], $0x80, s23, s23, $0xb8;
	[tilespmem:$0x1F000] =	vst v63  }
0x2c: {  	_ =	swait.ge [sflag:s21], $0x2800  }
0x2d: {  	[sflag:s21] =	ssyncset.done $0x0  }
0x2e: {  	[sflag:s21] =	ssyncadd.s32 $0xFFFFD800  }
0x2f: {  	[spmem:s2] =	stream.indirect.scatter.add.f32 [tilespmem:s24], [sflag:$0x3], $0x80, s17, s23, $0xb8;
	[tilespmem:$0x1F000] =	vst v63  }
0x30: {  	_ =	swait.ge [sflag:s26], $0x2800  }
0x31: {  	[sflag:s26] =	ssyncset.done $0x0  }
0x32: {  	s31 =	simm.s32 $0xA0;
	[sflag:s26] =	ssyncadd.s32 $0xFFFFD800  }
0x33: {  	[tilespmem:s24], [sflag:$0x1] =	stream.indirect.gather [hbm4b:s4+s23], $0x80, s31, s23, $0xb8;
	[tilespmem:$0x1F000] =	vst v63  }
0x34: {  	_ =	swait.ge [sflag:s22], $0x2800  }
0x35: {  	[sflag:s22] =	ssyncset.done $0x0  }
0x36: {  	s31 =	simm.s32 $0x2800;
	[sflag:s22] =	ssyncadd.s32 $0xFFFFD800  }
0x37: {  	[spmem:s2] =	stream.indirect.scatter.add.f32 [tilespmem:s25], [sflag:$0x4], $0x80, s31, s23, $0xb8;
	[tilespmem:$0x1F000] =	vst v63  }
0x38: {  	_ =	swait.ge [sflag:s30], $0x2800  }
0x39: {  	[sflag:s30] =	ssyncset.done $0x0  }
0x3a: {  	s31 =	simm.s32 $0xF0;
	[sflag:s30] =	ssyncadd.s32 $0xFFFFD800  }
0x3b: {  	[tilespmem:s25], [sflag:$0x2] =	stream.indirect.gather [hbm4b:s4+s23], $0x80, s31, s23, $0xb8;
	[tilespmem:$0x1F000] =	vst v63  }
0x3c: {  	_ =	swait.ge [sflag:s21], $0x2800  }
0x3d: {  	[sflag:s21] =	ssyncset.done $0x0  }
0x3e: {  	s31 =	simm.s32 $0x2880;
	[sflag:s21] =	ssyncadd.s32 $0xFFFFD800  }
0x3f: {  	[spmem:s2] =	stream.indirect.scatter.add.f32 [tilespmem:s24], [sflag:$0x3], $0x80, s31, s23, $0xb8;
	[tilespmem:$0x1F000] =	vst v63  }
0x40: {  	_ =	swait.ge [sflag:s26], $0x2800  }
0x41: {  	[sflag:s26] =	ssyncset.done $0x0  }
0x42: {  	s31 =	simm.s32 $0x140;
	[sflag:s26] =	ssyncadd.s32 $0xFFFFD800  }
0x43: {  	[tilespmem:s24], [sflag:$0x1] =	stream.indirect.gather [hbm4b:s4+s23], $0x80, s31, s23, $0xb8;
	[tilespmem:$0x1F000] =	vst v63  }
0x44: {  	_ =	swait.ge [sflag:s22], $0x2800  }
0x45: {  	s29 =	simm.s32 $0x2900;
	[sflag:s22] =	ssyncset.done $0x0  }
0x46: {  	s28 =	simm.s32 $0x190;
	s16 =	simm.s32 $0xFFFF1000;
	[sflag:s22] =	ssyncadd.s32 $0xFFFFD800  }
.LBB2_2:
0x47: {  	[spmem:s2] =	stream.indirect.scatter.add.f32 [tilespmem:s25], [sflag:$0x4], $0x80, s29, s23, $0xb8;
	[tilespmem:$0x1F000] =	vst v63  }
0x48: {  	s29 =	smov.u32 s16  }
0x49: {  	p5 =	sne.s32 s16, $0xFFFFFC00;
	s16 =	sadd.s32 $0x400, s16;
	_ =	swait.ge [sflag:s30], $0x2800  }
0x4a: {  	[sflag:s30] =	ssyncset.done $0x0  }
0x4b: {  	[sflag:s30] =	ssyncadd.s32 $0xFFFFD800  }
0x4c: {  	[tilespmem:s25], [sflag:$0x2] =	stream.indirect.gather [hbm4b:s4+s23], $0x80, s28, s23, $0xb8;
	[tilespmem:$0x1F000] =	vst v63  }
0x4d: {  	_ =	swait.ge [sflag:s21], $0x2800  }
0x4e: {  	s29 =	sshra.s32 s29, $0x2;
	[sflag:s21] =	ssyncset.done $0x0  }
0x4f: {  	s31 =	sadd.s32 $0x6580, s29;
	[sflag:s21] =	ssyncadd.s32 $0xFFFFD800  }
0x50: {  	[spmem:s2] =	stream.indirect.scatter.add.f32 [tilespmem:s24], [sflag:$0x3], $0x80, s31, s23, $0xb8;
	[tilespmem:$0x1F000] =	vst v63  }
0x51: {  	_ =	swait.ge [sflag:s26], $0x2800  }
0x52: {  	[sflag:s26] =	ssyncset.done $0x0  }
.Ltmp0:
0x53: {  	s31 =	sadd.s32 $0x50, s28;
	[sflag:s26] =	ssyncadd.s32 $0xFFFFD800;
	(pc) =	sbr.rel @p5 .LBB2_2-.Ltmp0, $4  }
0x54: {  	[tilespmem:s24], [sflag:$0x1] =	stream.indirect.gather [hbm4b:s4+s23], $0x80, s31, s23, $0xb8;
	[tilespmem:$0x1F000] =	vst v63  }
0x55: {  	_ =	swait.ge [sflag:s22], $0x2800  }
0x56: {  	[sflag:s22] =	ssyncset.done $0x0  }
0x57: {  	s29 =	sadd.s32 $0x6600, s29;
	s28 =	sadd.s32 $0xA0, s28;
	[sflag:s22] =	ssyncadd.s32 $0xFFFFD800  }
0x58: {  	[spmem:s2] =	stream.indirect.scatter.add.f32 [tilespmem:s25], [sflag:$0x4], $0x80, s29, s23, $0xb8;
	[tilespmem:$0x1F000] =	vst v63  }
0x59: {  	_ =	swait.ge [sflag:s30], $0x2800  }
0x5a: {  	[sflag:s30] =	ssyncset.done $0x0  }
0x5b: {  	[sflag:s30] =	ssyncadd.s32 $0xFFFFD800  }
0x5c: {  	_ =	swait.ge [sflag:s21], $0x2800  }
0x5d: {  	[sflag:s21] =	ssyncset.done $0x0  }
0x5e: {  	s16 =	simm.s32 $0x6580;
	[sflag:s21] =	ssyncadd.s32 $0xFFFFD800  }
0x5f: {  	[spmem:s2] =	stream.indirect.scatter.add.f32 [tilespmem:s24], [sflag:$0x5], $0x80, s16, s23, $0xb8;
	[tilespmem:$0x1F000] =	vst v63  }
0x60: {  	_ =	swait.ge [sflag:s1], $0x2800  }
0x61: {  	[sflag:s1] =	ssyncset.done $0x0  }
0x62: {  	[sflag:s1] =	ssyncadd.s32 $0xFFFFD800  }
0x63: {  	s28 =	simm.s32 @!p1 $0x1FC5;
	s16 =	sshrl.u32 @!p1 s9, $0x3;
	[bflag:$0x0] =	sbarrier.arrive $0xFFFF  }
0x64: {  	[hbm:s13], [sflag:s28] =	dma.local @!p1 [spmem:s16], $0x2800  }
0x65: {  	s16 =	simm.s32 @!p1 $0x5  }
0x66: {  	_ =	swait.ge @!p1 [sflag:s16], $0x2800  }
0x67: {  	s28 =	sshll.u32 @!p2 s0, $0x6;
	[sflag:s16] =	ssyncset.done @!p1 $0x0  }
0x68: {  	[sflag:s16] =	ssyncadd.s32 @!p1 $0xFFFFD800;
	s16 =	sor.u32 @!p2 $0x1C05, s28;
	s28 =	sshrl.u32 @!p2 s8, $0x3  }
0x69: {  	[hbm:s12], [sflag:s16] =	dma.local @!p2 [spmem:s28], $0x2700  }
0x6a: {  	s16 =	simm.s32 @!p2 $0x5  }
0x6b: {  	_ =	swait.ge @!p2 [sflag:s16], $0x2700  }
0x6c: {  	[sflag:s16] =	ssyncset.done @!p2 $0x0  }
0x6d: {  	s28 =	simm.s32 @!p3 $0x1FC5;
	[sflag:s16] =	ssyncadd.s32 @!p2 $0xFFFFD900;
	s16 =	sshrl.u32 @!p3 s9, $0x3  }
0x6e: {  	[hbm:s11], [sflag:s28] =	dma.local @!p3 [spmem:s16], $0x2800  }
0x6f: {  	s16 =	simm.s32 @!p3 $0x5  }
0x70: {  	s15 =	sadd.s32 $0x1, s15;
	_ =	swait.ge @!p3 [sflag:s16], $0x2800  }
0x71: {  	p5 =	sne.s32 s15, s14;
	s28 =	sshll.u32 @!p4 s0, $0x6;
	[sflag:s16] =	ssyncset.done @!p3 $0x0  }
0x72: {  	[sflag:s16] =	ssyncadd.s32 @!p3 $0xFFFFD800;
	s16 =	sor.u32 @!p4 $0x1C05, s28;
	s28 =	sshrl.u32 @!p4 s8, $0x3  }
0x73: {  	[hbm:s10], [sflag:s16] =	dma.local @!p4 [spmem:s28], $0x2700  }
.Ltmp1:
0x74: {  	_ = 	snop;
	(pc) =	sbr.rel @p5 .LBB2_1-.Ltmp1, $4  }
0x75: {  	s16 =	simm.s32 @!p4 $0x5  }
0x76: {  	_ =	swait.ge @!p4 [sflag:s16], $0x2700  }
0x77: {  	[sflag:s16] =	ssyncset.done @!p4 $0x0  }
0x78: {  	[sflag:s16] =	ssyncadd.s32 @!p4 $0xFFFFD900  }
0x79: {  	_ =	sfence.sel $0x180000  }
0x7a: {  	[bflag:$0x0] =	sbarrier.arrive $0xFFFF  }
0x7b: {  	_ =	strace $0x90000050  }
0x7c: {  	[bflag:$0x2] =	sbarrier.arrive $0xFFFF  }
0x7d: {  	p0 =	sne.s32 s0, $0x0;
	s0 =	rddreg [dreg:$0x2]  }
0x7e: {  	s0 =	sadd.s32 @!p0 $0x100000, s0  }
0x7f: {  	[sflag:s0] =	ssyncadd.tile.s32 @!p0 $0x1;
	_ =	shalt  }
.Lfunc_end2:
_tile_overlayer_lowered:
.L_overlay_start_2:
0x80: {  	(tag) =	ssettag $0x2  }
0x81: {  	s0 =	rddreg [dreg:$0x0];
	s2 =	stileid.u32  }
0x82: {  	s1 =	rddreg [dreg:$0x1];
	p0 =	sne.s32 s2, $0x0  }
0x83: {  	s3 =	rddreg [dreg:$0x2];
	[bflag:$0x3] =	sbarrier.arrive $0xFFFF;
	s2 =	simm.s32 @!p0 $0x1C05  }
0x84: {  	[timem:s3], [sflag:s2] =	dma.local @!p0 [hbm:s0], s1  }
0x85: {  	s0 =	simm.s32 @!p0 $0x5  }
0x86: {  	_ =	swait.ge @!p0 [sflag:s0], s1  }
0x87: {  	s1 =	ssub.s32 @!p0 $0x0, s1;
	[sflag:s0] =	ssyncset.done @!p0 $0x0  }
0x88: {  	[sflag:s0] =	ssyncadd.s32 @!p0 s1  }
0x89: {  	[bflag:$0x3] =	sbarrier.arrive $0xFFFF  }
0x8a: {  	_ =	shalt  }

// kernel: kernel.24.cloned.1.call-start
scs
__scs_entry_jumppad:
0x0: {  	(pc) =	sbr.rel $0x88, $3  }
0x1: {  	(tag) =	ssettag $0x0;
	lr =	simm.s32 $0x1  }
0x2: {  	[smem:$0x3F86] =	sst lr;
	_ =	strace $0xD0000000  }
0x3: {  	_ = 	snop  }
0x4: {  	_ = 	snop  }
0x5: {  	_ = 	snop  }
0x6: {  	_ = 	snop  }
0x7: {  	_ = 	snop  }
__scs_overlays_trampoline_lowered:
0x8: {  	[smem:$0x3F95] =	sst s0  }
0x9: {  	[smem:$0x3F96] =	sst s1  }
0xa: {  	[smem:$0x3F97] =	sst s2  }
0xb: {  	[smem:$0x3F98] =	sst s3  }
0xc: {  	[smem:$0x3F99] =	sst s4  }
0xd: {  	[smem:$0x3F9A] =	sst s5  }
0xe: {  	[smem:$0x3F9B] =	sst s6  }
0xf: {  	[smem:$0x3F9C] =	sst s7  }
0x10: {  	[smem:$0x3F9D] =	sst s8  }
0x11: {  	[smem:$0x3F9E] =	sst s9;
	s0 =	simm.s32 @!p0 $0x0  }
0x12: {  	s1 =	sld [smem:$0x3F84];
	s0 =	simm.s32 @p0 $0x1  }
0x13: {  	[smem:$0x3F9F] =	sst s0;
	s0 =	simm.s32 @!p1 $0x0  }
0x14: {  	s2 =	sld [smem:$0x3F83];
	s0 =	simm.s32 @p1 $0x1  }
0x15: {  	[smem:$0x3FA0] =	sst s0;
	s0 =	simm.s32 @!p2 $0x0  }
0x16: {  	s3 =	sld [smem:$0x3FDB];
	s0 =	simm.s32 @p2 $0x1  }
0x17: {  	s4 =	simm.s32 $0x1BF5;
	[smem:$0x3FA2] =	sst s0  }
0x18: {  	s0 =	sld [smem:$0x3F85];
	_ =	swait.ge [sflag:s4], $0x0  }
0x19: {  	s7 =	sld [smem:$0x3F86]  }
0x1a: {  	s8 =	sadd.s32 $0xFFFFE003, lr  }
0x1b: {  	s9 =	sadd.s32 $0xFFFFFEF7, lr;
	s5 =	simm.s32 $0xFFFFFFFF;
	p2 =	slt.u32 s8, $0xFFFFF086  }
0x1c: {  	p1 =	slt.u32 s9, $0xF7A;
	s5 =	simm.s32 @!p2 $0x0  }
0x1d: {  	s5 =	simm.s32 @p1 $0x1;
	p0 =	seq.s32 s7, s2  }
0x1e: {  	s7 =	smul.u32 @!p0 $0xF7A, s2;
	p2 =	seq.s32 @!p0 s5, $0x0  }
0x1f: {  	s9 =	smul.u32 $0xF7A, s1;
	s8 =	simm.s32 @!p0 $0x1BF5;
	p2 =	por !p2, p0  }
0x20: {  	[sflag:s8] =	ssyncset.s32 @!p0 $0xFFFFF086;
	s6 =	sadd.s32 @!p0 s3, s7;
	s7 =	simm.s32 @!p0 $0x108  }
0x21: {  	s3 =	sadd.s32 s3, s9;
	s6 =	sadd.s32 @!p0 $0x88, s6;
	s7 =	simm.s32 @p2 $0x1082  }
0x22: {  	[simem:s7], [sflag:s8] =	dma.local @!p0 [hbm:s6], $0xF7A  }
0x23: {  	s9 =	sor.u32 $0xD0000000, s2;
	s6 =	simm.s32 $0x108;
	_ =	swait.ge @!p0 [sflag:s8], $0x0  }
0x24: {  	s3 =	sadd.s32 $0x88, s3;
	s6 =	simm.s32 @!p1 $0x1082;
	[sflag:s4] =	ssyncset.s32 $0xFFFFF086  }
0x25: {  	[simem:s6], [sflag:s4] =	dma.local [hbm:s3], $0xF7A  }
0x26: {  	[smem:$0x3F86] =	sst s1;
	(tag) =	ssettag s2;
	_ =	strace s9  }
0x27: {  	s1 =	sld [smem:$0x3F96]  }
0x28: {  	s2 =	sld [smem:$0x3F97]  }
0x29: {  	s4 =	sld [smem:$0x3F99]  }
0x2a: {  	p0 =	seq.s32 s5, $0x0;
	s5 =	sld [smem:$0x3F9A]  }
0x2b: {  	s6 =	sld [smem:$0x3F9B]  }
0x2c: {  	s7 =	sld [smem:$0x3F9C]  }
0x2d: {  	s3 =	simm.s32 $0x108;
	s8 =	sld [smem:$0x3F9D]  }
0x2e: {  	s3 =	simm.s32 @!p0 $0x1082;
	s9 =	sld [smem:$0x3F9E]  }
0x2f: {  	lr =	sadd.s32 s0, s3;
	s0 =	sld [smem:$0x3F95]  }
0x30: {  	s3 =	sld [smem:$0x3F98]  }
0x31: {  	[smem:$0x3FA1] =	sst s10  }
0x32: {  	s10 =	sld [smem:$0x3F9F];
	_ =	sdelay $0x3  }
0x33: {  	p0 =	seq.s32 s10, $0x1;
	s10 =	sld [smem:$0x3FA1];
	_ =	sdelay $0x3  }
0x34: {  	[smem:$0x3FA1] =	sst s10  }
0x35: {  	s10 =	sld [smem:$0x3FA0];
	_ =	sdelay $0x3  }
0x36: {  	p1 =	seq.s32 s10, $0x1;
	s10 =	sld [smem:$0x3FA1];
	_ =	sdelay $0x3  }
0x37: {  	[smem:$0x3FA1] =	sst s10  }
0x38: {  	s10 =	sld [smem:$0x3FA2]  }
0x39: {  	_ = 	snop;
	(pc) =	sbr.ind lr, $3  }
0x3a: {  	_ = 	snop  }
0x3b: {  	_ = 	snop  }
0x3c: {  	p2 =	seq.s32 s10, $0x1;
	s10 =	sld [smem:$0x3FA1]  }
0x3d: {  	_ =	shalt  }
0x3e: {  	_ =	shalt  }
0x3f: {  	_ =	shalt  }
0x40: {  	_ =	shalt  }
0x41: {  	_ =	shalt  }
0x42: {  	_ =	shalt  }
0x43: {  	_ =	shalt  }
0x44: {  	_ =	shalt  }
0x45: {  	_ =	shalt  }
0x46: {  	_ =	shalt  }
0x47: {  	_ =	shalt  }
0x48: {  	_ =	shalt  }
0x49: {  	_ =	shalt  }
0x4a: {  	_ =	shalt  }
0x4b: {  	_ =	shalt  }
0x4c: {  	_ =	shalt  }
0x4d: {  	_ =	shalt  }
0x4e: {  	_ =	shalt  }
0x4f: {  	_ =	shalt  }
0x50: {  	_ =	shalt  }
0x51: {  	_ =	shalt  }
0x52: {  	_ =	shalt  }
0x53: {  	_ =	shalt  }
0x54: {  	_ =	shalt  }
0x55: {  	_ =	shalt  }
0x56: {  	_ =	shalt  }
0x57: {  	_ =	shalt  }
0x58: {  	_ =	shalt  }
0x59: {  	_ =	shalt  }
0x5a: {  	_ =	shalt  }
0x5b: {  	_ =	shalt  }
0x5c: {  	_ =	shalt  }
0x5d: {  	_ =	shalt  }
0x5e: {  	_ =	shalt  }
0x5f: {  	_ =	shalt  }
0x60: {  	_ =	shalt  }
0x61: {  	_ =	shalt  }
0x62: {  	_ =	shalt  }
0x63: {  	_ =	shalt  }
0x64: {  	_ =	shalt  }
0x65: {  	_ =	shalt  }
0x66: {  	_ =	shalt  }
0x67: {  	_ =	shalt  }
0x68: {  	_ =	shalt  }
0x69: {  	_ =	shalt  }
0x6a: {  	_ =	shalt  }
0x6b: {  	_ =	shalt  }
0x6c: {  	_ =	shalt  }
0x6d: {  	_ =	shalt  }
0x6e: {  	_ =	shalt  }
0x6f: {  	_ =	shalt  }
0x70: {  	_ =	shalt  }
0x71: {  	_ =	shalt  }
0x72: {  	_ =	shalt  }
0x73: {  	_ =	shalt  }
0x74: {  	_ =	shalt  }
0x75: {  	_ =	shalt  }
0x76: {  	_ =	shalt  }
0x77: {  	_ =	shalt  }
0x78: {  	_ =	shalt  }
0x79: {  	_ =	shalt  }
0x7a: {  	_ =	shalt  }
0x7b: {  	_ =	shalt  }
0x7c: {  	_ =	shalt  }
0x7d: {  	_ =	shalt  }
0x7e: {  	_ =	shalt  }
0x7f: {  	_ =	shalt  }
0x80: {  	_ =	shalt  }
0x81: {  	_ =	shalt  }
0x82: {  	_ =	shalt  }
0x83: {  	_ =	shalt  }
0x84: {  	_ =	shalt  }
0x85: {  	_ =	shalt  }
0x86: {  	_ =	shalt  }
0x87: {  	_ =	shalt  }
.Lfunc_end0:
.L_simem_size_0:
called_computation.4_lowered:
.L_overlay_start_0:
0x88: {  	s2 =	sld [smem:$0x3FD9]  }
0x89: {  	s3 =	sld [smem:$0x3FFE];
	_ =	sdelay $0x1  }
0x8a: {  	s1 =	srdreg.scid  }
0x8b: {  	s0 =	sand.u32 $0x1, s1  }
0x8c: {  	s16 =	sshll.u32 s0, $0xA;
	s2 =	sadd.s32 s3, s2  }
0x8d: {  	s2 =	sadd.s32 s2, s16  }
0x8e: {  	[smem:$0x3FAD] =	sst s2  }
0x8f: {  	_ = 	snop  }
0x90: {  	(tm) =	ssettm $0x1  }
0x91: {  	s17 =	sld [smem:$0x3FFB];
	_ =	sdelay $0x3  }
0x92: {  	_ =	strace s17  }
0x93: {  	s2 =	sld [smem:$0x3FFC];
	_ =	sdelay $0x3  }
0x94: {  	_ =	strace s2  }
0x95: {  	s2 =	sld [smem:$0x3FFD];
	_ =	sdelay $0x3  }
0x96: {  	_ =	strace s2  }
0x97: {  	_ =	strace $0x8FFFFFFF  }
0x98: {  	s18 =	sld [smem:$0x3FDB];
	_ =	sdelay $0x1  }
0x99: {  	s19 =	simm.s32 $_scs_section_size  }
0x9a: {  	s4 =	simm.s32 $_size__tile_overlayer_lowered;
	s5 =	simm.s32 $_tile_overlayer_lowered  }
0x9b: {  	s22 =	simm.s32 $0x1BFF;
	s21 =	sshll.u32 s5, $0x1;
	s2 =	sadd.s32 s19, s18  }
0x9c: {  	s6 =	simm.s32 $0x0;
	s20 =	sshll.u32 s4, $0x1;
	s4 =	sadd.s32 s21, s2  }
0x9d: {  	[timem:s6], [sflag:s22] =	dma.local [hbm:s4], s20  }
0x9e: {  	_ =	swait.ge [sflag:s22], s20  }
0x9f: {  	s3 =	ssub.s32 $0x0, s20;
	[sflag:s22] =	ssyncset.done $0x0  }
0xa0: {  	[sflag:s22] =	ssyncadd.s32 s3;
	_ =	sdelay $0x1  }
0xa1: {  	s23 =	simm.s32 $0x1B8B  }
0xa2: {  	_ =	swait.ge [sflag:s23], $0x1  }
0xa3: {  	[sflag:s23] =	ssyncset.done $0x0  }
0xa4: {  	s25 =	simm.s32 $0x1B8E;
	s24 =	sld [smem:$0x3FFE];
	[sflag:s23] =	ssyncadd.s32 $0xFFFFFFFF  }
0xa5: {  	s26 =	simm.s32 $execute0_lowered;
	[smem:$0x3FD2] =	sst s25  }
0xa6: {  	s4 =	sshll.u32 s26, $0x1;
	_ =	strace $0x80000052;
	[dreg:$0x1] =	wrdreg $0xFFFFFFFF  }
0xa7: {  	s28 =	simm.s32 $_size_execute0_lowered;
	s2 =	sadd.s32 s2, s4;
	[dreg:$0x0] =	wrdreg $0x0  }
0xa8: {  	s4 =	sshll.u32 s28, $0x1;
	[dreg:$0x2] =	wrdreg s2  }
0xa9: {  	[dreg:$0x3] =	wrdreg s4  }
0xaa: {  	[dreg:$0x4] =	wrdreg $0xC0  }
0xab: {  	_ =	task [dreg:s6], $0x5FFFF  }
0xac: {  	[dreg:$0x1] =	wrdreg $0xFFFFFFFF  }
0xad: {  	[dreg:$0x0] =	wrdreg $0x60  }
0xae: {  	[dreg:$0x2] =	wrdreg s24  }
0xaf: {  	[dreg:$0x3] =	wrdreg $0xB7800  }
0xb0: {  	[dreg:$0x4] =	wrdreg $0x9  }
0xb1: {  	_ =	task.clear_ibuf [dreg:s6], $0x5FFFF;
	_ =	strace $0x90000052  }
0xb2: {  	s29 =	simm.s32 $0x9;
	_ =	strace $0x80000054  }
0xb3: {  	_ =	swait.ge [sflag:s29], $0x1  }
0xb4: {  	[sflag:s29] =	ssyncadd.s32 $0xFFFFFFFF  }
0xb5: {  	_ =	strace $0x90000054  }
0xb6: {  	_ =	sfence  }
0xb7: {  	s30 =	sld [smem:$0x0];
	_ =	sdelay $0x2  }
0xb8: {  	s31 =	sshll.u32 s1, $0xD;
	s1 =	sshrl.u32 s1, $0x2  }
0xb9: {  	s3 =	sand.u32 $0x4000, s31;
	s1 =	sadd.s32 s1, s30  }
0xba: {  	s0 =	sor.u32 s3, s0;
	s1 =	sshll.u32 s1, $0x11  }
0xbb: {  	s0 =	sor.u32 s1, s0  }
0xbc: {  	s0 =	sadd.s32 $0x8F2B, s0  }
0xbd: {  	[sflag:s0] =	ssyncadd.remote.s32 $0x1  }
0xbe: {  	_ =	sfence.sel $0xFFFF  }
0xbf: {  	[dreg:$0x0] =	wrdreg $0xFFFFFFFF;
	(pc) =	sbr.abs _section_cstart, $3  }
0xc0: {  	[dreg:$0x1] =	wrdreg $0xFFFFFFFF  }
0xc1: {  	_ =	task.clear_ibuf [dreg:s6], $0x2FFFF;
	_ =	strace $0x9FFFFFFF  }
0xc2: {  	(tm) =	ssettm $0x7FFFFFFF  }
0xc3: {  	_ =	shalt  }
tec
execute0_lowered:
.L_overlay_start_1:
0x0: {  	(tag) =	ssettag $0x1  }
0x1: {  	s1 =	srdreg.scid;
	s0 =	stileid.u32  }
0x2: {  	s13 =	rddreg [dreg:$0x0];
	s17 =	simm.s32 $0x2780;
	s21 =	simm.s32 $0x1  }
0x3: {  	s22 =	simm.s32 $0x2;
	s23 =	simm.s32 $0x50;
	s24 =	simm.s32 $0x6780  }
0x4: {  	s25 =	simm.s32 $0x8F80;
	s26 =	simm.s32 $0x3;
	s30 =	simm.s32 $0x4  }
0x5: {  	s15 =	simm.s32 $0x0;
	s1 =	sand.u32 $0x1, s1;
	s7 =	smul.u32 $0x2700, s0  }
0x6: {  	s2 =	sshll.u32 s0, $0x1;
	s3 =	sshrl.u32 s0, $0x2;
	s9 =	smul.u32 $0x4E000, s0  }
0x7: {  	p0 =	seq.s32 s0, $0xF;
	s5 =	sor.u32 s1, s2;
	s2 =	rddreg [dreg:$0x1]  }
0x8: {  	s4 =	smul.u32 $0x13C00, s3;
	s3 =	simm.s32 $0x0;
	s8 =	ssub.s32 $0x2, s1  }
0x9: {  	p4 =	seq.s32 s1, $0x1;
	s1 =	sshll.u32 @!p0 s0, $0x6;
	s6 =	sshll.u32 s5, $0x7  }
0xa: {  	[smem:$0x7FF] =	sst s3;
	s5 =	sshll.u32 s5, $0xB;
	s11 =	sshrl.u32 s8, $0x1  }
0xb: {  	s12 =	sadd.s32 s7, s13;
	s31 =	sshrl.u32 s9, $0x2;
	s9 =	sadd.s32 $0x124800, s2  }
0xc: {  	s19 =	sor.u32 @!p0 $0x1C03, s1;
	p2 =	seq.s32 @p4 s0, $0xF;
	p5 =	seq.s32 @!p4 s0, $0xF  }
0xd: {  	s1 =	simm.s32 $0x5;
	s6 =	sand.u32 $0x380, s6;
	_ =	strace $0x80000053  }
0xe: {  	s10 =	sadd.s32 s5, s13;
	s5 =	sadd.s32 $0x18E00, s13;
	s14 =	ssub.s32 s8, s11  }
0xf: {  	s8 =	sadd.s32 s31, s2;
	s11 =	sadd.s32 $0x80500, s13;
	s18 =	sshrl.u32 @p0 s9, $0x3  }
0x10: {  	p1 =	por !p2, !p4;
	p2 =	por p2, !p4;
	p3 =	por !p5, p4  }
0x11: {  	p4 =	por p5, p4;
	s4 =	sor.u32 s4, s6;
	s7 =	sadd.s32 $0x8E00, s10  }
0x12: {  	s10 =	sadd.s32 $0x5BC00, s12;
	s12 =	sadd.s32 $0x82E00, s12;
	s6 =	sshrl.u32 s4, $0x3  }
0x13: {  	s14 =	smax.u32 s14, $0x1;
	s20 =	sshrl.u32 @!p0 s8, $0x3;
	s6 =	sadd.s32 s6, s13  }
0x14: {  	s4 =	sadd.s32 $0x34A00, s13;
	s13 =	sadd.s32 $0xA7700, s13;
	s6 =	sadd.s32 $0x2AC00, s6  }
.LBB2_1:
0x15: {  	s16 =	simm.s32 $0x80;
	s28 =	simm.s32 $0x400  }
0x16: {  	[tilespmem:s3], [sflag:$0x1] =	stream.strided.gather [hbm4b:s6+s16], $0x2780, s28, s16, $0x38;
	[tilespmem:$0x1F000] =	vst v63  }
0x17: {  	s16 =	simm.s32 @p0 $0x1FC3  }
0x18: {  	[tilespmem:s17], [sflag:$0x2] =	stream.linear.gather [hbm4b:s7+s3], $0x3E80, $0x38;
	[tilespmem:$0x1F000] =	vst v63  }
0x19: {  	[spmem:s18], [sflag:s16] =	dma.local @p0 [hbm:s5], $0x2800  }
0x1a: {  	s16 =	simm.s32 @p0 $0x3  }
0x1b: {  	_ =	swait.ge @p0 [sflag:s16], $0x2800  }
0x1c: {  	[sflag:s16] =	ssyncset.done @p0 $0x0  }
0x1d: {  	[sflag:s16] =	ssyncadd.s32 @p0 $0xFFFFD800;
	s16 =	simm.s32 @!p0 $0x3  }
0x1e: {  	[spmem:s20], [sflag:s19] =	dma.local @!p0 [hbm:s5], $0x2700  }
0x1f: {  	_ =	swait.ge @!p0 [sflag:s16], $0x2700  }
0x20: {  	[sflag:s16] =	ssyncset.done @!p0 $0x0  }
0x21: {  	[sflag:s16] =	ssyncadd.s32 @!p0 $0xFFFFD900  }
0x22: {  	_ =	swait.ge [sflag:s21], $0x2780  }
0x23: {  	[sflag:s21] =	ssyncset.done $0x0  }
0x24: {  	[sflag:s21] =	ssyncadd.s32 $0xFFFFD880  }
0x25: {  	_ =	swait.ge [sflag:s22], $0x3E80  }
0x26: {  	[sflag:s22] =	ssyncset.done $0x0  }
0x27: {  	[sflag:s22] =	ssyncadd.s32 $0xFFFFC180  }
0x28: {  	[bflag:$0x0] =	sbarrier.arrive $0xFFFF  }
0x29: {  	[tilespmem:s24], [sflag:$0x1] =	stream.indirect.gather [hbm4b:s4+s23], $0x80, s3, s23, $0xb8;
	[tilespmem:$0x1F000] =	vst v63  }
0x2a: {  	_ = 	snop  }
0x2b: {  	[tilespmem:s25], [sflag:$0x2] =	stream.indirect.gather [hbm4b:s4+s23], $0x80, s23, s23, $0xb8;
	[tilespmem:$0x1F000] =	vst v63  }
0x2c: {  	_ =	swait.ge [sflag:s21], $0x2800  }
0x2d: {  	[sflag:s21] =	ssyncset.done $0x0  }
0x2e: {  	[sflag:s21] =	ssyncadd.s32 $0xFFFFD800  }
0x2f: {  	[spmem:s2] =	stream.indirect.scatter.add.f32 [tilespmem:s24], [sflag:$0x3], $0x80, s17, s23, $0xb8;
	[tilespmem:$0x1F000] =	vst v63  }
0x30: {  	_ =	swait.ge [sflag:s26], $0x2800  }
0x31: {  	[sflag:s26] =	ssyncset.done $0x0  }
0x32: {  	s31 =	simm.s32 $0xA0;
	[sflag:s26] =	ssyncadd.s32 $0xFFFFD800  }
0x33: {  	[tilespmem:s24], [sflag:$0x1] =	stream.indirect.gather [hbm4b:s4+s23], $0x80, s31, s23, $0xb8;
	[tilespmem:$0x1F000] =	vst v63  }
0x34: {  	_ =	swait.ge [sflag:s22], $0x2800  }
0x35: {  	[sflag:s22] =	ssyncset.done $0x0  }
0x36: {  	s31 =	simm.s32 $0x2800;
	[sflag:s22] =	ssyncadd.s32 $0xFFFFD800  }
0x37: {  	[spmem:s2] =	stream.indirect.scatter.add.f32 [tilespmem:s25], [sflag:$0x4], $0x80, s31, s23, $0xb8;
	[tilespmem:$0x1F000] =	vst v63  }
0x38: {  	_ =	swait.ge [sflag:s30], $0x2800  }
0x39: {  	[sflag:s30] =	ssyncset.done $0x0  }
0x3a: {  	s31 =	simm.s32 $0xF0;
	[sflag:s30] =	ssyncadd.s32 $0xFFFFD800  }
0x3b: {  	[tilespmem:s25], [sflag:$0x2] =	stream.indirect.gather [hbm4b:s4+s23], $0x80, s31, s23, $0xb8;
	[tilespmem:$0x1F000] =	vst v63  }
0x3c: {  	_ =	swait.ge [sflag:s21], $0x2800  }
0x3d: {  	[sflag:s21] =	ssyncset.done $0x0  }
0x3e: {  	s31 =	simm.s32 $0x2880;
	[sflag:s21] =	ssyncadd.s32 $0xFFFFD800  }
0x3f: {  	[spmem:s2] =	stream.indirect.scatter.add.f32 [tilespmem:s24], [sflag:$0x3], $0x80, s31, s23, $0xb8;
	[tilespmem:$0x1F000] =	vst v63  }
0x40: {  	_ =	swait.ge [sflag:s26], $0x2800  }
0x41: {  	[sflag:s26] =	ssyncset.done $0x0  }
0x42: {  	s31 =	simm.s32 $0x140;
	[sflag:s26] =	ssyncadd.s32 $0xFFFFD800  }
0x43: {  	[tilespmem:s24], [sflag:$0x1] =	stream.indirect.gather [hbm4b:s4+s23], $0x80, s31, s23, $0xb8;
	[tilespmem:$0x1F000] =	vst v63  }
0x44: {  	_ =	swait.ge [sflag:s22], $0x2800  }
0x45: {  	s29 =	simm.s32 $0x2900;
	[sflag:s22] =	ssyncset.done $0x0  }
0x46: {  	s28 =	simm.s32 $0x190;
	s16 =	simm.s32 $0xFFFF1000;
	[sflag:s22] =	ssyncadd.s32 $0xFFFFD800  }
.LBB2_2:
0x47: {  	[spmem:s2] =	stream.indirect.scatter.add.f32 [tilespmem:s25], [sflag:$0x4], $0x80, s29, s23, $0xb8;
	[tilespmem:$0x1F000] =	vst v63  }
0x48: {  	s29 =	smov.u32 s16  }
0x49: {  	p5 =	sne.s32 s16, $0xFFFFFC00;
	s16 =	sadd.s32 $0x400, s16;
	_ =	swait.ge [sflag:s30], $0x2800  }
0x4a: {  	[sflag:s30] =	ssyncset.done $0x0  }
0x4b: {  	[sflag:s30] =	ssyncadd.s32 $0xFFFFD800  }
0x4c: {  	[tilespmem:s25], [sflag:$0x2] =	stream.indirect.gather [hbm4b:s4+s23], $0x80, s28, s23, $0xb8;
	[tilespmem:$0x1F000] =	vst v63  }
0x4d: {  	_ =	swait.ge [sflag:s21], $0x2800  }
0x4e: {  	s29 =	sshra.s32 s29, $0x2;
	[sflag:s21] =	ssyncset.done $0x0  }
0x4f: {  	s31 =	sadd.s32 $0x6580, s29;
	[sflag:s21] =	ssyncadd.s32 $0xFFFFD800  }
0x50: {  	[spmem:s2] =	stream.indirect.scatter.add.f32 [tilespmem:s24], [sflag:$0x3], $0x80, s31, s23, $0xb8;
	[tilespmem:$0x1F000] =	vst v63  }
0x51: {  	_ =	swait.ge [sflag:s26], $0x2800  }
0x52: {  	[sflag:s26] =	ssyncset.done $0x0  }
.Ltmp0:
0x53: {  	s31 =	sadd.s32 $0x50, s28;
	[sflag:s26] =	ssyncadd.s32 $0xFFFFD800;
	(pc) =	sbr.rel @p5 .LBB2_2-.Ltmp0, $4  }
0x54: {  	[tilespmem:s24], [sflag:$0x1] =	stream.indirect.gather [hbm4b:s4+s23], $0x80, s31, s23, $0xb8;
	[tilespmem:$0x1F000] =	vst v63  }
0x55: {  	_ =	swait.ge [sflag:s22], $0x2800  }
0x56: {  	[sflag:s22] =	ssyncset.done $0x0  }
0x57: {  	s29 =	sadd.s32 $0x6600, s29;
	s28 =	sadd.s32 $0xA0, s28;
	[sflag:s22] =	ssyncadd.s32 $0xFFFFD800  }
0x58: {  	[spmem:s2] =	stream.indirect.scatter.add.f32 [tilespmem:s25], [sflag:$0x4], $0x80, s29, s23, $0xb8;
	[tilespmem:$0x1F000] =	vst v63  }
0x59: {  	_ =	swait.ge [sflag:s30], $0x2800  }
0x5a: {  	[sflag:s30] =	ssyncset.done $0x0  }
0x5b: {  	[sflag:s30] =	ssyncadd.s32 $0xFFFFD800  }
0x5c: {  	_ =	swait.ge [sflag:s21], $0x2800  }
0x5d: {  	[sflag:s21] =	ssyncset.done $0x0  }
0x5e: {  	s16 =	simm.s32 $0x6580;
	[sflag:s21] =	ssyncadd.s32 $0xFFFFD800  }
0x5f: {  	[spmem:s2] =	stream.indirect.scatter.add.f32 [tilespmem:s24], [sflag:$0x5], $0x80, s16, s23, $0xb8;
	[tilespmem:$0x1F000] =	vst v63  }
0x60: {  	_ =	swait.ge [sflag:s1], $0x2800  }
0x61: {  	[sflag:s1] =	ssyncset.done $0x0  }
0x62: {  	[sflag:s1] =	ssyncadd.s32 $0xFFFFD800  }
0x63: {  	s28 =	simm.s32 @!p1 $0x1FC5;
	s16 =	sshrl.u32 @!p1 s9, $0x3;
	[bflag:$0x0] =	sbarrier.arrive $0xFFFF  }
0x64: {  	[hbm:s13], [sflag:s28] =	dma.local @!p1 [spmem:s16], $0x2800  }
0x65: {  	s16 =	simm.s32 @!p1 $0x5  }
0x66: {  	_ =	swait.ge @!p1 [sflag:s16], $0x2800  }
0x67: {  	s28 =	sshll.u32 @!p2 s0, $0x6;
	[sflag:s16] =	ssyncset.done @!p1 $0x0  }
0x68: {  	[sflag:s16] =	ssyncadd.s32 @!p1 $0xFFFFD800;
	s16 =	sor.u32 @!p2 $0x1C05, s28;
	s28 =	sshrl.u32 @!p2 s8, $0x3  }
0x69: {  	[hbm:s12], [sflag:s16] =	dma.local @!p2 [spmem:s28], $0x2700  }
0x6a: {  	s16 =	simm.s32 @!p2 $0x5  }
0x6b: {  	_ =	swait.ge @!p2 [sflag:s16], $0x2700  }
0x6c: {  	[sflag:s16] =	ssyncset.done @!p2 $0x0  }
0x6d: {  	s28 =	simm.s32 @!p3 $0x1FC5;
	[sflag:s16] =	ssyncadd.s32 @!p2 $0xFFFFD900;
	s16 =	sshrl.u32 @!p3 s9, $0x3  }
0x6e: {  	[hbm:s11], [sflag:s28] =	dma.local @!p3 [spmem:s16], $0x2800  }
0x6f: {  	s16 =	simm.s32 @!p3 $0x5  }
0x70: {  	s15 =	sadd.s32 $0x1, s15;
	_ =	swait.ge @!p3 [sflag:s16], $0x2800  }
0x71: {  	p5 =	sne.s32 s15, s14;
	s28 =	sshll.u32 @!p4 s0, $0x6;
	[sflag:s16] =	ssyncset.done @!p3 $0x0  }
0x72: {  	[sflag:s16] =	ssyncadd.s32 @!p3 $0xFFFFD800;
	s16 =	sor.u32 @!p4 $0x1C05, s28;
	s28 =	sshrl.u32 @!p4 s8, $0x3  }
0x73: {  	[hbm:s10], [sflag:s16] =	dma.local @!p4 [spmem:s28], $0x2700  }
.Ltmp1:
0x74: {  	_ = 	snop;
	(pc) =	sbr.rel @p5 .LBB2_1-.Ltmp1, $4  }
0x75: {  	s16 =	simm.s32 @!p4 $0x5  }
0x76: {  	_ =	swait.ge @!p4 [sflag:s16], $0x2700  }
0x77: {  	[sflag:s16] =	ssyncset.done @!p4 $0x0  }
0x78: {  	[sflag:s16] =	ssyncadd.s32 @!p4 $0xFFFFD900  }
0x79: {  	_ =	sfence.sel $0x180000  }
0x7a: {  	[bflag:$0x0] =	sbarrier.arrive $0xFFFF  }
0x7b: {  	_ =	strace $0x90000053  }
0x7c: {  	[bflag:$0x2] =	sbarrier.arrive $0xFFFF  }
0x7d: {  	p0 =	sne.s32 s0, $0x0;
	s0 =	rddreg [dreg:$0x2]  }
0x7e: {  	s0 =	sadd.s32 @!p0 $0x100000, s0  }
0x7f: {  	[sflag:s0] =	ssyncadd.tile.s32 @!p0 $0x1;
	_ =	shalt  }
.Lfunc_end2:
_tile_overlayer_lowered:
.L_overlay_start_2:
0x80: {  	(tag) =	ssettag $0x2  }
0x81: {  	s0 =	rddreg [dreg:$0x0];
	s2 =	stileid.u32  }
0x82: {  	s1 =	rddreg [dreg:$0x1];
	p0 =	sne.s32 s2, $0x0  }
0x83: {  	s3 =	rddreg [dreg:$0x2];
	[bflag:$0x3] =	sbarrier.arrive $0xFFFF;
	s2 =	simm.s32 @!p0 $0x1C05  }
0x84: {  	[timem:s3], [sflag:s2] =	dma.local @!p0 [hbm:s0], s1  }
0x85: {  	s0 =	simm.s32 @!p0 $0x5  }
0x86: {  	_ =	swait.ge @!p0 [sflag:s0], s1  }
0x87: {  	s1 =	ssub.s32 @!p0 $0x0, s1;
	[sflag:s0] =	ssyncset.done @!p0 $0x0  }
0x88: {  	[sflag:s0] =	ssyncadd.s32 @!p0 s1  }
0x89: {  	[bflag:$0x3] =	sbarrier.arrive $0xFFFF  }
0x8a: {  	_ =	shalt  }

</sc_bundles>
